<compile_context>
chip_gen: v7x
topology: tpu7x:2x2x1
jax: 0.10.2.dev20260603
libtpu: 0.0.44.dev20260713+nightly
codegen_flags: <defaults>
</compile_context>

<pallas_src>
import jax
import jax.numpy as jnp
from jax import lax
from jax.experimental import pallas as pl
from jax.experimental.pallas import tpu as pltpu
from jax.experimental.pallas import tpu_sc as plsc

_N = 10000
_D = 128
_E = 320000
_NC = 2
_NS = 16
_C = 104
_EPT = _E // _NS
_NCH = _EPT // _C
_CT = _EPT - _NCH * _C
_RPT = 640
_NR = 3
_NI = 6
_K0 = 2
_NQ = (_NCH - _K0 + 1 + _NI - 1) // _NI


def _mm_body(xu_ref, wu_ref, xi_ref, wi_ref, eu_ref, ei_ref,
             yu_ref, yi_ref, z_ref, su_ref, du_ref, si_ref, di_ref):
    z_ref[...] = jnp.zeros_like(z_ref)
    su_ref[...] = eu_ref[0]
    du_ref[...] = eu_ref[1]
    si_ref[...] = ei_ref[0]
    di_ref[...] = ei_ref[1]
    yu_ref[...] = lax.dot_general(
        xu_ref[...], wu_ref[...], dimension_numbers=(((1,), (0,)), ((), ())),
        preferred_element_type=jnp.float32, precision=lax.Precision.DEFAULT)
    yi_ref[...] = lax.dot_general(
        xi_ref[...], wi_ref[...], dimension_numbers=(((1,), (0,)), ((), ())),
        preferred_element_type=jnp.float32, precision=lax.Precision.DEFAULT)


def _tc_matmul(x_user, W_u2i, x_item, W_i2u, e_u2i, e_i2u):
    nb = 5
    blk = _N // nb
    eblk = 65536
    return pl.pallas_call(
        _mm_body,
        grid=(nb,),
        in_specs=[
            pl.BlockSpec((blk, _D), lambda b: (b, 0)),
            pl.BlockSpec((_D, _D), lambda b: (0, 0)),
            pl.BlockSpec((blk, _D), lambda b: (b, 0)),
            pl.BlockSpec((_D, _D), lambda b: (0, 0)),
            pl.BlockSpec((2, eblk), lambda b: (0, b)),
            pl.BlockSpec((2, eblk), lambda b: (0, b)),
        ],
        out_specs=[
            pl.BlockSpec((blk, _D), lambda b: (b, 0)),
            pl.BlockSpec((blk, _D), lambda b: (b, 0)),
            pl.BlockSpec((blk, _D), lambda b: (b, 0)),
            pl.BlockSpec((eblk,), lambda b: (b,)),
            pl.BlockSpec((eblk,), lambda b: (b,)),
            pl.BlockSpec((eblk,), lambda b: (b,)),
            pl.BlockSpec((eblk,), lambda b: (b,)),
        ],
        out_shape=[
            jax.ShapeDtypeStruct((_N, _D), jnp.float32),
            jax.ShapeDtypeStruct((_N, _D), jnp.float32),
            jax.ShapeDtypeStruct((_N, _D), jnp.float32),
            jax.ShapeDtypeStruct((_E,), jnp.int32),
            jax.ShapeDtypeStruct((_E,), jnp.int32),
            jax.ShapeDtypeStruct((_E,), jnp.int32),
            jax.ShapeDtypeStruct((_E,), jnp.int32),
        ],
    )(x_user, W_u2i, x_item, W_i2u, e_u2i, e_i2u)


def _sc_body(y_u, y_i, s_u2i, d_u2i, s_i2u, d_i2u, zero_ref,
             out_item, out_user,
             sidx, didx, rows, tsidx, tdidx, trows, agg,
             sem_i, sem_g, sem_s, sem_t):
    c = lax.axis_index("c")
    s = lax.axis_index("s")
    rb = s * _RPT
    ebase = s * _EPT

    def run_rel(y_ref, src_ref, dst_ref, out_ref):
        def load_idx(k, b):
            eb = ebase + k * _C
            pltpu.async_copy(src_ref.at[pl.ds(eb, _C)], sidx[b], sem_i[b])
            pltpu.async_copy(dst_ref.at[pl.ds(eb, _C)], didx[b], sem_i[b])

        def wait_idx(b):
            pltpu.make_async_copy(
                src_ref.at[pl.ds(0, _C)], sidx[b], sem_i[b]).wait()
            pltpu.make_async_copy(
                dst_ref.at[pl.ds(0, _C)], didx[b], sem_i[b]).wait()

        def start_gather(b, g):
            pltpu.async_copy(y_ref.at[sidx[b]], rows[g], sem_g[g])

        def wait_gather(g):
            pltpu.make_async_copy(y_ref.at[sidx[0]], rows[g], sem_g[g]).wait()

        def start_scatter(g, b):
            pltpu.async_copy(rows[g], agg.at[didx[b]], sem_s[g], add=True)

        def wait_scatter(g, b):
            pltpu.make_async_copy(rows[g], agg.at[didx[b]], sem_s[g]).wait()

        for b in range(_NI):
            load_idx(b, b)
        @pl.when(s < _NS - 1)
        def _():
            pltpu.sync_copy(zero_ref.at[pl.ds(rb, _RPT)],
                            agg.at[pl.ds(rb, _RPT)])

        @pl.when(s == _NS - 1)
        def _():
            pltpu.sync_copy(zero_ref.at[pl.ds((_NS - 1) * _RPT, _N - (_NS - 1) * _RPT)],
                            agg.at[pl.ds((_NS - 1) * _RPT, _N - (_NS - 1) * _RPT)])

        plsc.subcore_barrier()
        wait_idx(0)
        start_gather(0, 0)
        wait_idx(1)
        start_gather(1, 1)
        wait_gather(0)
        start_scatter(0, 0)
        wait_idx(2)
        start_gather(2, 2)
        wait_gather(1)
        start_scatter(1, 1)
        wait_scatter(0, 0)
        load_idx(_NI, 0)
        wait_idx(3)
        start_gather(3, 0)

        def hexet(j, carry):
            for u in range(_NI):
                k = _K0 + _NI * j + u
                r = (_K0 + u) % _NR
                b = (_K0 + u) % _NI

                def guard(bound, fn):
                    th = (bound - _K0 - u) // _NI
                    if th >= _NQ - 1:
                        fn()
                    elif th >= 0:
                        pl.when(j <= th)(fn)

                guard(_NCH - 1, lambda: wait_gather(r))
                guard(_NCH - 1, lambda: start_scatter(r, b))
                guard(_NCH,
                      lambda: wait_scatter((r + 2) % _NR, (b + 5) % _NI))
                guard(_NCH - _NI,
                      lambda: load_idx(k + _NI - 1, (b + 5) % _NI))
                guard(_NCH - 3, lambda: wait_idx((b + 2) % _NI))
                guard(_NCH - 3,
                      lambda: start_gather((b + 2) % _NI, (r + 2) % _NR))

            return carry

        lax.fori_loop(0, _NQ, hexet, 0)

        et = ebase + _NCH * _C
        pltpu.async_copy(src_ref.at[pl.ds(et, _CT)], tsidx, sem_t)
        pltpu.async_copy(dst_ref.at[pl.ds(et, _CT)], tdidx, sem_t)
        pltpu.make_async_copy(src_ref.at[pl.ds(0, _CT)], tsidx, sem_t).wait()
        pltpu.make_async_copy(dst_ref.at[pl.ds(0, _CT)], tdidx, sem_t).wait()
        pltpu.async_copy(y_ref.at[tsidx], trows, sem_t).wait()
        pltpu.sync_copy(trows, agg.at[tdidx], add=True)

        plsc.subcore_barrier()
        @pl.when(s < _NS - 1)
        def _():
            pltpu.sync_copy(agg.at[pl.ds(rb, _RPT)],
                            out_ref.at[pl.ds(rb, _RPT)])

        @pl.when(s == _NS - 1)
        def _():
            pltpu.sync_copy(agg.at[pl.ds((_NS - 1) * _RPT, _N - (_NS - 1) * _RPT)],
                            out_ref.at[pl.ds((_NS - 1) * _RPT, _N - (_NS - 1) * _RPT)])

    @pl.when(c == 0)
    def _():
        run_rel(y_u, s_u2i, d_u2i, out_item)

    @pl.when(c == 1)
    def _():
        run_rel(y_i, s_i2u, d_i2u, out_user)


_sc_scatter = pl.kernel(
    _sc_body,
    out_type=(
        jax.ShapeDtypeStruct((_N, _D), jnp.float32),
        jax.ShapeDtypeStruct((_N, _D), jnp.float32),
    ),
    mesh=plsc.VectorSubcoreMesh(core_axis_name="c", subcore_axis_name="s",
                                num_cores=_NC, num_subcores=_NS),
    scratch_types=[
        [pltpu.VMEM((_C,), jnp.int32) for _ in range(_NI)],
        [pltpu.VMEM((_C,), jnp.int32) for _ in range(_NI)],
        [pltpu.VMEM((_C, _D), jnp.float32) for _ in range(_NR)],
        pltpu.VMEM((_CT,), jnp.int32),
        pltpu.VMEM((_CT,), jnp.int32),
        pltpu.VMEM((_CT, _D), jnp.float32),
        pltpu.VMEM_SHARED((_N, _D), jnp.float32),
        [pltpu.SemaphoreType.DMA for _ in range(_NI)],
        [pltpu.SemaphoreType.DMA for _ in range(_NR)],
        [pltpu.SemaphoreType.DMA for _ in range(_NR)],
        pltpu.SemaphoreType.DMA,
    ],
)


def kernel(x_user, x_item, edge_index_u2i, edge_index_i2u, W_u2i, W_i2u):
    y_user, y_item, zeros, su, du, si, di = _tc_matmul(
        x_user, W_u2i, x_item, W_i2u, edge_index_u2i, edge_index_i2u)
    out_item, out_user = _sc_scatter(
        y_user, y_item, su, du, si, di, zeros)
    return (out_user, out_item)

# --- scband reference (transcript-rebuilt; emitter-appended) ---
"""Pipeline reference for scband-my-hetero-conv-8332236554745 (READ-ONLY COPY).

The authoritative reference and input builder live on the scoring server;
editing this copy changes nothing except your own understanding.
"""

import jax, jax.numpy as jnp
import numpy as np

N_USER = 10000
N_ITEM = 10000
D = 128
E = 320000


def setup_inputs(seed: int = 0) -> dict:
    key = jax.random.key(seed)
    k1, k2, k3, k4, k5, k6 = jax.random.split(key, 6)
    x_user = jax.random.normal(k1, (N_USER, D), dtype=jnp.float32)
    x_item = jax.random.normal(k2, (N_ITEM, D), dtype=jnp.float32)
    edge_index_u2i = jax.random.randint(k3, (2, E), 0, N_USER, dtype=jnp.int32)
    edge_index_i2u = jax.random.randint(k4, (2, E), 0, N_ITEM, dtype=jnp.int32)
    # learned parameters of the per-relation convs (SAGE-style: W on aggregated neighbors)
    W_u2i = jax.random.normal(k5, (D, D), dtype=jnp.float32) * (1.0 / np.sqrt(D))
    W_i2u = jax.random.normal(k6, (D, D), dtype=jnp.float32) * (1.0 / np.sqrt(D))
    return {
        "x_user": x_user,
        "x_item": x_item,
        "edge_index_u2i": edge_index_u2i,
        "edge_index_i2u": edge_index_i2u,
        "W_u2i": W_u2i,
        "W_i2u": W_i2u,
    }


def reference(x_user, x_item, edge_index_u2i, edge_index_i2u, W_u2i, W_i2u):
    # HeteroConv forward: iterate over edge types, run the per-relation conv
    # (gather source features -> scatter-sum to dst -> linear), then group per
    # dst node type with aggr='sum'. Each conv's vo == [out_channels], so the
    # trailing _split is the identity (single chunk).
    #
    # relation ('user', 'rates', 'item'): bipartite conv on (x_user, x_item)
    msg_u2i = jnp.take(x_user, edge_index_u2i[0], axis=0)            # gather src
    agg_item = jax.ops.segment_sum(msg_u2i, edge_index_u2i[1], num_segments=N_ITEM)  # scatter-add to dst
    out_item = agg_item @ W_u2i
    #
    # relation ('item', 'rev_rates', 'user'): bipartite conv on (x_item, x_user)
    msg_i2u = jnp.take(x_item, edge_index_i2u[0], axis=0)
    agg_user = jax.ops.segment_sum(msg_i2u, edge_index_i2u[1], num_segments=N_USER)
    out_user = agg_user @ W_i2u
    #
    # group(..., 'sum'): each dst type receives exactly one relation output here,
    # so the sum over the relation list is the tensor itself. out_dict_edge is
    # empty (convs return plain tensors), forward returns (out_dict, {}).
    return (out_user, out_item)

if __name__ == "__main__":
    import jax
    _d = setup_inputs()
    print(jax.jit(kernel)(*tuple(_d.values())))

</pallas_src>

<mosaic_0001>
#map = affine_map<(d0, d1) -> (0, 0)>
#map1 = affine_map<(d0, d1) -> (0)>
module attributes {stable_mosaic.version = 14 : i64} {
  func.func @_sc_body(%arg0: i32, %arg1: i32, %arg2: memref<10000x128xf32, #tpu.memory_space<hbm>>, %arg3: memref<10000x128xf32, #tpu.memory_space<hbm>>, %arg4: memref<320000xi32, #tpu.memory_space<hbm>>, %arg5: memref<320000xi32, #tpu.memory_space<hbm>>, %arg6: memref<320000xi32, #tpu.memory_space<hbm>>, %arg7: memref<320000xi32, #tpu.memory_space<hbm>>, %arg8: memref<10000x128xf32, #tpu.memory_space<hbm>>, %arg9: memref<10000x128xf32, #tpu.memory_space<hbm>>, %arg10: memref<10000x128xf32, #tpu.memory_space<hbm>>, %arg11: memref<104xi32, #tpu.memory_space<vmem>>, %arg12: memref<104xi32, #tpu.memory_space<vmem>>, %arg13: memref<104xi32, #tpu.memory_space<vmem>>, %arg14: memref<104xi32, #tpu.memory_space<vmem>>, %arg15: memref<104xi32, #tpu.memory_space<vmem>>, %arg16: memref<104xi32, #tpu.memory_space<vmem>>, %arg17: memref<104xi32, #tpu.memory_space<vmem>>, %arg18: memref<104xi32, #tpu.memory_space<vmem>>, %arg19: memref<104xi32, #tpu.memory_space<vmem>>, %arg20: memref<104xi32, #tpu.memory_space<vmem>>, %arg21: memref<104xi32, #tpu.memory_space<vmem>>, %arg22: memref<104xi32, #tpu.memory_space<vmem>>, %arg23: memref<104x128xf32, #tpu.memory_space<vmem>>, %arg24: memref<104x128xf32, #tpu.memory_space<vmem>>, %arg25: memref<104x128xf32, #tpu.memory_space<vmem>>, %arg26: memref<32xi32, #tpu.memory_space<vmem>>, %arg27: memref<32xi32, #tpu.memory_space<vmem>>, %arg28: memref<32x128xf32, #tpu.memory_space<vmem>>, %arg29: memref<10000x128xf32, #tpu.memory_space<vmem_shared>>, %arg30: memref<!tpu.dma_semaphore, #tpu.memory_space<semaphore_mem>>, %arg31: memref<!tpu.dma_semaphore, #tpu.memory_space<semaphore_mem>>, %arg32: memref<!tpu.dma_semaphore, #tpu.memory_space<semaphore_mem>>, %arg33: memref<!tpu.dma_semaphore, #tpu.memory_space<semaphore_mem>>, %arg34: memref<!tpu.dma_semaphore, #tpu.memory_space<semaphore_mem>>, %arg35: memref<!tpu.dma_semaphore, #tpu.memory_space<semaphore_mem>>, %arg36: memref<!tpu.dma_semaphore, #tpu.memory_space<semaphore_mem>>, %arg37: memref<!tpu.dma_semaphore, #tpu.memory_space<semaphore_mem>>, %arg38: memref<!tpu.dma_semaphore, #tpu.memory_space<semaphore_mem>>, %arg39: memref<!tpu.dma_semaphore, #tpu.memory_space<semaphore_mem>>, %arg40: memref<!tpu.dma_semaphore, #tpu.memory_space<semaphore_mem>>, %arg41: memref<!tpu.dma_semaphore, #tpu.memory_space<semaphore_mem>>, %arg42: memref<!tpu.dma_semaphore, #tpu.memory_space<semaphore_mem>>) attributes {dimension_semantics = [#tpu.dimension_semantics<core_parallel>, #tpu.dimension_semantics<subcore_parallel>], iteration_bounds = array<i64: 2, 16>, scalar_prefetch = 0 : i64, scratch_operands = 32 : i64, tpu.core_type = #tpu.core_type<sc_vector_subcore>, window_params = [{transform_indices = #map}, {transform_indices = #map}, {transform_indices = #map1}, {transform_indices = #map1}, {transform_indices = #map1}, {transform_indices = #map1}, {transform_indices = #map}, {transform_indices = #map}, {transform_indices = #map}]} {
    %mul3A = arith.constant 640 : i32
    %mul3A_0 = arith.muli %arg1, %mul3A : i32
    %mul3A_1 = arith.constant 20000 : i32
    %mul3A_2 = arith.muli %arg1, %mul3A_1 : i32
    %eq3A = arith.constant 0 : i32
    %eq3A_3 = arith.cmpi eq, %arg0, %eq3A : i32
    %convert_element_type3A = arith.extui %eq3A_3 : i1 to i32
    %cond3A = arith.constant 0 : i32
    %cond3A_4 = arith.cmpi ne, %convert_element_type3A, %cond3A : i32
    scf.if %cond3A_4 {
      %add3A = arith.constant 0 : i32
      %add3A_10 = arith.addi %mul3A_2, %add3A : i32
      %dma_start3A = tpu.memref_slice %arg4[%add3A_10] : memref<320000xi32, #tpu.memory_space<hbm>> -> memref<104xi32, #tpu.memory_space<hbm>>
      %dma_start3A_11 = tpu.memref_slice %arg4[%add3A_10] : memref<320000xi32, #tpu.memory_space<hbm>> -> memref<104xi32, #tpu.memory_space<hbm>>
      tpu.enqueue_dma source(%dma_start3A_11 : memref<104xi32, #tpu.memory_space<hbm>>) target(%arg11 : memref<104xi32, #tpu.memory_space<vmem>>) target_semaphore(%arg30 : memref<!tpu.dma_semaphore, #tpu.memory_space<semaphore_mem>>)
      %dma_start3A_12 = tpu.memref_slice %arg5[%add3A_10] : memref<320000xi32, #tpu.memory_space<hbm>> -> memref<104xi32, #tpu.memory_space<hbm>>
      %dma_start3A_13 = tpu.memref_slice %arg5[%add3A_10] : memref<320000xi32, #tpu.memory_space<hbm>> -> memref<104xi32, #tpu.memory_space<hbm>>
      tpu.enqueue_dma source(%dma_start3A_13 : memref<104xi32, #tpu.memory_space<hbm>>) target(%arg17 : memref<104xi32, #tpu.memory_space<vmem>>) target_semaphore(%arg30 : memref<!tpu.dma_semaphore, #tpu.memory_space<semaphore_mem>>)
      %add3A_14 = arith.constant 104 : i32
      %add3A_15 = arith.addi %mul3A_2, %add3A_14 : i32
      %dma_start3A_16 = tpu.memref_slice %arg4[%add3A_15] : memref<320000xi32, #tpu.memory_space<hbm>> -> memref<104xi32, #tpu.memory_space<hbm>>
      %dma_start3A_17 = tpu.memref_slice %arg4[%add3A_15] : memref<320000xi32, #tpu.memory_space<hbm>> -> memref<104xi32, #tpu.memory_space<hbm>>
      tpu.enqueue_dma source(%dma_start3A_17 : memref<104xi32, #tpu.memory_space<hbm>>) target(%arg12 : memref<104xi32, #tpu.memory_space<vmem>>) target_semaphore(%arg31 : memref<!tpu.dma_semaphore, #tpu.memory_space<semaphore_mem>>)
      %dma_start3A_18 = tpu.memref_slice %arg5[%add3A_15] : memref<320000xi32, #tpu.memory_space<hbm>> -> memref<104xi32, #tpu.memory_space<hbm>>
      %dma_start3A_19 = tpu.memref_slice %arg5[%add3A_15] : memref<320000xi32, #tpu.memory_space<hbm>> -> memref<104xi32, #tpu.memory_space<hbm>>
      tpu.enqueue_dma source(%dma_start3A_19 : memref<104xi32, #tpu.memory_space<hbm>>) target(%arg18 : memref<104xi32, #tpu.memory_space<vmem>>) target_semaphore(%arg31 : memref<!tpu.dma_semaphore, #tpu.memory_space<semaphore_mem>>)
      %add3A_20 = arith.constant 208 : i32
      %add3A_21 = arith.addi %mul3A_2, %add3A_20 : i32
      %dma_start3A_22 = tpu.memref_slice %arg4[%add3A_21] : memref<320000xi32, #tpu.memory_space<hbm>> -> memref<104xi32, #tpu.memory_space<hbm>>
      %dma_start3A_23 = tpu.memref_slice %arg4[%add3A_21] : memref<320000xi32, #tpu.memory_space<hbm>> -> memref<104xi32, #tpu.memory_space<hbm>>
      tpu.enqueue_dma source(%dma_start3A_23 : memref<104xi32, #tpu.memory_space<hbm>>) target(%arg13 : memref<104xi32, #tpu.memory_space<vmem>>) target_semaphore(%arg32 : memref<!tpu.dma_semaphore, #tpu.memory_space<semaphore_mem>>)
      %dma_start3A_24 = tpu.memref_slice %arg5[%add3A_21] : memref<320000xi32, #tpu.memory_space<hbm>> -> memref<104xi32, #tpu.memory_space<hbm>>
      %dma_start3A_25 = tpu.memref_slice %arg5[%add3A_21] : memref<320000xi32, #tpu.memory_space<hbm>> -> memref<104xi32, #tpu.memory_space<hbm>>
      tpu.enqueue_dma source(%dma_start3A_25 : memref<104xi32, #tpu.memory_space<hbm>>) target(%arg19 : memref<104xi32, #tpu.memory_space<vmem>>) target_semaphore(%arg32 : memref<!tpu.dma_semaphore, #tpu.memory_space<semaphore_mem>>)
      %add3A_26 = arith.constant 312 : i32
      %add3A_27 = arith.addi %mul3A_2, %add3A_26 : i32
      %dma_start3A_28 = tpu.memref_slice %arg4[%add3A_27] : memref<320000xi32, #tpu.memory_space<hbm>> -> memref<104xi32, #tpu.memory_space<hbm>>
      %dma_start3A_29 = tpu.memref_slice %arg4[%add3A_27] : memref<320000xi32, #tpu.memory_space<hbm>> -> memref<104xi32, #tpu.memory_space<hbm>>
      tpu.enqueue_dma source(%dma_start3A_29 : memref<104xi32, #tpu.memory_space<hbm>>) target(%arg14 : memref<104xi32, #tpu.memory_space<vmem>>) target_semaphore(%arg33 : memref<!tpu.dma_semaphore, #tpu.memory_space<semaphore_mem>>)
      %dma_start3A_30 = tpu.memref_slice %arg5[%add3A_27] : memref<320000xi32, #tpu.memory_space<hbm>> -> memref<104xi32, #tpu.memory_space<hbm>>
      %dma_start3A_31 = tpu.memref_slice %arg5[%add3A_27] : memref<320000xi32, #tpu.memory_space<hbm>> -> memref<104xi32, #tpu.memory_space<hbm>>
      tpu.enqueue_dma source(%dma_start3A_31 : memref<104xi32, #tpu.memory_space<hbm>>) target(%arg20 : memref<104xi32, #tpu.memory_space<vmem>>) target_semaphore(%arg33 : memref<!tpu.dma_semaphore, #tpu.memory_space<semaphore_mem>>)
      %add3A_32 = arith.constant 416 : i32
      %add3A_33 = arith.addi %mul3A_2, %add3A_32 : i32
      %dma_start3A_34 = tpu.memref_slice %arg4[%add3A_33] : memref<320000xi32, #tpu.memory_space<hbm>> -> memref<104xi32, #tpu.memory_space<hbm>>
      %dma_start3A_35 = tpu.memref_slice %arg4[%add3A_33] : memref<320000xi32, #tpu.memory_space<hbm>> -> memref<104xi32, #tpu.memory_space<hbm>>
      tpu.enqueue_dma source(%dma_start3A_35 : memref<104xi32, #tpu.memory_space<hbm>>) target(%arg15 : memref<104xi32, #tpu.memory_space<vmem>>) target_semaphore(%arg34 : memref<!tpu.dma_semaphore, #tpu.memory_space<semaphore_mem>>)
      %dma_start3A_36 = tpu.memref_slice %arg5[%add3A_33] : memref<320000xi32, #tpu.memory_space<hbm>> -> memref<104xi32, #tpu.memory_space<hbm>>
      %dma_start3A_37 = tpu.memref_slice %arg5[%add3A_33] : memref<320000xi32, #tpu.memory_space<hbm>> -> memref<104xi32, #tpu.memory_space<hbm>>
      tpu.enqueue_dma source(%dma_start3A_37 : memref<104xi32, #tpu.memory_space<hbm>>) target(%arg21 : memref<104xi32, #tpu.memory_space<vmem>>) target_semaphore(%arg34 : memref<!tpu.dma_semaphore, #tpu.memory_space<semaphore_mem>>)
      %add3A_38 = arith.constant 520 : i32
      %add3A_39 = arith.addi %mul3A_2, %add3A_38 : i32
      %dma_start3A_40 = tpu.memref_slice %arg4[%add3A_39] : memref<320000xi32, #tpu.memory_space<hbm>> -> memref<104xi32, #tpu.memory_space<hbm>>
      %dma_start3A_41 = tpu.memref_slice %arg4[%add3A_39] : memref<320000xi32, #tpu.memory_space<hbm>> -> memref<104xi32, #tpu.memory_space<hbm>>
      tpu.enqueue_dma source(%dma_start3A_41 : memref<104xi32, #tpu.memory_space<hbm>>) target(%arg16 : memref<104xi32, #tpu.memory_space<vmem>>) target_semaphore(%arg35 : memref<!tpu.dma_semaphore, #tpu.memory_space<semaphore_mem>>)
      %dma_start3A_42 = tpu.memref_slice %arg5[%add3A_39] : memref<320000xi32, #tpu.memory_space<hbm>> -> memref<104xi32, #tpu.memory_space<hbm>>
      %dma_start3A_43 = tpu.memref_slice %arg5[%add3A_39] : memref<320000xi32, #tpu.memory_space<hbm>> -> memref<104xi32, #tpu.memory_space<hbm>>
      tpu.enqueue_dma source(%dma_start3A_43 : memref<104xi32, #tpu.memory_space<hbm>>) target(%arg22 : memref<104xi32, #tpu.memory_space<vmem>>) target_semaphore(%arg35 : memref<!tpu.dma_semaphore, #tpu.memory_space<semaphore_mem>>)
      %lt3A = arith.constant 15 : i32
      %lt3A_44 = arith.cmpi slt, %arg1, %lt3A : i32
      %convert_element_type3A_45 = arith.extui %lt3A_44 : i1 to i32
      %cond3A_46 = arith.constant 0 : i32
      %cond3A_47 = arith.cmpi ne, %convert_element_type3A_45, %cond3A_46 : i32
      scf.if %cond3A_47 {
        "tpu.region"() ({
          %run_scoped3A = tpu.sem_alloc : memref<!tpu.dma_semaphore, #tpu.memory_space<semaphore_mem>>
          %dma_start3A_153 = arith.constant 0 : i32
          %dma_start3A_154 = tpu.memref_slice %arg29[%mul3A_0, %dma_start3A_153] : memref<10000x128xf32, #tpu.memory_space<vmem_shared>> -> memref<640x128xf32, #tpu.memory_space<vmem_shared>>
          %dma_start3A_155 = arith.constant 0 : i32
          %dma_start3A_156 = tpu.memref_slice %arg8[%mul3A_0, %dma_start3A_155] : memref<10000x128xf32, #tpu.memory_space<hbm>> -> memref<640x128xf32, #tpu.memory_space<hbm>>
          tpu.enqueue_dma source(%dma_start3A_156 : memref<640x128xf32, #tpu.memory_space<hbm>>) target(%dma_start3A_154 : memref<640x128xf32, #tpu.memory_space<vmem_shared>>) target_semaphore(%run_scoped3A : memref<!tpu.dma_semaphore, #tpu.memory_space<semaphore_mem>>)
          %dma_wait3A_157 = arith.constant 0 : i32
          %dma_wait3A_158 = tpu.memref_slice %arg29[%mul3A_0, %dma_wait3A_157] : memref<10000x128xf32, #tpu.memory_space<vmem_shared>> -> memref<640x128xf32, #tpu.memory_space<vmem_shared>>
          %dma_wait3A_159 = arith.constant 0 : i32
          %dma_wait3A_160 = tpu.memref_slice %arg8[%mul3A_0, %dma_wait3A_159] : memref<10000x128xf32, #tpu.memory_space<hbm>> -> memref<640x128xf32, #tpu.memory_space<hbm>>
          tpu.wait_dma2 semaphore(%run_scoped3A : memref<!tpu.dma_semaphore, #tpu.memory_space<semaphore_mem>>) src(%dma_wait3A_160 : memref<640x128xf32, #tpu.memory_space<hbm>>) dst(%dma_wait3A_158 : memref<640x128xf32, #tpu.memory_space<vmem_shared>>)
          tpu.yield
        }) : () -> ()
      } else {
      }
      %eq3A_48 = arith.constant 15 : i32
      %eq3A_49 = arith.cmpi eq, %arg1, %eq3A_48 : i32
      %convert_element_type3A_50 = arith.extui %eq3A_49 : i1 to i32
      %cond3A_51 = arith.constant 0 : i32
      %cond3A_52 = arith.cmpi ne, %convert_element_type3A_50, %cond3A_51 : i32
      scf.if %cond3A_52 {
        "tpu.region"() ({
          %run_scoped3A = tpu.sem_alloc : memref<!tpu.dma_semaphore, #tpu.memory_space<semaphore_mem>>
          %dma_start3A_153 = arith.constant 9600 : i32
          %dma_start3A_154 = arith.constant 0 : i32
          %dma_start3A_155 = tpu.memref_slice %arg29[%dma_start3A_153, %dma_start3A_154] : memref<10000x128xf32, #tpu.memory_space<vmem_shared>> -> memref<400x128xf32, #tpu.memory_space<vmem_shared>>
          %dma_start3A_156 = arith.constant 9600 : i32
          %dma_start3A_157 = arith.constant 0 : i32
          %dma_start3A_158 = tpu.memref_slice %arg8[%dma_start3A_156, %dma_start3A_157] : memref<10000x128xf32, #tpu.memory_space<hbm>> -> memref<400x128xf32, #tpu.memory_space<hbm>>
          tpu.enqueue_dma source(%dma_start3A_158 : memref<400x128xf32, #tpu.memory_space<hbm>>) target(%dma_start3A_155 : memref<400x128xf32, #tpu.memory_space<vmem_shared>>) target_semaphore(%run_scoped3A : memref<!tpu.dma_semaphore, #tpu.memory_space<semaphore_mem>>)
          %dma_wait3A_159 = arith.constant 9600 : i32
          %dma_wait3A_160 = arith.constant 0 : i32
          %dma_wait3A_161 = tpu.memref_slice %arg29[%dma_wait3A_159, %dma_wait3A_160] : memref<10000x128xf32, #tpu.memory_space<vmem_shared>> -> memref<400x128xf32, #tpu.memory_space<vmem_shared>>
          %dma_wait3A_162 = arith.constant 9600 : i32
          %dma_wait3A_163 = arith.constant 0 : i32
          %dma_wait3A_164 = tpu.memref_slice %arg8[%dma_wait3A_162, %dma_wait3A_163] : memref<10000x128xf32, #tpu.memory_space<hbm>> -> memref<400x128xf32, #tpu.memory_space<hbm>>
          tpu.wait_dma2 semaphore(%run_scoped3A : memref<!tpu.dma_semaphore, #tpu.memory_space<semaphore_mem>>) src(%dma_wait3A_164 : memref<400x128xf32, #tpu.memory_space<hbm>>) dst(%dma_wait3A_161 : memref<400x128xf32, #tpu.memory_space<vmem_shared>>)
          tpu.yield
        }) : () -> ()
      } else {
      }
      %barrier3A = arith.constant 0 : index
      tpu.barrier barrier_id(%barrier3A)
      %dma_wait3A = arith.constant 0 : i32
      %dma_wait3A_53 = tpu.memref_slice %arg4[%dma_wait3A] : memref<320000xi32, #tpu.memory_space<hbm>> -> memref<104xi32, #tpu.memory_space<hbm>>
      %dma_wait3A_54 = arith.constant 0 : i32
      %dma_wait3A_55 = tpu.memref_slice %arg4[%dma_wait3A_54] : memref<320000xi32, #tpu.memory_space<hbm>> -> memref<104xi32, #tpu.memory_space<hbm>>
      tpu.wait_dma2 semaphore(%arg30 : memref<!tpu.dma_semaphore, #tpu.memory_space<semaphore_mem>>) src(%dma_wait3A_55 : memref<104xi32, #tpu.memory_space<hbm>>) dst(%arg11 : memref<104xi32, #tpu.memory_space<vmem>>)
      %dma_wait3A_56 = arith.constant 0 : i32
      %dma_wait3A_57 = tpu.memref_slice %arg5[%dma_wait3A_56] : memref<320000xi32, #tpu.memory_space<hbm>> -> memref<104xi32, #tpu.memory_space<hbm>>
      %dma_wait3A_58 = arith.constant 0 : i32
      %dma_wait3A_59 = tpu.memref_slice %arg5[%dma_wait3A_58] : memref<320000xi32, #tpu.memory_space<hbm>> -> memref<104xi32, #tpu.memory_space<hbm>>
      tpu.wait_dma2 semaphore(%arg30 : memref<!tpu.dma_semaphore, #tpu.memory_space<semaphore_mem>>) src(%dma_wait3A_59 : memref<104xi32, #tpu.memory_space<hbm>>) dst(%arg17 : memref<104xi32, #tpu.memory_space<vmem>>)
      %dma_start3A_60 = arith.constant 0 : i32
      %dma_start3A_61 = arith.constant 0 : i32
      %dma_start3A_62 = tpu.memref_slice %arg2[%dma_start3A_60, %dma_start3A_61] : memref<10000x128xf32, #tpu.memory_space<hbm>> -> memref<10000x128xf32, #tpu.memory_space<hbm>>
      tpu.enqueue_indirect_dma source(%dma_start3A_62 : memref<10000x128xf32, #tpu.memory_space<hbm>>) target(%arg23 : memref<104x128xf32, #tpu.memory_space<vmem>>) offsets(%arg11 : memref<104xi32, #tpu.memory_space<vmem>>) semaphore(%arg36 : memref<!tpu.dma_semaphore, #tpu.memory_space<semaphore_mem>>)
      %dma_wait3A_63 = arith.constant 0 : i32
      %dma_wait3A_64 = tpu.memref_slice %arg4[%dma_wait3A_63] : memref<320000xi32, #tpu.memory_space<hbm>> -> memref<104xi32, #tpu.memory_space<hbm>>
      %dma_wait3A_65 = arith.constant 0 : i32
      %dma_wait3A_66 = tpu.memref_slice %arg4[%dma_wait3A_65] : memref<320000xi32, #tpu.memory_space<hbm>> -> memref<104xi32, #tpu.memory_space<hbm>>
      tpu.wait_dma2 semaphore(%arg31 : memref<!tpu.dma_semaphore, #tpu.memory_space<semaphore_mem>>) src(%dma_wait3A_66 : memref<104xi32, #tpu.memory_space<hbm>>) dst(%arg12 : memref<104xi32, #tpu.memory_space<vmem>>)
      %dma_wait3A_67 = arith.constant 0 : i32
      %dma_wait3A_68 = tpu.memref_slice %arg5[%dma_wait3A_67] : memref<320000xi32, #tpu.memory_space<hbm>> -> memref<104xi32, #tpu.memory_space<hbm>>
      %dma_wait3A_69 = arith.constant 0 : i32
      %dma_wait3A_70 = tpu.memref_slice %arg5[%dma_wait3A_69] : memref<320000xi32, #tpu.memory_space<hbm>> -> memref<104xi32, #tpu.memory_space<hbm>>
      tpu.wait_dma2 semaphore(%arg31 : memref<!tpu.dma_semaphore, #tpu.memory_space<semaphore_mem>>) src(%dma_wait3A_70 : memref<104xi32, #tpu.memory_space<hbm>>) dst(%arg18 : memref<104xi32, #tpu.memory_space<vmem>>)
      %dma_start3A_71 = arith.constant 0 : i32
      %dma_start3A_72 = arith.constant 0 : i32
      %dma_start3A_73 = tpu.memref_slice %arg2[%dma_start3A_71, %dma_start3A_72] : memref<10000x128xf32, #tpu.memory_space<hbm>> -> memref<10000x128xf32, #tpu.memory_space<hbm>>
      tpu.enqueue_indirect_dma source(%dma_start3A_73 : memref<10000x128xf32, #tpu.memory_space<hbm>>) target(%arg24 : memref<104x128xf32, #tpu.memory_space<vmem>>) offsets(%arg12 : memref<104xi32, #tpu.memory_space<vmem>>) semaphore(%arg37 : memref<!tpu.dma_semaphore, #tpu.memory_space<semaphore_mem>>)
      %dma_wait3A_74 = arith.constant 0 : i32
      %dma_wait3A_75 = arith.constant 0 : i32
      %dma_wait3A_76 = tpu.memref_slice %arg2[%dma_wait3A_74, %dma_wait3A_75] : memref<10000x128xf32, #tpu.memory_space<hbm>> -> memref<10000x128xf32, #tpu.memory_space<hbm>>
      tpu.wait_indirect_dma semaphore(%arg36 : memref<!tpu.dma_semaphore, #tpu.memory_space<semaphore_mem>>) src(%dma_wait3A_76 : memref<10000x128xf32, #tpu.memory_space<hbm>>) dst(%arg23 : memref<104x128xf32, #tpu.memory_space<vmem>>)
      %dma_start3A_77 = arith.constant 0 : i32
      %dma_start3A_78 = arith.constant 0 : i32
      %dma_start3A_79 = tpu.memref_slice %arg29[%dma_start3A_77, %dma_start3A_78] : memref<10000x128xf32, #tpu.memory_space<vmem_shared>> -> memref<10000x128xf32, #tpu.memory_space<vmem_shared>>
      tpu.enqueue_indirect_dma source(%arg23 : memref<104x128xf32, #tpu.memory_space<vmem>>) target(%dma_start3A_79 : memref<10000x128xf32, #tpu.memory_space<vmem_shared>>) offsets(%arg17 : memref<104xi32, #tpu.memory_space<vmem>>) semaphore(%arg39 : memref<!tpu.dma_semaphore, #tpu.memory_space<semaphore_mem>>) {add = true}
      %dma_wait3A_80 = arith.constant 0 : i32
      %dma_wait3A_81 = tpu.memref_slice %arg4[%dma_wait3A_80] : memref<320000xi32, #tpu.memory_space<hbm>> -> memref<104xi32, #tpu.memory_space<hbm>>
      %dma_wait3A_82 = arith.constant 0 : i32
      %dma_wait3A_83 = tpu.memref_slice %arg4[%dma_wait3A_82] : memref<320000xi32, #tpu.memory_space<hbm>> -> memref<104xi32, #tpu.memory_space<hbm>>
      tpu.wait_dma2 semaphore(%arg32 : memref<!tpu.dma_semaphore, #tpu.memory_space<semaphore_mem>>) src(%dma_wait3A_83 : memref<104xi32, #tpu.memory_space<hbm>>) dst(%arg13 : memref<104xi32, #tpu.memory_space<vmem>>)
      %dma_wait3A_84 = arith.constant 0 : i32
      %dma_wait3A_85 = tpu.memref_slice %arg5[%dma_wait3A_84] : memref<320000xi32, #tpu.memory_space<hbm>> -> memref<104xi32, #tpu.memory_space<hbm>>
      %dma_wait3A_86 = arith.constant 0 : i32
      %dma_wait3A_87 = tpu.memref_slice %arg5[%dma_wait3A_86] : memref<320000xi32, #tpu.memory_space<hbm>> -> memref<104xi32, #tpu.memory_space<hbm>>
      tpu.wait_dma2 semaphore(%arg32 : memref<!tpu.dma_semaphore, #tpu.memory_space<semaphore_mem>>) src(%dma_wait3A_87 : memref<104xi32, #tpu.memory_space<hbm>>) dst(%arg19 : memref<104xi32, #tpu.memory_space<vmem>>)
      %dma_start3A_88 = arith.constant 0 : i32
      %dma_start3A_89 = arith.constant 0 : i32
      %dma_start3A_90 = tpu.memref_slice %arg2[%dma_start3A_88, %dma_start3A_89] : memref<10000x128xf32, #tpu.memory_space<hbm>> -> memref<10000x128xf32, #tpu.memory_space<hbm>>
      tpu.enqueue_indirect_dma source(%dma_start3A_90 : memref<10000x128xf32, #tpu.memory_space<hbm>>) target(%arg25 : memref<104x128xf32, #tpu.memory_space<vmem>>) offsets(%arg13 : memref<104xi32, #tpu.memory_space<vmem>>) semaphore(%arg38 : memref<!tpu.dma_semaphore, #tpu.memory_space<semaphore_mem>>)
      %dma_wait3A_91 = arith.constant 0 : i32
      %dma_wait3A_92 = arith.constant 0 : i32
      %dma_wait3A_93 = tpu.memref_slice %arg2[%dma_wait3A_91, %dma_wait3A_92] : memref<10000x128xf32, #tpu.memory_space<hbm>> -> memref<10000x128xf32, #tpu.memory_space<hbm>>
      tpu.wait_indirect_dma semaphore(%arg37 : memref<!tpu.dma_semaphore, #tpu.memory_space<semaphore_mem>>) src(%dma_wait3A_93 : memref<10000x128xf32, #tpu.memory_space<hbm>>) dst(%arg24 : memref<104x128xf32, #tpu.memory_space<vmem>>)
      %dma_start3A_94 = arith.constant 0 : i32
      %dma_start3A_95 = arith.constant 0 : i32
      %dma_start3A_96 = tpu.memref_slice %arg29[%dma_start3A_94, %dma_start3A_95] : memref<10000x128xf32, #tpu.memory_space<vmem_shared>> -> memref<10000x128xf32, #tpu.memory_space<vmem_shared>>
      tpu.enqueue_indirect_dma source(%arg24 : memref<104x128xf32, #tpu.memory_space<vmem>>) target(%dma_start3A_96 : memref<10000x128xf32, #tpu.memory_space<vmem_shared>>) offsets(%arg18 : memref<104xi32, #tpu.memory_space<vmem>>) semaphore(%arg40 : memref<!tpu.dma_semaphore, #tpu.memory_space<semaphore_mem>>) {add = true}
      %dma_wait3A_97 = arith.constant 0 : i32
      %dma_wait3A_98 = arith.constant 0 : i32
      %dma_wait3A_99 = tpu.memref_slice %arg29[%dma_wait3A_97, %dma_wait3A_98] : memref<10000x128xf32, #tpu.memory_space<vmem_shared>> -> memref<10000x128xf32, #tpu.memory_space<vmem_shared>>
      tpu.wait_indirect_dma semaphore(%arg39 : memref<!tpu.dma_semaphore, #tpu.memory_space<semaphore_mem>>) src(%arg23 : memref<104x128xf32, #tpu.memory_space<vmem>>) dst(%dma_wait3A_99 : memref<10000x128xf32, #tpu.memory_space<vmem_shared>>)
      %add3A_100 = arith.constant 624 : i32
      %add3A_101 = arith.addi %mul3A_2, %add3A_100 : i32
      %dma_start3A_102 = tpu.memref_slice %arg4[%add3A_101] : memref<320000xi32, #tpu.memory_space<hbm>> -> memref<104xi32, #tpu.memory_space<hbm>>
      %dma_start3A_103 = tpu.memref_slice %arg4[%add3A_101] : memref<320000xi32, #tpu.memory_space<hbm>> -> memref<104xi32, #tpu.memory_space<hbm>>
      tpu.enqueue_dma source(%dma_start3A_103 : memref<104xi32, #tpu.memory_space<hbm>>) target(%arg11 : memref<104xi32, #tpu.memory_space<vmem>>) target_semaphore(%arg30 : memref<!tpu.dma_semaphore, #tpu.memory_space<semaphore_mem>>)
      %dma_start3A_104 = tpu.memref_slice %arg5[%add3A_101] : memref<320000xi32, #tpu.memory_space<hbm>> -> memref<104xi32, #tpu.memory_space<hbm>>
      %dma_start3A_105 = tpu.memref_slice %arg5[%add3A_101] : memref<320000xi32, #tpu.memory_space<hbm>> -> memref<104xi32, #tpu.memory_space<hbm>>
      tpu.enqueue_dma source(%dma_start3A_105 : memref<104xi32, #tpu.memory_space<hbm>>) target(%arg17 : memref<104xi32, #tpu.memory_space<vmem>>) target_semaphore(%arg30 : memref<!tpu.dma_semaphore, #tpu.memory_space<semaphore_mem>>)
      %dma_wait3A_106 = arith.constant 0 : i32
      %dma_wait3A_107 = tpu.memref_slice %arg4[%dma_wait3A_106] : memref<320000xi32, #tpu.memory_space<hbm>> -> memref<104xi32, #tpu.memory_space<hbm>>
      %dma_wait3A_108 = arith.constant 0 : i32
      %dma_wait3A_109 = tpu.memref_slice %arg4[%dma_wait3A_108] : memref<320000xi32, #tpu.memory_space<hbm>> -> memref<104xi32, #tpu.memory_space<hbm>>
      tpu.wait_dma2 semaphore(%arg33 : memref<!tpu.dma_semaphore, #tpu.memory_space<semaphore_mem>>) src(%dma_wait3A_109 : memref<104xi32, #tpu.memory_space<hbm>>) dst(%arg14 : memref<104xi32, #tpu.memory_space<vmem>>)
      %dma_wait3A_110 = arith.constant 0 : i32
      %dma_wait3A_111 = tpu.memref_slice %arg5[%dma_wait3A_110] : memref<320000xi32, #tpu.memory_space<hbm>> -> memref<104xi32, #tpu.memory_space<hbm>>
      %dma_wait3A_112 = arith.constant 0 : i32
      %dma_wait3A_113 = tpu.memref_slice %arg5[%dma_wait3A_112] : memref<320000xi32, #tpu.memory_space<hbm>> -> memref<104xi32, #tpu.memory_space<hbm>>
      tpu.wait_dma2 semaphore(%arg33 : memref<!tpu.dma_semaphore, #tpu.memory_space<semaphore_mem>>) src(%dma_wait3A_113 : memref<104xi32, #tpu.memory_space<hbm>>) dst(%arg20 : memref<104xi32, #tpu.memory_space<vmem>>)
      %dma_start3A_114 = arith.constant 0 : i32
      %dma_start3A_115 = arith.constant 0 : i32
      %dma_start3A_116 = tpu.memref_slice %arg2[%dma_start3A_114, %dma_start3A_115] : memref<10000x128xf32, #tpu.memory_space<hbm>> -> memref<10000x128xf32, #tpu.memory_space<hbm>>
      tpu.enqueue_indirect_dma source(%dma_start3A_116 : memref<10000x128xf32, #tpu.memory_space<hbm>>) target(%arg23 : memref<104x128xf32, #tpu.memory_space<vmem>>) offsets(%arg14 : memref<104xi32, #tpu.memory_space<vmem>>) semaphore(%arg36 : memref<!tpu.dma_semaphore, #tpu.memory_space<semaphore_mem>>)
      %scan3A = arith.constant 0 : i32
      %scan3A_117 = arith.constant 0 : i32
      %scan3A_118 = arith.constant 32 : i32
      %scan3A_119 = arith.addi %scan3A_117, %scan3A_118 : i32
      %scan3A_120 = arith.constant 1 : i32
      scf.for %scan3A_153 = %scan3A_117 to %scan3A_119 step %scan3A_120  : i32 {
        %mul3A_154 = arith.constant 6 : i32
        %mul3A_155 = arith.muli %mul3A_154, %scan3A_153 : i32
        %add3A_156 = arith.constant 2 : i32
        %add3A_157 = arith.addi %add3A_156, %mul3A_155 : i32
        %add3A_158 = arith.constant 0 : i32
        %add3A_159 = arith.addi %add3A_157, %add3A_158 : i32
        %dma_wait3A_160 = arith.constant 0 : i32
        %dma_wait3A_161 = arith.constant 0 : i32
        %dma_wait3A_162 = tpu.memref_slice %arg2[%dma_wait3A_160, %dma_wait3A_161] : memref<10000x128xf32, #tpu.memory_space<hbm>> -> memref<10000x128xf32, #tpu.memory_space<hbm>>
        tpu.wait_indirect_dma semaphore(%arg38 : memref<!tpu.dma_semaphore, #tpu.memory_space<semaphore_mem>>) src(%dma_wait3A_162 : memref<10000x128xf32, #tpu.memory_space<hbm>>) dst(%arg25 : memref<104x128xf32, #tpu.memory_space<vmem>>)
        %dma_start3A_163 = arith.constant 0 : i32
        %dma_start3A_164 = arith.constant 0 : i32
        %dma_start3A_165 = tpu.memref_slice %arg29[%dma_start3A_163, %dma_start3A_164] : memref<10000x128xf32, #tpu.memory_space<vmem_shared>> -> memref<10000x128xf32, #tpu.memory_space<vmem_shared>>
        tpu.enqueue_indirect_dma source(%arg25 : memref<104x128xf32, #tpu.memory_space<vmem>>) target(%dma_start3A_165 : memref<10000x128xf32, #tpu.memory_space<vmem_shared>>) offsets(%arg19 : memref<104xi32, #tpu.memory_space<vmem>>) semaphore(%arg41 : memref<!tpu.dma_semaphore, #tpu.memory_space<semaphore_mem>>) {add = true}
        %dma_wait3A_166 = arith.constant 0 : i32
        %dma_wait3A_167 = arith.constant 0 : i32
        %dma_wait3A_168 = tpu.memref_slice %arg29[%dma_wait3A_166, %dma_wait3A_167] : memref<10000x128xf32, #tpu.memory_space<vmem_shared>> -> memref<10000x128xf32, #tpu.memory_space<vmem_shared>>
        tpu.wait_indirect_dma semaphore(%arg40 : memref<!tpu.dma_semaphore, #tpu.memory_space<semaphore_mem>>) src(%arg24 : memref<104x128xf32, #tpu.memory_space<vmem>>) dst(%dma_wait3A_168 : memref<10000x128xf32, #tpu.memory_space<vmem_shared>>)
        %le3A = arith.constant 30 : i32
        %le3A_169 = arith.cmpi sle, %scan3A_153, %le3A : i32
        %convert_element_type3A_170 = arith.extui %le3A_169 : i1 to i32
        %cond3A_171 = arith.constant 0 : i32
        %cond3A_172 = arith.cmpi ne, %convert_element_type3A_170, %cond3A_171 : i32
        scf.if %cond3A_172 {
          %add3A_345 = arith.constant 6 : i32
          %add3A_346 = arith.addi %add3A_159, %add3A_345 : i32
          %sub3A = arith.constant 1 : i32
          %sub3A_347 = arith.subi %add3A_346, %sub3A : i32
          %mul3A_348 = arith.constant 104 : i32
          %mul3A_349 = arith.muli %sub3A_347, %mul3A_348 : i32
          %add3A_350 = arith.addi %mul3A_2, %mul3A_349 : i32
          %dma_start3A_351 = tpu.memref_slice %arg4[%add3A_350] : memref<320000xi32, #tpu.memory_space<hbm>> -> memref<104xi32, #tpu.memory_space<hbm>>
          %dma_start3A_352 = tpu.memref_slice %arg4[%add3A_350] : memref<320000xi32, #tpu.memory_space<hbm>> -> memref<104xi32, #tpu.memory_space<hbm>>
          tpu.enqueue_dma source(%dma_start3A_352 : memref<104xi32, #tpu.memory_space<hbm>>) target(%arg12 : memref<104xi32, #tpu.memory_space<vmem>>) target_semaphore(%arg31 : memref<!tpu.dma_semaphore, #tpu.memory_space<semaphore_mem>>)
          %dma_start3A_353 = tpu.memref_slice %arg5[%add3A_350] : memref<320000xi32, #tpu.memory_space<hbm>> -> memref<104xi32, #tpu.memory_space<hbm>>
          %dma_start3A_354 = tpu.memref_slice %arg5[%add3A_350] : memref<320000xi32, #tpu.memory_space<hbm>> -> memref<104xi32, #tpu.memory_space<hbm>>
          tpu.enqueue_dma source(%dma_start3A_354 : memref<104xi32, #tpu.memory_space<hbm>>) target(%arg18 : memref<104xi32, #tpu.memory_space<vmem>>) target_semaphore(%arg31 : memref<!tpu.dma_semaphore, #tpu.memory_space<semaphore_mem>>)
        } else {
        }
        %dma_wait3A_173 = arith.constant 0 : i32
        %dma_wait3A_174 = tpu.memref_slice %arg4[%dma_wait3A_173] : memref<320000xi32, #tpu.memory_space<hbm>> -> memref<104xi32, #tpu.memory_space<hbm>>
        %dma_wait3A_175 = arith.constant 0 : i32
        %dma_wait3A_176 = tpu.memref_slice %arg4[%dma_wait3A_175] : memref<320000xi32, #tpu.memory_space<hbm>> -> memref<104xi32, #tpu.memory_space<hbm>>
        tpu.wait_dma2 semaphore(%arg34 : memref<!tpu.dma_semaphore, #tpu.memory_space<semaphore_mem>>) src(%dma_wait3A_176 : memref<104xi32, #tpu.memory_space<hbm>>) dst(%arg15 : memref<104xi32, #tpu.memory_space<vmem>>)
        %dma_wait3A_177 = arith.constant 0 : i32
        %dma_wait3A_178 = tpu.memref_slice %arg5[%dma_wait3A_177] : memref<320000xi32, #tpu.memory_space<hbm>> -> memref<104xi32, #tpu.memory_space<hbm>>
        %dma_wait3A_179 = arith.constant 0 : i32
        %dma_wait3A_180 = tpu.memref_slice %arg5[%dma_wait3A_179] : memref<320000xi32, #tpu.memory_space<hbm>> -> memref<104xi32, #tpu.memory_space<hbm>>
        tpu.wait_dma2 semaphore(%arg34 : memref<!tpu.dma_semaphore, #tpu.memory_space<semaphore_mem>>) src(%dma_wait3A_180 : memref<104xi32, #tpu.memory_space<hbm>>) dst(%arg21 : memref<104xi32, #tpu.memory_space<vmem>>)
        %dma_start3A_181 = arith.constant 0 : i32
        %dma_start3A_182 = arith.constant 0 : i32
        %dma_start3A_183 = tpu.memref_slice %arg2[%dma_start3A_181, %dma_start3A_182] : memref<10000x128xf32, #tpu.memory_space<hbm>> -> memref<10000x128xf32, #tpu.memory_space<hbm>>
        tpu.enqueue_indirect_dma source(%dma_start3A_183 : memref<10000x128xf32, #tpu.memory_space<hbm>>) target(%arg24 : memref<104x128xf32, #tpu.memory_space<vmem>>) offsets(%arg15 : memref<104xi32, #tpu.memory_space<vmem>>) semaphore(%arg37 : memref<!tpu.dma_semaphore, #tpu.memory_space<semaphore_mem>>)
        %mul3A_184 = arith.constant 6 : i32
        %mul3A_185 = arith.muli %mul3A_184, %scan3A_153 : i32
        %add3A_186 = arith.constant 2 : i32
        %add3A_187 = arith.addi %add3A_186, %mul3A_185 : i32
        %add3A_188 = arith.constant 1 : i32
        %add3A_189 = arith.addi %add3A_187, %add3A_188 : i32
        %dma_wait3A_190 = arith.constant 0 : i32
        %dma_wait3A_191 = arith.constant 0 : i32
        %dma_wait3A_192 = tpu.memref_slice %arg2[%dma_wait3A_190, %dma_wait3A_191] : memref<10000x128xf32, #tpu.memory_space<hbm>> -> memref<10000x128xf32, #tpu.memory_space<hbm>>
        tpu.wait_indirect_dma semaphore(%arg36 : memref<!tpu.dma_semaphore, #tpu.memory_space<semaphore_mem>>) src(%dma_wait3A_192 : memref<10000x128xf32, #tpu.memory_space<hbm>>) dst(%arg23 : memref<104x128xf32, #tpu.memory_space<vmem>>)
        %dma_start3A_193 = arith.constant 0 : i32
        %dma_start3A_194 = arith.constant 0 : i32
        %dma_start3A_195 = tpu.memref_slice %arg29[%dma_start3A_193, %dma_start3A_194] : memref<10000x128xf32, #tpu.memory_space<vmem_shared>> -> memref<10000x128xf32, #tpu.memory_space<vmem_shared>>
        tpu.enqueue_indirect_dma source(%arg23 : memref<104x128xf32, #tpu.memory_space<vmem>>) target(%dma_start3A_195 : memref<10000x128xf32, #tpu.memory_space<vmem_shared>>) offsets(%arg20 : memref<104xi32, #tpu.memory_space<vmem>>) semaphore(%arg39 : memref<!tpu.dma_semaphore, #tpu.memory_space<semaphore_mem>>) {add = true}
        %dma_wait3A_196 = arith.constant 0 : i32
        %dma_wait3A_197 = arith.constant 0 : i32
        %dma_wait3A_198 = tpu.memref_slice %arg29[%dma_wait3A_196, %dma_wait3A_197] : memref<10000x128xf32, #tpu.memory_space<vmem_shared>> -> memref<10000x128xf32, #tpu.memory_space<vmem_shared>>
        tpu.wait_indirect_dma semaphore(%arg41 : memref<!tpu.dma_semaphore, #tpu.memory_space<semaphore_mem>>) src(%arg25 : memref<104x128xf32, #tpu.memory_space<vmem>>) dst(%dma_wait3A_198 : memref<10000x128xf32, #tpu.memory_space<vmem_shared>>)
        %le3A_199 = arith.constant 30 : i32
        %le3A_200 = arith.cmpi sle, %scan3A_153, %le3A_199 : i32
        %convert_element_type3A_201 = arith.extui %le3A_200 : i1 to i32
        %cond3A_202 = arith.constant 0 : i32
        %cond3A_203 = arith.cmpi ne, %convert_element_type3A_201, %cond3A_202 : i32
        scf.if %cond3A_203 {
          %add3A_345 = arith.constant 6 : i32
          %add3A_346 = arith.addi %add3A_189, %add3A_345 : i32
          %sub3A = arith.constant 1 : i32
          %sub3A_347 = arith.subi %add3A_346, %sub3A : i32
          %mul3A_348 = arith.constant 104 : i32
          %mul3A_349 = arith.muli %sub3A_347, %mul3A_348 : i32
          %add3A_350 = arith.addi %mul3A_2, %mul3A_349 : i32
          %dma_start3A_351 = tpu.memref_slice %arg4[%add3A_350] : memref<320000xi32, #tpu.memory_space<hbm>> -> memref<104xi32, #tpu.memory_space<hbm>>
          %dma_start3A_352 = tpu.memref_slice %arg4[%add3A_350] : memref<320000xi32, #tpu.memory_space<hbm>> -> memref<104xi32, #tpu.memory_space<hbm>>
          tpu.enqueue_dma source(%dma_start3A_352 : memref<104xi32, #tpu.memory_space<hbm>>) target(%arg13 : memref<104xi32, #tpu.memory_space<vmem>>) target_semaphore(%arg32 : memref<!tpu.dma_semaphore, #tpu.memory_space<semaphore_mem>>)
          %dma_start3A_353 = tpu.memref_slice %arg5[%add3A_350] : memref<320000xi32, #tpu.memory_space<hbm>> -> memref<104xi32, #tpu.memory_space<hbm>>
          %dma_start3A_354 = tpu.memref_slice %arg5[%add3A_350] : memref<320000xi32, #tpu.memory_space<hbm>> -> memref<104xi32, #tpu.memory_space<hbm>>
          tpu.enqueue_dma source(%dma_start3A_354 : memref<104xi32, #tpu.memory_space<hbm>>) target(%arg19 : memref<104xi32, #tpu.memory_space<vmem>>) target_semaphore(%arg32 : memref<!tpu.dma_semaphore, #tpu.memory_space<semaphore_mem>>)
        } else {
        }
        %dma_wait3A_204 = arith.constant 0 : i32
        %dma_wait3A_205 = tpu.memref_slice %arg4[%dma_wait3A_204] : memref<320000xi32, #tpu.memory_space<hbm>> -> memref<104xi32, #tpu.memory_space<hbm>>
        %dma_wait3A_206 = arith.constant 0 : i32
        %dma_wait3A_207 = tpu.memref_slice %arg4[%dma_wait3A_206] : memref<320000xi32, #tpu.memory_space<hbm>> -> memref<104xi32, #tpu.memory_space<hbm>>
        tpu.wait_dma2 semaphore(%arg35 : memref<!tpu.dma_semaphore, #tpu.memory_space<semaphore_mem>>) src(%dma_wait3A_207 : memref<104xi32, #tpu.memory_space<hbm>>) dst(%arg16 : memref<104xi32, #tpu.memory_space<vmem>>)
        %dma_wait3A_208 = arith.constant 0 : i32
        %dma_wait3A_209 = tpu.memref_slice %arg5[%dma_wait3A_208] : memref<320000xi32, #tpu.memory_space<hbm>> -> memref<104xi32, #tpu.memory_space<hbm>>
        %dma_wait3A_210 = arith.constant 0 : i32
        %dma_wait3A_211 = tpu.memref_slice %arg5[%dma_wait3A_210] : memref<320000xi32, #tpu.memory_space<hbm>> -> memref<104xi32, #tpu.memory_space<hbm>>
        tpu.wait_dma2 semaphore(%arg35 : memref<!tpu.dma_semaphore, #tpu.memory_space<semaphore_mem>>) src(%dma_wait3A_211 : memref<104xi32, #tpu.memory_space<hbm>>) dst(%arg22 : memref<104xi32, #tpu.memory_space<vmem>>)
        %dma_start3A_212 = arith.constant 0 : i32
        %dma_start3A_213 = arith.constant 0 : i32
        %dma_start3A_214 = tpu.memref_slice %arg2[%dma_start3A_212, %dma_start3A_213] : memref<10000x128xf32, #tpu.memory_space<hbm>> -> memref<10000x128xf32, #tpu.memory_space<hbm>>
        tpu.enqueue_indirect_dma source(%dma_start3A_214 : memref<10000x128xf32, #tpu.memory_space<hbm>>) target(%arg25 : memref<104x128xf32, #tpu.memory_space<vmem>>) offsets(%arg16 : memref<104xi32, #tpu.memory_space<vmem>>) semaphore(%arg38 : memref<!tpu.dma_semaphore, #tpu.memory_space<semaphore_mem>>)
        %mul3A_215 = arith.constant 6 : i32
        %mul3A_216 = arith.muli %mul3A_215, %scan3A_153 : i32
        %add3A_217 = arith.constant 2 : i32
        %add3A_218 = arith.addi %add3A_217, %mul3A_216 : i32
        %add3A_219 = arith.constant 2 : i32
        %add3A_220 = arith.addi %add3A_218, %add3A_219 : i32
        %dma_wait3A_221 = arith.constant 0 : i32
        %dma_wait3A_222 = arith.constant 0 : i32
        %dma_wait3A_223 = tpu.memref_slice %arg2[%dma_wait3A_221, %dma_wait3A_222] : memref<10000x128xf32, #tpu.memory_space<hbm>> -> memref<10000x128xf32, #tpu.memory_space<hbm>>
        tpu.wait_indirect_dma semaphore(%arg37 : memref<!tpu.dma_semaphore, #tpu.memory_space<semaphore_mem>>) src(%dma_wait3A_223 : memref<10000x128xf32, #tpu.memory_space<hbm>>) dst(%arg24 : memref<104x128xf32, #tpu.memory_space<vmem>>)
        %dma_start3A_224 = arith.constant 0 : i32
        %dma_start3A_225 = arith.constant 0 : i32
        %dma_start3A_226 = tpu.memref_slice %arg29[%dma_start3A_224, %dma_start3A_225] : memref<10000x128xf32, #tpu.memory_space<vmem_shared>> -> memref<10000x128xf32, #tpu.memory_space<vmem_shared>>
        tpu.enqueue_indirect_dma source(%arg24 : memref<104x128xf32, #tpu.memory_space<vmem>>) target(%dma_start3A_226 : memref<10000x128xf32, #tpu.memory_space<vmem_shared>>) offsets(%arg21 : memref<104xi32, #tpu.memory_space<vmem>>) semaphore(%arg40 : memref<!tpu.dma_semaphore, #tpu.memory_space<semaphore_mem>>) {add = true}
        %dma_wait3A_227 = arith.constant 0 : i32
        %dma_wait3A_228 = arith.constant 0 : i32
        %dma_wait3A_229 = tpu.memref_slice %arg29[%dma_wait3A_227, %dma_wait3A_228] : memref<10000x128xf32, #tpu.memory_space<vmem_shared>> -> memref<10000x128xf32, #tpu.memory_space<vmem_shared>>
        tpu.wait_indirect_dma semaphore(%arg39 : memref<!tpu.dma_semaphore, #tpu.memory_space<semaphore_mem>>) src(%arg23 : memref<104x128xf32, #tpu.memory_space<vmem>>) dst(%dma_wait3A_229 : memref<10000x128xf32, #tpu.memory_space<vmem_shared>>)
        %le3A_230 = arith.constant 30 : i32
        %le3A_231 = arith.cmpi sle, %scan3A_153, %le3A_230 : i32
        %convert_element_type3A_232 = arith.extui %le3A_231 : i1 to i32
        %cond3A_233 = arith.constant 0 : i32
        %cond3A_234 = arith.cmpi ne, %convert_element_type3A_232, %cond3A_233 : i32
        scf.if %cond3A_234 {
          %add3A_345 = arith.constant 6 : i32
          %add3A_346 = arith.addi %add3A_220, %add3A_345 : i32
          %sub3A = arith.constant 1 : i32
          %sub3A_347 = arith.subi %add3A_346, %sub3A : i32
          %mul3A_348 = arith.constant 104 : i32
          %mul3A_349 = arith.muli %sub3A_347, %mul3A_348 : i32
          %add3A_350 = arith.addi %mul3A_2, %mul3A_349 : i32
          %dma_start3A_351 = tpu.memref_slice %arg4[%add3A_350] : memref<320000xi32, #tpu.memory_space<hbm>> -> memref<104xi32, #tpu.memory_space<hbm>>
          %dma_start3A_352 = tpu.memref_slice %arg4[%add3A_350] : memref<320000xi32, #tpu.memory_space<hbm>> -> memref<104xi32, #tpu.memory_space<hbm>>
          tpu.enqueue_dma source(%dma_start3A_352 : memref<104xi32, #tpu.memory_space<hbm>>) target(%arg14 : memref<104xi32, #tpu.memory_space<vmem>>) target_semaphore(%arg33 : memref<!tpu.dma_semaphore, #tpu.memory_space<semaphore_mem>>)
          %dma_start3A_353 = tpu.memref_slice %arg5[%add3A_350] : memref<320000xi32, #tpu.memory_space<hbm>> -> memref<104xi32, #tpu.memory_space<hbm>>
          %dma_start3A_354 = tpu.memref_slice %arg5[%add3A_350] : memref<320000xi32, #tpu.memory_space<hbm>> -> memref<104xi32, #tpu.memory_space<hbm>>
          tpu.enqueue_dma source(%dma_start3A_354 : memref<104xi32, #tpu.memory_space<hbm>>) target(%arg20 : memref<104xi32, #tpu.memory_space<vmem>>) target_semaphore(%arg33 : memref<!tpu.dma_semaphore, #tpu.memory_space<semaphore_mem>>)
        } else {
        }
        %le3A_235 = arith.constant 30 : i32
        %le3A_236 = arith.cmpi sle, %scan3A_153, %le3A_235 : i32
        %convert_element_type3A_237 = arith.extui %le3A_236 : i1 to i32
        %cond3A_238 = arith.constant 0 : i32
        %cond3A_239 = arith.cmpi ne, %convert_element_type3A_237, %cond3A_238 : i32
        scf.if %cond3A_239 {
          %dma_wait3A_345 = arith.constant 0 : i32
          %dma_wait3A_346 = tpu.memref_slice %arg4[%dma_wait3A_345] : memref<320000xi32, #tpu.memory_space<hbm>> -> memref<104xi32, #tpu.memory_space<hbm>>
          %dma_wait3A_347 = arith.constant 0 : i32
          %dma_wait3A_348 = tpu.memref_slice %arg4[%dma_wait3A_347] : memref<320000xi32, #tpu.memory_space<hbm>> -> memref<104xi32, #tpu.memory_space<hbm>>
          tpu.wait_dma2 semaphore(%arg30 : memref<!tpu.dma_semaphore, #tpu.memory_space<semaphore_mem>>) src(%dma_wait3A_348 : memref<104xi32, #tpu.memory_space<hbm>>) dst(%arg11 : memref<104xi32, #tpu.memory_space<vmem>>)
          %dma_wait3A_349 = arith.constant 0 : i32
          %dma_wait3A_350 = tpu.memref_slice %arg5[%dma_wait3A_349] : memref<320000xi32, #tpu.memory_space<hbm>> -> memref<104xi32, #tpu.memory_space<hbm>>
          %dma_wait3A_351 = arith.constant 0 : i32
          %dma_wait3A_352 = tpu.memref_slice %arg5[%dma_wait3A_351] : memref<320000xi32, #tpu.memory_space<hbm>> -> memref<104xi32, #tpu.memory_space<hbm>>
          tpu.wait_dma2 semaphore(%arg30 : memref<!tpu.dma_semaphore, #tpu.memory_space<semaphore_mem>>) src(%dma_wait3A_352 : memref<104xi32, #tpu.memory_space<hbm>>) dst(%arg17 : memref<104xi32, #tpu.memory_space<vmem>>)
        } else {
        }
        %le3A_240 = arith.constant 30 : i32
        %le3A_241 = arith.cmpi sle, %scan3A_153, %le3A_240 : i32
        %convert_element_type3A_242 = arith.extui %le3A_241 : i1 to i32
        %cond3A_243 = arith.constant 0 : i32
        %cond3A_244 = arith.cmpi ne, %convert_element_type3A_242, %cond3A_243 : i32
        scf.if %cond3A_244 {
          %dma_start3A_345 = arith.constant 0 : i32
          %dma_start3A_346 = arith.constant 0 : i32
          %dma_start3A_347 = tpu.memref_slice %arg2[%dma_start3A_345, %dma_start3A_346] : memref<10000x128xf32, #tpu.memory_space<hbm>> -> memref<10000x128xf32, #tpu.memory_space<hbm>>
          tpu.enqueue_indirect_dma source(%dma_start3A_347 : memref<10000x128xf32, #tpu.memory_space<hbm>>) target(%arg23 : memref<104x128xf32, #tpu.memory_space<vmem>>) offsets(%arg11 : memref<104xi32, #tpu.memory_space<vmem>>) semaphore(%arg36 : memref<!tpu.dma_semaphore, #tpu.memory_space<semaphore_mem>>)
        } else {
        }
        %mul3A_245 = arith.constant 6 : i32
        %mul3A_246 = arith.muli %mul3A_245, %scan3A_153 : i32
        %add3A_247 = arith.constant 2 : i32
        %add3A_248 = arith.addi %add3A_247, %mul3A_246 : i32
        %add3A_249 = arith.constant 3 : i32
        %add3A_250 = arith.addi %add3A_248, %add3A_249 : i32
        %dma_wait3A_251 = arith.constant 0 : i32
        %dma_wait3A_252 = arith.constant 0 : i32
        %dma_wait3A_253 = tpu.memref_slice %arg2[%dma_wait3A_251, %dma_wait3A_252] : memref<10000x128xf32, #tpu.memory_space<hbm>> -> memref<10000x128xf32, #tpu.memory_space<hbm>>
        tpu.wait_indirect_dma semaphore(%arg38 : memref<!tpu.dma_semaphore, #tpu.memory_space<semaphore_mem>>) src(%dma_wait3A_253 : memref<10000x128xf32, #tpu.memory_space<hbm>>) dst(%arg25 : memref<104x128xf32, #tpu.memory_space<vmem>>)
        %dma_start3A_254 = arith.constant 0 : i32
        %dma_start3A_255 = arith.constant 0 : i32
        %dma_start3A_256 = tpu.memref_slice %arg29[%dma_start3A_254, %dma_start3A_255] : memref<10000x128xf32, #tpu.memory_space<vmem_shared>> -> memref<10000x128xf32, #tpu.memory_space<vmem_shared>>
        tpu.enqueue_indirect_dma source(%arg25 : memref<104x128xf32, #tpu.memory_space<vmem>>) target(%dma_start3A_256 : memref<10000x128xf32, #tpu.memory_space<vmem_shared>>) offsets(%arg22 : memref<104xi32, #tpu.memory_space<vmem>>) semaphore(%arg41 : memref<!tpu.dma_semaphore, #tpu.memory_space<semaphore_mem>>) {add = true}
        %dma_wait3A_257 = arith.constant 0 : i32
        %dma_wait3A_258 = arith.constant 0 : i32
        %dma_wait3A_259 = tpu.memref_slice %arg29[%dma_wait3A_257, %dma_wait3A_258] : memref<10000x128xf32, #tpu.memory_space<vmem_shared>> -> memref<10000x128xf32, #tpu.memory_space<vmem_shared>>
        tpu.wait_indirect_dma semaphore(%arg40 : memref<!tpu.dma_semaphore, #tpu.memory_space<semaphore_mem>>) src(%arg24 : memref<104x128xf32, #tpu.memory_space<vmem>>) dst(%dma_wait3A_259 : memref<10000x128xf32, #tpu.memory_space<vmem_shared>>)
        %le3A_260 = arith.constant 30 : i32
        %le3A_261 = arith.cmpi sle, %scan3A_153, %le3A_260 : i32
        %convert_element_type3A_262 = arith.extui %le3A_261 : i1 to i32
        %cond3A_263 = arith.constant 0 : i32
        %cond3A_264 = arith.cmpi ne, %convert_element_type3A_262, %cond3A_263 : i32
        scf.if %cond3A_264 {
          %add3A_345 = arith.constant 6 : i32
          %add3A_346 = arith.addi %add3A_250, %add3A_345 : i32
          %sub3A = arith.constant 1 : i32
          %sub3A_347 = arith.subi %add3A_346, %sub3A : i32
          %mul3A_348 = arith.constant 104 : i32
          %mul3A_349 = arith.muli %sub3A_347, %mul3A_348 : i32
          %add3A_350 = arith.addi %mul3A_2, %mul3A_349 : i32
          %dma_start3A_351 = tpu.memref_slice %arg4[%add3A_350] : memref<320000xi32, #tpu.memory_space<hbm>> -> memref<104xi32, #tpu.memory_space<hbm>>
          %dma_start3A_352 = tpu.memref_slice %arg4[%add3A_350] : memref<320000xi32, #tpu.memory_space<hbm>> -> memref<104xi32, #tpu.memory_space<hbm>>
          tpu.enqueue_dma source(%dma_start3A_352 : memref<104xi32, #tpu.memory_space<hbm>>) target(%arg15 : memref<104xi32, #tpu.memory_space<vmem>>) target_semaphore(%arg34 : memref<!tpu.dma_semaphore, #tpu.memory_space<semaphore_mem>>)
          %dma_start3A_353 = tpu.memref_slice %arg5[%add3A_350] : memref<320000xi32, #tpu.memory_space<hbm>> -> memref<104xi32, #tpu.memory_space<hbm>>
          %dma_start3A_354 = tpu.memref_slice %arg5[%add3A_350] : memref<320000xi32, #tpu.memory_space<hbm>> -> memref<104xi32, #tpu.memory_space<hbm>>
          tpu.enqueue_dma source(%dma_start3A_354 : memref<104xi32, #tpu.memory_space<hbm>>) target(%arg21 : memref<104xi32, #tpu.memory_space<vmem>>) target_semaphore(%arg34 : memref<!tpu.dma_semaphore, #tpu.memory_space<semaphore_mem>>)
        } else {
        }
        %le3A_265 = arith.constant 30 : i32
        %le3A_266 = arith.cmpi sle, %scan3A_153, %le3A_265 : i32
        %convert_element_type3A_267 = arith.extui %le3A_266 : i1 to i32
        %cond3A_268 = arith.constant 0 : i32
        %cond3A_269 = arith.cmpi ne, %convert_element_type3A_267, %cond3A_268 : i32
        scf.if %cond3A_269 {
          %dma_wait3A_345 = arith.constant 0 : i32
          %dma_wait3A_346 = tpu.memref_slice %arg4[%dma_wait3A_345] : memref<320000xi32, #tpu.memory_space<hbm>> -> memref<104xi32, #tpu.memory_space<hbm>>
          %dma_wait3A_347 = arith.constant 0 : i32
          %dma_wait3A_348 = tpu.memref_slice %arg4[%dma_wait3A_347] : memref<320000xi32, #tpu.memory_space<hbm>> -> memref<104xi32, #tpu.memory_space<hbm>>
          tpu.wait_dma2 semaphore(%arg31 : memref<!tpu.dma_semaphore, #tpu.memory_space<semaphore_mem>>) src(%dma_wait3A_348 : memref<104xi32, #tpu.memory_space<hbm>>) dst(%arg12 : memref<104xi32, #tpu.memory_space<vmem>>)
          %dma_wait3A_349 = arith.constant 0 : i32
          %dma_wait3A_350 = tpu.memref_slice %arg5[%dma_wait3A_349] : memref<320000xi32, #tpu.memory_space<hbm>> -> memref<104xi32, #tpu.memory_space<hbm>>
          %dma_wait3A_351 = arith.constant 0 : i32
          %dma_wait3A_352 = tpu.memref_slice %arg5[%dma_wait3A_351] : memref<320000xi32, #tpu.memory_space<hbm>> -> memref<104xi32, #tpu.memory_space<hbm>>
          tpu.wait_dma2 semaphore(%arg31 : memref<!tpu.dma_semaphore, #tpu.memory_space<semaphore_mem>>) src(%dma_wait3A_352 : memref<104xi32, #tpu.memory_space<hbm>>) dst(%arg18 : memref<104xi32, #tpu.memory_space<vmem>>)
        } else {
        }
        %le3A_270 = arith.constant 30 : i32
        %le3A_271 = arith.cmpi sle, %scan3A_153, %le3A_270 : i32
        %convert_element_type3A_272 = arith.extui %le3A_271 : i1 to i32
        %cond3A_273 = arith.constant 0 : i32
        %cond3A_274 = arith.cmpi ne, %convert_element_type3A_272, %cond3A_273 : i32
        scf.if %cond3A_274 {
          %dma_start3A_345 = arith.constant 0 : i32
          %dma_start3A_346 = arith.constant 0 : i32
          %dma_start3A_347 = tpu.memref_slice %arg2[%dma_start3A_345, %dma_start3A_346] : memref<10000x128xf32, #tpu.memory_space<hbm>> -> memref<10000x128xf32, #tpu.memory_space<hbm>>
          tpu.enqueue_indirect_dma source(%dma_start3A_347 : memref<10000x128xf32, #tpu.memory_space<hbm>>) target(%arg24 : memref<104x128xf32, #tpu.memory_space<vmem>>) offsets(%arg12 : memref<104xi32, #tpu.memory_space<vmem>>) semaphore(%arg37 : memref<!tpu.dma_semaphore, #tpu.memory_space<semaphore_mem>>)
        } else {
        }
        %mul3A_275 = arith.constant 6 : i32
        %mul3A_276 = arith.muli %mul3A_275, %scan3A_153 : i32
        %add3A_277 = arith.constant 2 : i32
        %add3A_278 = arith.addi %add3A_277, %mul3A_276 : i32
        %add3A_279 = arith.constant 4 : i32
        %add3A_280 = arith.addi %add3A_278, %add3A_279 : i32
        %le3A_281 = arith.constant 30 : i32
        %le3A_282 = arith.cmpi sle, %scan3A_153, %le3A_281 : i32
        %convert_element_type3A_283 = arith.extui %le3A_282 : i1 to i32
        %cond3A_284 = arith.constant 0 : i32
        %cond3A_285 = arith.cmpi ne, %convert_element_type3A_283, %cond3A_284 : i32
        scf.if %cond3A_285 {
          %dma_wait3A_345 = arith.constant 0 : i32
          %dma_wait3A_346 = arith.constant 0 : i32
          %dma_wait3A_347 = tpu.memref_slice %arg2[%dma_wait3A_345, %dma_wait3A_346] : memref<10000x128xf32, #tpu.memory_space<hbm>> -> memref<10000x128xf32, #tpu.memory_space<hbm>>
          tpu.wait_indirect_dma semaphore(%arg36 : memref<!tpu.dma_semaphore, #tpu.memory_space<semaphore_mem>>) src(%dma_wait3A_347 : memref<10000x128xf32, #tpu.memory_space<hbm>>) dst(%arg23 : memref<104x128xf32, #tpu.memory_space<vmem>>)
        } else {
        }
        %le3A_286 = arith.constant 30 : i32
        %le3A_287 = arith.cmpi sle, %scan3A_153, %le3A_286 : i32
        %convert_element_type3A_288 = arith.extui %le3A_287 : i1 to i32
        %cond3A_289 = arith.constant 0 : i32
        %cond3A_290 = arith.cmpi ne, %convert_element_type3A_288, %cond3A_289 : i32
        scf.if %cond3A_290 {
          %dma_start3A_345 = arith.constant 0 : i32
          %dma_start3A_346 = arith.constant 0 : i32
          %dma_start3A_347 = tpu.memref_slice %arg29[%dma_start3A_345, %dma_start3A_346] : memref<10000x128xf32, #tpu.memory_space<vmem_shared>> -> memref<10000x128xf32, #tpu.memory_space<vmem_shared>>
          tpu.enqueue_indirect_dma source(%arg23 : memref<104x128xf32, #tpu.memory_space<vmem>>) target(%dma_start3A_347 : memref<10000x128xf32, #tpu.memory_space<vmem_shared>>) offsets(%arg17 : memref<104xi32, #tpu.memory_space<vmem>>) semaphore(%arg39 : memref<!tpu.dma_semaphore, #tpu.memory_space<semaphore_mem>>) {add = true}
        } else {
        }
        %dma_wait3A_291 = arith.constant 0 : i32
        %dma_wait3A_292 = arith.constant 0 : i32
        %dma_wait3A_293 = tpu.memref_slice %arg29[%dma_wait3A_291, %dma_wait3A_292] : memref<10000x128xf32, #tpu.memory_space<vmem_shared>> -> memref<10000x128xf32, #tpu.memory_space<vmem_shared>>
        tpu.wait_indirect_dma semaphore(%arg41 : memref<!tpu.dma_semaphore, #tpu.memory_space<semaphore_mem>>) src(%arg25 : memref<104x128xf32, #tpu.memory_space<vmem>>) dst(%dma_wait3A_293 : memref<10000x128xf32, #tpu.memory_space<vmem_shared>>)
        %le3A_294 = arith.constant 30 : i32
        %le3A_295 = arith.cmpi sle, %scan3A_153, %le3A_294 : i32
        %convert_element_type3A_296 = arith.extui %le3A_295 : i1 to i32
        %cond3A_297 = arith.constant 0 : i32
        %cond3A_298 = arith.cmpi ne, %convert_element_type3A_296, %cond3A_297 : i32
        scf.if %cond3A_298 {
          %add3A_345 = arith.constant 6 : i32
          %add3A_346 = arith.addi %add3A_280, %add3A_345 : i32
          %sub3A = arith.constant 1 : i32
          %sub3A_347 = arith.subi %add3A_346, %sub3A : i32
          %mul3A_348 = arith.constant 104 : i32
          %mul3A_349 = arith.muli %sub3A_347, %mul3A_348 : i32
          %add3A_350 = arith.addi %mul3A_2, %mul3A_349 : i32
          %dma_start3A_351 = tpu.memref_slice %arg4[%add3A_350] : memref<320000xi32, #tpu.memory_space<hbm>> -> memref<104xi32, #tpu.memory_space<hbm>>
          %dma_start3A_352 = tpu.memref_slice %arg4[%add3A_350] : memref<320000xi32, #tpu.memory_space<hbm>> -> memref<104xi32, #tpu.memory_space<hbm>>
          tpu.enqueue_dma source(%dma_start3A_352 : memref<104xi32, #tpu.memory_space<hbm>>) target(%arg16 : memref<104xi32, #tpu.memory_space<vmem>>) target_semaphore(%arg35 : memref<!tpu.dma_semaphore, #tpu.memory_space<semaphore_mem>>)
          %dma_start3A_353 = tpu.memref_slice %arg5[%add3A_350] : memref<320000xi32, #tpu.memory_space<hbm>> -> memref<104xi32, #tpu.memory_space<hbm>>
          %dma_start3A_354 = tpu.memref_slice %arg5[%add3A_350] : memref<320000xi32, #tpu.memory_space<hbm>> -> memref<104xi32, #tpu.memory_space<hbm>>
          tpu.enqueue_dma source(%dma_start3A_354 : memref<104xi32, #tpu.memory_space<hbm>>) target(%arg22 : memref<104xi32, #tpu.memory_space<vmem>>) target_semaphore(%arg35 : memref<!tpu.dma_semaphore, #tpu.memory_space<semaphore_mem>>)
        } else {
        }
        %le3A_299 = arith.constant 30 : i32
        %le3A_300 = arith.cmpi sle, %scan3A_153, %le3A_299 : i32
        %convert_element_type3A_301 = arith.extui %le3A_300 : i1 to i32
        %cond3A_302 = arith.constant 0 : i32
        %cond3A_303 = arith.cmpi ne, %convert_element_type3A_301, %cond3A_302 : i32
        scf.if %cond3A_303 {
          %dma_wait3A_345 = arith.constant 0 : i32
          %dma_wait3A_346 = tpu.memref_slice %arg4[%dma_wait3A_345] : memref<320000xi32, #tpu.memory_space<hbm>> -> memref<104xi32, #tpu.memory_space<hbm>>
          %dma_wait3A_347 = arith.constant 0 : i32
          %dma_wait3A_348 = tpu.memref_slice %arg4[%dma_wait3A_347] : memref<320000xi32, #tpu.memory_space<hbm>> -> memref<104xi32, #tpu.memory_space<hbm>>
          tpu.wait_dma2 semaphore(%arg32 : memref<!tpu.dma_semaphore, #tpu.memory_space<semaphore_mem>>) src(%dma_wait3A_348 : memref<104xi32, #tpu.memory_space<hbm>>) dst(%arg13 : memref<104xi32, #tpu.memory_space<vmem>>)
          %dma_wait3A_349 = arith.constant 0 : i32
          %dma_wait3A_350 = tpu.memref_slice %arg5[%dma_wait3A_349] : memref<320000xi32, #tpu.memory_space<hbm>> -> memref<104xi32, #tpu.memory_space<hbm>>
          %dma_wait3A_351 = arith.constant 0 : i32
          %dma_wait3A_352 = tpu.memref_slice %arg5[%dma_wait3A_351] : memref<320000xi32, #tpu.memory_space<hbm>> -> memref<104xi32, #tpu.memory_space<hbm>>
          tpu.wait_dma2 semaphore(%arg32 : memref<!tpu.dma_semaphore, #tpu.memory_space<semaphore_mem>>) src(%dma_wait3A_352 : memref<104xi32, #tpu.memory_space<hbm>>) dst(%arg19 : memref<104xi32, #tpu.memory_space<vmem>>)
        } else {
        }
        %le3A_304 = arith.constant 30 : i32
        %le3A_305 = arith.cmpi sle, %scan3A_153, %le3A_304 : i32
        %convert_element_type3A_306 = arith.extui %le3A_305 : i1 to i32
        %cond3A_307 = arith.constant 0 : i32
        %cond3A_308 = arith.cmpi ne, %convert_element_type3A_306, %cond3A_307 : i32
        scf.if %cond3A_308 {
          %dma_start3A_345 = arith.constant 0 : i32
          %dma_start3A_346 = arith.constant 0 : i32
          %dma_start3A_347 = tpu.memref_slice %arg2[%dma_start3A_345, %dma_start3A_346] : memref<10000x128xf32, #tpu.memory_space<hbm>> -> memref<10000x128xf32, #tpu.memory_space<hbm>>
          tpu.enqueue_indirect_dma source(%dma_start3A_347 : memref<10000x128xf32, #tpu.memory_space<hbm>>) target(%arg25 : memref<104x128xf32, #tpu.memory_space<vmem>>) offsets(%arg13 : memref<104xi32, #tpu.memory_space<vmem>>) semaphore(%arg38 : memref<!tpu.dma_semaphore, #tpu.memory_space<semaphore_mem>>)
        } else {
        }
        %mul3A_309 = arith.constant 6 : i32
        %mul3A_310 = arith.muli %mul3A_309, %scan3A_153 : i32
        %add3A_311 = arith.constant 2 : i32
        %add3A_312 = arith.addi %add3A_311, %mul3A_310 : i32
        %add3A_313 = arith.constant 5 : i32
        %add3A_314 = arith.addi %add3A_312, %add3A_313 : i32
        %le3A_315 = arith.constant 30 : i32
        %le3A_316 = arith.cmpi sle, %scan3A_153, %le3A_315 : i32
        %convert_element_type3A_317 = arith.extui %le3A_316 : i1 to i32
        %cond3A_318 = arith.constant 0 : i32
        %cond3A_319 = arith.cmpi ne, %convert_element_type3A_317, %cond3A_318 : i32
        scf.if %cond3A_319 {
          %dma_wait3A_345 = arith.constant 0 : i32
          %dma_wait3A_346 = arith.constant 0 : i32
          %dma_wait3A_347 = tpu.memref_slice %arg2[%dma_wait3A_345, %dma_wait3A_346] : memref<10000x128xf32, #tpu.memory_space<hbm>> -> memref<10000x128xf32, #tpu.memory_space<hbm>>
          tpu.wait_indirect_dma semaphore(%arg37 : memref<!tpu.dma_semaphore, #tpu.memory_space<semaphore_mem>>) src(%dma_wait3A_347 : memref<10000x128xf32, #tpu.memory_space<hbm>>) dst(%arg24 : memref<104x128xf32, #tpu.memory_space<vmem>>)
        } else {
        }
        %le3A_320 = arith.constant 30 : i32
        %le3A_321 = arith.cmpi sle, %scan3A_153, %le3A_320 : i32
        %convert_element_type3A_322 = arith.extui %le3A_321 : i1 to i32
        %cond3A_323 = arith.constant 0 : i32
        %cond3A_324 = arith.cmpi ne, %convert_element_type3A_322, %cond3A_323 : i32
        scf.if %cond3A_324 {
          %dma_start3A_345 = arith.constant 0 : i32
          %dma_start3A_346 = arith.constant 0 : i32
          %dma_start3A_347 = tpu.memref_slice %arg29[%dma_start3A_345, %dma_start3A_346] : memref<10000x128xf32, #tpu.memory_space<vmem_shared>> -> memref<10000x128xf32, #tpu.memory_space<vmem_shared>>
          tpu.enqueue_indirect_dma source(%arg24 : memref<104x128xf32, #tpu.memory_space<vmem>>) target(%dma_start3A_347 : memref<10000x128xf32, #tpu.memory_space<vmem_shared>>) offsets(%arg18 : memref<104xi32, #tpu.memory_space<vmem>>) semaphore(%arg40 : memref<!tpu.dma_semaphore, #tpu.memory_space<semaphore_mem>>) {add = true}
        } else {
        }
        %le3A_325 = arith.constant 30 : i32
        %le3A_326 = arith.cmpi sle, %scan3A_153, %le3A_325 : i32
        %convert_element_type3A_327 = arith.extui %le3A_326 : i1 to i32
        %cond3A_328 = arith.constant 0 : i32
        %cond3A_329 = arith.cmpi ne, %convert_element_type3A_327, %cond3A_328 : i32
        scf.if %cond3A_329 {
          %dma_wait3A_345 = arith.constant 0 : i32
          %dma_wait3A_346 = arith.constant 0 : i32
          %dma_wait3A_347 = tpu.memref_slice %arg29[%dma_wait3A_345, %dma_wait3A_346] : memref<10000x128xf32, #tpu.memory_space<vmem_shared>> -> memref<10000x128xf32, #tpu.memory_space<vmem_shared>>
          tpu.wait_indirect_dma semaphore(%arg39 : memref<!tpu.dma_semaphore, #tpu.memory_space<semaphore_mem>>) src(%arg23 : memref<104x128xf32, #tpu.memory_space<vmem>>) dst(%dma_wait3A_347 : memref<10000x128xf32, #tpu.memory_space<vmem_shared>>)
        } else {
        }
        %le3A_330 = arith.constant 29 : i32
        %le3A_331 = arith.cmpi sle, %scan3A_153, %le3A_330 : i32
        %convert_element_type3A_332 = arith.extui %le3A_331 : i1 to i32
        %cond3A_333 = arith.constant 0 : i32
        %cond3A_334 = arith.cmpi ne, %convert_element_type3A_332, %cond3A_333 : i32
        scf.if %cond3A_334 {
          %add3A_345 = arith.constant 6 : i32
          %add3A_346 = arith.addi %add3A_314, %add3A_345 : i32
          %sub3A = arith.constant 1 : i32
          %sub3A_347 = arith.subi %add3A_346, %sub3A : i32
          %mul3A_348 = arith.constant 104 : i32
          %mul3A_349 = arith.muli %sub3A_347, %mul3A_348 : i32
          %add3A_350 = arith.addi %mul3A_2, %mul3A_349 : i32
          %dma_start3A_351 = tpu.memref_slice %arg4[%add3A_350] : memref<320000xi32, #tpu.memory_space<hbm>> -> memref<104xi32, #tpu.memory_space<hbm>>
          %dma_start3A_352 = tpu.memref_slice %arg4[%add3A_350] : memref<320000xi32, #tpu.memory_space<hbm>> -> memref<104xi32, #tpu.memory_space<hbm>>
          tpu.enqueue_dma source(%dma_start3A_352 : memref<104xi32, #tpu.memory_space<hbm>>) target(%arg11 : memref<104xi32, #tpu.memory_space<vmem>>) target_semaphore(%arg30 : memref<!tpu.dma_semaphore, #tpu.memory_space<semaphore_mem>>)
          %dma_start3A_353 = tpu.memref_slice %arg5[%add3A_350] : memref<320000xi32, #tpu.memory_space<hbm>> -> memref<104xi32, #tpu.memory_space<hbm>>
          %dma_start3A_354 = tpu.memref_slice %arg5[%add3A_350] : memref<320000xi32, #tpu.memory_space<hbm>> -> memref<104xi32, #tpu.memory_space<hbm>>
          tpu.enqueue_dma source(%dma_start3A_354 : memref<104xi32, #tpu.memory_space<hbm>>) target(%arg17 : memref<104xi32, #tpu.memory_space<vmem>>) target_semaphore(%arg30 : memref<!tpu.dma_semaphore, #tpu.memory_space<semaphore_mem>>)
        } else {
        }
        %le3A_335 = arith.constant 30 : i32
        %le3A_336 = arith.cmpi sle, %scan3A_153, %le3A_335 : i32
        %convert_element_type3A_337 = arith.extui %le3A_336 : i1 to i32
        %cond3A_338 = arith.constant 0 : i32
        %cond3A_339 = arith.cmpi ne, %convert_element_type3A_337, %cond3A_338 : i32
        scf.if %cond3A_339 {
          %dma_wait3A_345 = arith.constant 0 : i32
          %dma_wait3A_346 = tpu.memref_slice %arg4[%dma_wait3A_345] : memref<320000xi32, #tpu.memory_space<hbm>> -> memref<104xi32, #tpu.memory_space<hbm>>
          %dma_wait3A_347 = arith.constant 0 : i32
          %dma_wait3A_348 = tpu.memref_slice %arg4[%dma_wait3A_347] : memref<320000xi32, #tpu.memory_space<hbm>> -> memref<104xi32, #tpu.memory_space<hbm>>
          tpu.wait_dma2 semaphore(%arg33 : memref<!tpu.dma_semaphore, #tpu.memory_space<semaphore_mem>>) src(%dma_wait3A_348 : memref<104xi32, #tpu.memory_space<hbm>>) dst(%arg14 : memref<104xi32, #tpu.memory_space<vmem>>)
          %dma_wait3A_349 = arith.constant 0 : i32
          %dma_wait3A_350 = tpu.memref_slice %arg5[%dma_wait3A_349] : memref<320000xi32, #tpu.memory_space<hbm>> -> memref<104xi32, #tpu.memory_space<hbm>>
          %dma_wait3A_351 = arith.constant 0 : i32
          %dma_wait3A_352 = tpu.memref_slice %arg5[%dma_wait3A_351] : memref<320000xi32, #tpu.memory_space<hbm>> -> memref<104xi32, #tpu.memory_space<hbm>>
          tpu.wait_dma2 semaphore(%arg33 : memref<!tpu.dma_semaphore, #tpu.memory_space<semaphore_mem>>) src(%dma_wait3A_352 : memref<104xi32, #tpu.memory_space<hbm>>) dst(%arg20 : memref<104xi32, #tpu.memory_space<vmem>>)
        } else {
        }
        %le3A_340 = arith.constant 30 : i32
        %le3A_341 = arith.cmpi sle, %scan3A_153, %le3A_340 : i32
        %convert_element_type3A_342 = arith.extui %le3A_341 : i1 to i32
        %cond3A_343 = arith.constant 0 : i32
        %cond3A_344 = arith.cmpi ne, %convert_element_type3A_342, %cond3A_343 : i32
        scf.if %cond3A_344 {
          %dma_start3A_345 = arith.constant 0 : i32
          %dma_start3A_346 = arith.constant 0 : i32
          %dma_start3A_347 = tpu.memref_slice %arg2[%dma_start3A_345, %dma_start3A_346] : memref<10000x128xf32, #tpu.memory_space<hbm>> -> memref<10000x128xf32, #tpu.memory_space<hbm>>
          tpu.enqueue_indirect_dma source(%dma_start3A_347 : memref<10000x128xf32, #tpu.memory_space<hbm>>) target(%arg23 : memref<104x128xf32, #tpu.memory_space<vmem>>) offsets(%arg14 : memref<104xi32, #tpu.memory_space<vmem>>) semaphore(%arg36 : memref<!tpu.dma_semaphore, #tpu.memory_space<semaphore_mem>>)
        } else {
        }
      }
      %scan3A_121 = arith.constant 32 : i32
      %add3A_122 = arith.constant 19968 : i32
      %add3A_123 = arith.addi %mul3A_2, %add3A_122 : i32
      %dma_start3A_124 = tpu.memref_slice %arg4[%add3A_123] : memref<320000xi32, #tpu.memory_space<hbm>> -> memref<32xi32, #tpu.memory_space<hbm>>
      %dma_start3A_125 = tpu.memref_slice %arg4[%add3A_123] : memref<320000xi32, #tpu.memory_space<hbm>> -> memref<32xi32, #tpu.memory_space<hbm>>
      tpu.enqueue_dma source(%dma_start3A_125 : memref<32xi32, #tpu.memory_space<hbm>>) target(%arg26 : memref<32xi32, #tpu.memory_space<vmem>>) target_semaphore(%arg42 : memref<!tpu.dma_semaphore, #tpu.memory_space<semaphore_mem>>)
      %dma_start3A_126 = tpu.memref_slice %arg5[%add3A_123] : memref<320000xi32, #tpu.memory_space<hbm>> -> memref<32xi32, #tpu.memory_space<hbm>>
      %dma_start3A_127 = tpu.memref_slice %arg5[%add3A_123] : memref<320000xi32, #tpu.memory_space<hbm>> -> memref<32xi32, #tpu.memory_space<hbm>>
      tpu.enqueue_dma source(%dma_start3A_127 : memref<32xi32, #tpu.memory_space<hbm>>) target(%arg27 : memref<32xi32, #tpu.memory_space<vmem>>) target_semaphore(%arg42 : memref<!tpu.dma_semaphore, #tpu.memory_space<semaphore_mem>>)
      %dma_wait3A_128 = arith.constant 0 : i32
      %dma_wait3A_129 = tpu.memref_slice %arg4[%dma_wait3A_128] : memref<320000xi32, #tpu.memory_space<hbm>> -> memref<32xi32, #tpu.memory_space<hbm>>
      %dma_wait3A_130 = arith.constant 0 : i32
      %dma_wait3A_131 = tpu.memref_slice %arg4[%dma_wait3A_130] : memref<320000xi32, #tpu.memory_space<hbm>> -> memref<32xi32, #tpu.memory_space<hbm>>
      tpu.wait_dma2 semaphore(%arg42 : memref<!tpu.dma_semaphore, #tpu.memory_space<semaphore_mem>>) src(%dma_wait3A_131 : memref<32xi32, #tpu.memory_space<hbm>>) dst(%arg26 : memref<32xi32, #tpu.memory_space<vmem>>)
      %dma_wait3A_132 = arith.constant 0 : i32
      %dma_wait3A_133 = tpu.memref_slice %arg5[%dma_wait3A_132] : memref<320000xi32, #tpu.memory_space<hbm>> -> memref<32xi32, #tpu.memory_space<hbm>>
      %dma_wait3A_134 = arith.constant 0 : i32
      %dma_wait3A_135 = tpu.memref_slice %arg5[%dma_wait3A_134] : memref<320000xi32, #tpu.memory_space<hbm>> -> memref<32xi32, #tpu.memory_space<hbm>>
      tpu.wait_dma2 semaphore(%arg42 : memref<!tpu.dma_semaphore, #tpu.memory_space<semaphore_mem>>) src(%dma_wait3A_135 : memref<32xi32, #tpu.memory_space<hbm>>) dst(%arg27 : memref<32xi32, #tpu.memory_space<vmem>>)
      %dma_start3A_136 = arith.constant 0 : i32
      %dma_start3A_137 = arith.constant 0 : i32
      %dma_start3A_138 = tpu.memref_slice %arg2[%dma_start3A_136, %dma_start3A_137] : memref<10000x128xf32, #tpu.memory_space<hbm>> -> memref<10000x128xf32, #tpu.memory_space<hbm>>
      tpu.enqueue_indirect_dma source(%dma_start3A_138 : memref<10000x128xf32, #tpu.memory_space<hbm>>) target(%arg28 : memref<32x128xf32, #tpu.memory_space<vmem>>) offsets(%arg26 : memref<32xi32, #tpu.memory_space<vmem>>) semaphore(%arg42 : memref<!tpu.dma_semaphore, #tpu.memory_space<semaphore_mem>>)
      %dma_wait3A_139 = arith.constant 0 : i32
      %dma_wait3A_140 = arith.constant 0 : i32
      %dma_wait3A_141 = tpu.memref_slice %arg2[%dma_wait3A_139, %dma_wait3A_140] : memref<10000x128xf32, #tpu.memory_space<hbm>> -> memref<10000x128xf32, #tpu.memory_space<hbm>>
      tpu.wait_indirect_dma semaphore(%arg42 : memref<!tpu.dma_semaphore, #tpu.memory_space<semaphore_mem>>) src(%dma_wait3A_141 : memref<10000x128xf32, #tpu.memory_space<hbm>>) dst(%arg28 : memref<32x128xf32, #tpu.memory_space<vmem>>)
      "tpu.region"() ({
        %run_scoped3A = tpu.sem_alloc : memref<!tpu.dma_semaphore, #tpu.memory_space<semaphore_mem>>
        %dma_start3A_153 = arith.constant 0 : i32
        %dma_start3A_154 = arith.constant 0 : i32
        %dma_start3A_155 = tpu.memref_slice %arg29[%dma_start3A_153, %dma_start3A_154] : memref<10000x128xf32, #tpu.memory_space<vmem_shared>> -> memref<10000x128xf32, #tpu.memory_space<vmem_shared>>
        tpu.enqueue_indirect_dma source(%arg28 : memref<32x128xf32, #tpu.memory_space<vmem>>) target(%dma_start3A_155 : memref<10000x128xf32, #tpu.memory_space<vmem_shared>>) offsets(%arg27 : memref<32xi32, #tpu.memory_space<vmem>>) semaphore(%run_scoped3A : memref<!tpu.dma_semaphore, #tpu.memory_space<semaphore_mem>>) {add = true}
        %dma_wait3A_156 = arith.constant 0 : i32
        %dma_wait3A_157 = arith.constant 0 : i32
        %dma_wait3A_158 = tpu.memref_slice %arg29[%dma_wait3A_156, %dma_wait3A_157] : memref<10000x128xf32, #tpu.memory_space<vmem_shared>> -> memref<10000x128xf32, #tpu.memory_space<vmem_shared>>
        tpu.wait_indirect_dma semaphore(%run_scoped3A : memref<!tpu.dma_semaphore, #tpu.memory_space<semaphore_mem>>) src(%arg28 : memref<32x128xf32, #tpu.memory_space<vmem>>) dst(%dma_wait3A_158 : memref<10000x128xf32, #tpu.memory_space<vmem_shared>>)
        tpu.yield
      }) : () -> ()
      %barrier3A_142 = arith.constant 0 : index
      tpu.barrier barrier_id(%barrier3A_142)
      %lt3A_143 = arith.constant 15 : i32
      %lt3A_144 = arith.cmpi slt, %arg1, %lt3A_143 : i32
      %convert_element_type3A_145 = arith.extui %lt3A_144 : i1 to i32
      %cond3A_146 = arith.constant 0 : i32
      %cond3A_147 = arith.cmpi ne, %convert_element_type3A_145, %cond3A_146 : i32
      scf.if %cond3A_147 {
        "tpu.region"() ({
          %run_scoped3A = tpu.sem_alloc : memref<!tpu.dma_semaphore, #tpu.memory_space<semaphore_mem>>
          %dma_start3A_153 = arith.constant 0 : i32
          %dma_start3A_154 = tpu.memref_slice %arg9[%mul3A_0, %dma_start3A_153] : memref<10000x128xf32, #tpu.memory_space<hbm>> -> memref<640x128xf32, #tpu.memory_space<hbm>>
          %dma_start3A_155 = arith.constant 0 : i32
          %dma_start3A_156 = tpu.memref_slice %arg29[%mul3A_0, %dma_start3A_155] : memref<10000x128xf32, #tpu.memory_space<vmem_shared>> -> memref<640x128xf32, #tpu.memory_space<vmem_shared>>
          tpu.enqueue_dma source(%dma_start3A_156 : memref<640x128xf32, #tpu.memory_space<vmem_shared>>) target(%dma_start3A_154 : memref<640x128xf32, #tpu.memory_space<hbm>>) target_semaphore(%run_scoped3A : memref<!tpu.dma_semaphore, #tpu.memory_space<semaphore_mem>>)
          %dma_wait3A_157 = arith.constant 0 : i32
          %dma_wait3A_158 = tpu.memref_slice %arg9[%mul3A_0, %dma_wait3A_157] : memref<10000x128xf32, #tpu.memory_space<hbm>> -> memref<640x128xf32, #tpu.memory_space<hbm>>
          %dma_wait3A_159 = arith.constant 0 : i32
          %dma_wait3A_160 = tpu.memref_slice %arg29[%mul3A_0, %dma_wait3A_159] : memref<10000x128xf32, #tpu.memory_space<vmem_shared>> -> memref<640x128xf32, #tpu.memory_space<vmem_shared>>
          tpu.wait_dma2 semaphore(%run_scoped3A : memref<!tpu.dma_semaphore, #tpu.memory_space<semaphore_mem>>) src(%dma_wait3A_160 : memref<640x128xf32, #tpu.memory_space<vmem_shared>>) dst(%dma_wait3A_158 : memref<640x128xf32, #tpu.memory_space<hbm>>)
          tpu.yield
        }) : () -> ()
      } else {
      }
      %eq3A_148 = arith.constant 15 : i32
      %eq3A_149 = arith.cmpi eq, %arg1, %eq3A_148 : i32
      %convert_element_type3A_150 = arith.extui %eq3A_149 : i1 to i32
      %cond3A_151 = arith.constant 0 : i32
      %cond3A_152 = arith.cmpi ne, %convert_element_type3A_150, %cond3A_151 : i32
      scf.if %cond3A_152 {
        "tpu.region"() ({
          %run_scoped3A = tpu.sem_alloc : memref<!tpu.dma_semaphore, #tpu.memory_space<semaphore_mem>>
          %dma_start3A_153 = arith.constant 9600 : i32
          %dma_start3A_154 = arith.constant 0 : i32
          %dma_start3A_155 = tpu.memref_slice %arg9[%dma_start3A_153, %dma_start3A_154] : memref<10000x128xf32, #tpu.memory_space<hbm>> -> memref<400x128xf32, #tpu.memory_space<hbm>>
          %dma_start3A_156 = arith.constant 9600 : i32
          %dma_start3A_157 = arith.constant 0 : i32
          %dma_start3A_158 = tpu.memref_slice %arg29[%dma_start3A_156, %dma_start3A_157] : memref<10000x128xf32, #tpu.memory_space<vmem_shared>> -> memref<400x128xf32, #tpu.memory_space<vmem_shared>>
          tpu.enqueue_dma source(%dma_start3A_158 : memref<400x128xf32, #tpu.memory_space<vmem_shared>>) target(%dma_start3A_155 : memref<400x128xf32, #tpu.memory_space<hbm>>) target_semaphore(%run_scoped3A : memref<!tpu.dma_semaphore, #tpu.memory_space<semaphore_mem>>)
          %dma_wait3A_159 = arith.constant 9600 : i32
          %dma_wait3A_160 = arith.constant 0 : i32
          %dma_wait3A_161 = tpu.memref_slice %arg9[%dma_wait3A_159, %dma_wait3A_160] : memref<10000x128xf32, #tpu.memory_space<hbm>> -> memref<400x128xf32, #tpu.memory_space<hbm>>
          %dma_wait3A_162 = arith.constant 9600 : i32
          %dma_wait3A_163 = arith.constant 0 : i32
          %dma_wait3A_164 = tpu.memref_slice %arg29[%dma_wait3A_162, %dma_wait3A_163] : memref<10000x128xf32, #tpu.memory_space<vmem_shared>> -> memref<400x128xf32, #tpu.memory_space<vmem_shared>>
          tpu.wait_dma2 semaphore(%run_scoped3A : memref<!tpu.dma_semaphore, #tpu.memory_space<semaphore_mem>>) src(%dma_wait3A_164 : memref<400x128xf32, #tpu.memory_space<vmem_shared>>) dst(%dma_wait3A_161 : memref<400x128xf32, #tpu.memory_space<hbm>>)
          tpu.yield
        }) : () -> ()
      } else {
      }
    } else {
    }
    %eq3A_5 = arith.constant 1 : i32
    %eq3A_6 = arith.cmpi eq, %arg0, %eq3A_5 : i32
    %convert_element_type3A_7 = arith.extui %eq3A_6 : i1 to i32
    %cond3A_8 = arith.constant 0 : i32
    %cond3A_9 = arith.cmpi ne, %convert_element_type3A_7, %cond3A_8 : i32
    scf.if %cond3A_9 {
      %add3A = arith.constant 0 : i32
      %add3A_10 = arith.addi %mul3A_2, %add3A : i32
      %dma_start3A = tpu.memref_slice %arg6[%add3A_10] : memref<320000xi32, #tpu.memory_space<hbm>> -> memref<104xi32, #tpu.memory_space<hbm>>
      %dma_start3A_11 = tpu.memref_slice %arg6[%add3A_10] : memref<320000xi32, #tpu.memory_space<hbm>> -> memref<104xi32, #tpu.memory_space<hbm>>
      tpu.enqueue_dma source(%dma_start3A_11 : memref<104xi32, #tpu.memory_space<hbm>>) target(%arg11 : memref<104xi32, #tpu.memory_space<vmem>>) target_semaphore(%arg30 : memref<!tpu.dma_semaphore, #tpu.memory_space<semaphore_mem>>)
      %dma_start3A_12 = tpu.memref_slice %arg7[%add3A_10] : memref<320000xi32, #tpu.memory_space<hbm>> -> memref<104xi32, #tpu.memory_space<hbm>>
      %dma_start3A_13 = tpu.memref_slice %arg7[%add3A_10] : memref<320000xi32, #tpu.memory_space<hbm>> -> memref<104xi32, #tpu.memory_space<hbm>>
      tpu.enqueue_dma source(%dma_start3A_13 : memref<104xi32, #tpu.memory_space<hbm>>) target(%arg17 : memref<104xi32, #tpu.memory_space<vmem>>) target_semaphore(%arg30 : memref<!tpu.dma_semaphore, #tpu.memory_space<semaphore_mem>>)
      %add3A_14 = arith.constant 104 : i32
      %add3A_15 = arith.addi %mul3A_2, %add3A_14 : i32
      %dma_start3A_16 = tpu.memref_slice %arg6[%add3A_15] : memref<320000xi32, #tpu.memory_space<hbm>> -> memref<104xi32, #tpu.memory_space<hbm>>
      %dma_start3A_17 = tpu.memref_slice %arg6[%add3A_15] : memref<320000xi32, #tpu.memory_space<hbm>> -> memref<104xi32, #tpu.memory_space<hbm>>
      tpu.enqueue_dma source(%dma_start3A_17 : memref<104xi32, #tpu.memory_space<hbm>>) target(%arg12 : memref<104xi32, #tpu.memory_space<vmem>>) target_semaphore(%arg31 : memref<!tpu.dma_semaphore, #tpu.memory_space<semaphore_mem>>)
      %dma_start3A_18 = tpu.memref_slice %arg7[%add3A_15] : memref<320000xi32, #tpu.memory_space<hbm>> -> memref<104xi32, #tpu.memory_space<hbm>>
      %dma_start3A_19 = tpu.memref_slice %arg7[%add3A_15] : memref<320000xi32, #tpu.memory_space<hbm>> -> memref<104xi32, #tpu.memory_space<hbm>>
      tpu.enqueue_dma source(%dma_start3A_19 : memref<104xi32, #tpu.memory_space<hbm>>) target(%arg18 : memref<104xi32, #tpu.memory_space<vmem>>) target_semaphore(%arg31 : memref<!tpu.dma_semaphore, #tpu.memory_space<semaphore_mem>>)
      %add3A_20 = arith.constant 208 : i32
      %add3A_21 = arith.addi %mul3A_2, %add3A_20 : i32
      %dma_start3A_22 = tpu.memref_slice %arg6[%add3A_21] : memref<320000xi32, #tpu.memory_space<hbm>> -> memref<104xi32, #tpu.memory_space<hbm>>
      %dma_start3A_23 = tpu.memref_slice %arg6[%add3A_21] : memref<320000xi32, #tpu.memory_space<hbm>> -> memref<104xi32, #tpu.memory_space<hbm>>
      tpu.enqueue_dma source(%dma_start3A_23 : memref<104xi32, #tpu.memory_space<hbm>>) target(%arg13 : memref<104xi32, #tpu.memory_space<vmem>>) target_semaphore(%arg32 : memref<!tpu.dma_semaphore, #tpu.memory_space<semaphore_mem>>)
      %dma_start3A_24 = tpu.memref_slice %arg7[%add3A_21] : memref<320000xi32, #tpu.memory_space<hbm>> -> memref<104xi32, #tpu.memory_space<hbm>>
      %dma_start3A_25 = tpu.memref_slice %arg7[%add3A_21] : memref<320000xi32, #tpu.memory_space<hbm>> -> memref<104xi32, #tpu.memory_space<hbm>>
      tpu.enqueue_dma source(%dma_start3A_25 : memref<104xi32, #tpu.memory_space<hbm>>) target(%arg19 : memref<104xi32, #tpu.memory_space<vmem>>) target_semaphore(%arg32 : memref<!tpu.dma_semaphore, #tpu.memory_space<semaphore_mem>>)
      %add3A_26 = arith.constant 312 : i32
      %add3A_27 = arith.addi %mul3A_2, %add3A_26 : i32
      %dma_start3A_28 = tpu.memref_slice %arg6[%add3A_27] : memref<320000xi32, #tpu.memory_space<hbm>> -> memref<104xi32, #tpu.memory_space<hbm>>
      %dma_start3A_29 = tpu.memref_slice %arg6[%add3A_27] : memref<320000xi32, #tpu.memory_space<hbm>> -> memref<104xi32, #tpu.memory_space<hbm>>
      tpu.enqueue_dma source(%dma_start3A_29 : memref<104xi32, #tpu.memory_space<hbm>>) target(%arg14 : memref<104xi32, #tpu.memory_space<vmem>>) target_semaphore(%arg33 : memref<!tpu.dma_semaphore, #tpu.memory_space<semaphore_mem>>)
      %dma_start3A_30 = tpu.memref_slice %arg7[%add3A_27] : memref<320000xi32, #tpu.memory_space<hbm>> -> memref<104xi32, #tpu.memory_space<hbm>>
      %dma_start3A_31 = tpu.memref_slice %arg7[%add3A_27] : memref<320000xi32, #tpu.memory_space<hbm>> -> memref<104xi32, #tpu.memory_space<hbm>>
      tpu.enqueue_dma source(%dma_start3A_31 : memref<104xi32, #tpu.memory_space<hbm>>) target(%arg20 : memref<104xi32, #tpu.memory_space<vmem>>) target_semaphore(%arg33 : memref<!tpu.dma_semaphore, #tpu.memory_space<semaphore_mem>>)
      %add3A_32 = arith.constant 416 : i32
      %add3A_33 = arith.addi %mul3A_2, %add3A_32 : i32
      %dma_start3A_34 = tpu.memref_slice %arg6[%add3A_33] : memref<320000xi32, #tpu.memory_space<hbm>> -> memref<104xi32, #tpu.memory_space<hbm>>
      %dma_start3A_35 = tpu.memref_slice %arg6[%add3A_33] : memref<320000xi32, #tpu.memory_space<hbm>> -> memref<104xi32, #tpu.memory_space<hbm>>
      tpu.enqueue_dma source(%dma_start3A_35 : memref<104xi32, #tpu.memory_space<hbm>>) target(%arg15 : memref<104xi32, #tpu.memory_space<vmem>>) target_semaphore(%arg34 : memref<!tpu.dma_semaphore, #tpu.memory_space<semaphore_mem>>)
      %dma_start3A_36 = tpu.memref_slice %arg7[%add3A_33] : memref<320000xi32, #tpu.memory_space<hbm>> -> memref<104xi32, #tpu.memory_space<hbm>>
      %dma_start3A_37 = tpu.memref_slice %arg7[%add3A_33] : memref<320000xi32, #tpu.memory_space<hbm>> -> memref<104xi32, #tpu.memory_space<hbm>>
      tpu.enqueue_dma source(%dma_start3A_37 : memref<104xi32, #tpu.memory_space<hbm>>) target(%arg21 : memref<104xi32, #tpu.memory_space<vmem>>) target_semaphore(%arg34 : memref<!tpu.dma_semaphore, #tpu.memory_space<semaphore_mem>>)
      %add3A_38 = arith.constant 520 : i32
      %add3A_39 = arith.addi %mul3A_2, %add3A_38 : i32
      %dma_start3A_40 = tpu.memref_slice %arg6[%add3A_39] : memref<320000xi32, #tpu.memory_space<hbm>> -> memref<104xi32, #tpu.memory_space<hbm>>
      %dma_start3A_41 = tpu.memref_slice %arg6[%add3A_39] : memref<320000xi32, #tpu.memory_space<hbm>> -> memref<104xi32, #tpu.memory_space<hbm>>
      tpu.enqueue_dma source(%dma_start3A_41 : memref<104xi32, #tpu.memory_space<hbm>>) target(%arg16 : memref<104xi32, #tpu.memory_space<vmem>>) target_semaphore(%arg35 : memref<!tpu.dma_semaphore, #tpu.memory_space<semaphore_mem>>)
      %dma_start3A_42 = tpu.memref_slice %arg7[%add3A_39] : memref<320000xi32, #tpu.memory_space<hbm>> -> memref<104xi32, #tpu.memory_space<hbm>>
      %dma_start3A_43 = tpu.memref_slice %arg7[%add3A_39] : memref<320000xi32, #tpu.memory_space<hbm>> -> memref<104xi32, #tpu.memory_space<hbm>>
      tpu.enqueue_dma source(%dma_start3A_43 : memref<104xi32, #tpu.memory_space<hbm>>) target(%arg22 : memref<104xi32, #tpu.memory_space<vmem>>) target_semaphore(%arg35 : memref<!tpu.dma_semaphore, #tpu.memory_space<semaphore_mem>>)
      %lt3A = arith.constant 15 : i32
      %lt3A_44 = arith.cmpi slt, %arg1, %lt3A : i32
      %convert_element_type3A_45 = arith.extui %lt3A_44 : i1 to i32
      %cond3A_46 = arith.constant 0 : i32
      %cond3A_47 = arith.cmpi ne, %convert_element_type3A_45, %cond3A_46 : i32
      scf.if %cond3A_47 {
        "tpu.region"() ({
          %run_scoped3A = tpu.sem_alloc : memref<!tpu.dma_semaphore, #tpu.memory_space<semaphore_mem>>
          %dma_start3A_153 = arith.constant 0 : i32
          %dma_start3A_154 = tpu.memref_slice %arg29[%mul3A_0, %dma_start3A_153] : memref<10000x128xf32, #tpu.memory_space<vmem_shared>> -> memref<640x128xf32, #tpu.memory_space<vmem_shared>>
          %dma_start3A_155 = arith.constant 0 : i32
          %dma_start3A_156 = tpu.memref_slice %arg8[%mul3A_0, %dma_start3A_155] : memref<10000x128xf32, #tpu.memory_space<hbm>> -> memref<640x128xf32, #tpu.memory_space<hbm>>
          tpu.enqueue_dma source(%dma_start3A_156 : memref<640x128xf32, #tpu.memory_space<hbm>>) target(%dma_start3A_154 : memref<640x128xf32, #tpu.memory_space<vmem_shared>>) target_semaphore(%run_scoped3A : memref<!tpu.dma_semaphore, #tpu.memory_space<semaphore_mem>>)
          %dma_wait3A_157 = arith.constant 0 : i32
          %dma_wait3A_158 = tpu.memref_slice %arg29[%mul3A_0, %dma_wait3A_157] : memref<10000x128xf32, #tpu.memory_space<vmem_shared>> -> memref<640x128xf32, #tpu.memory_space<vmem_shared>>
          %dma_wait3A_159 = arith.constant 0 : i32
          %dma_wait3A_160 = tpu.memref_slice %arg8[%mul3A_0, %dma_wait3A_159] : memref<10000x128xf32, #tpu.memory_space<hbm>> -> memref<640x128xf32, #tpu.memory_space<hbm>>
          tpu.wait_dma2 semaphore(%run_scoped3A : memref<!tpu.dma_semaphore, #tpu.memory_space<semaphore_mem>>) src(%dma_wait3A_160 : memref<640x128xf32, #tpu.memory_space<hbm>>) dst(%dma_wait3A_158 : memref<640x128xf32, #tpu.memory_space<vmem_shared>>)
          tpu.yield
        }) : () -> ()
      } else {
      }
      %eq3A_48 = arith.constant 15 : i32
      %eq3A_49 = arith.cmpi eq, %arg1, %eq3A_48 : i32
      %convert_element_type3A_50 = arith.extui %eq3A_49 : i1 to i32
      %cond3A_51 = arith.constant 0 : i32
      %cond3A_52 = arith.cmpi ne, %convert_element_type3A_50, %cond3A_51 : i32
      scf.if %cond3A_52 {
        "tpu.region"() ({
          %run_scoped3A = tpu.sem_alloc : memref<!tpu.dma_semaphore, #tpu.memory_space<semaphore_mem>>
          %dma_start3A_153 = arith.constant 9600 : i32
          %dma_start3A_154 = arith.constant 0 : i32
          %dma_start3A_155 = tpu.memref_slice %arg29[%dma_start3A_153, %dma_start3A_154] : memref<10000x128xf32, #tpu.memory_space<vmem_shared>> -> memref<400x128xf32, #tpu.memory_space<vmem_shared>>
          %dma_start3A_156 = arith.constant 9600 : i32
          %dma_start3A_157 = arith.constant 0 : i32
          %dma_start3A_158 = tpu.memref_slice %arg8[%dma_start3A_156, %dma_start3A_157] : memref<10000x128xf32, #tpu.memory_space<hbm>> -> memref<400x128xf32, #tpu.memory_space<hbm>>
          tpu.enqueue_dma source(%dma_start3A_158 : memref<400x128xf32, #tpu.memory_space<hbm>>) target(%dma_start3A_155 : memref<400x128xf32, #tpu.memory_space<vmem_shared>>) target_semaphore(%run_scoped3A : memref<!tpu.dma_semaphore, #tpu.memory_space<semaphore_mem>>)
          %dma_wait3A_159 = arith.constant 9600 : i32
          %dma_wait3A_160 = arith.constant 0 : i32
          %dma_wait3A_161 = tpu.memref_slice %arg29[%dma_wait3A_159, %dma_wait3A_160] : memref<10000x128xf32, #tpu.memory_space<vmem_shared>> -> memref<400x128xf32, #tpu.memory_space<vmem_shared>>
          %dma_wait3A_162 = arith.constant 9600 : i32
          %dma_wait3A_163 = arith.constant 0 : i32
          %dma_wait3A_164 = tpu.memref_slice %arg8[%dma_wait3A_162, %dma_wait3A_163] : memref<10000x128xf32, #tpu.memory_space<hbm>> -> memref<400x128xf32, #tpu.memory_space<hbm>>
          tpu.wait_dma2 semaphore(%run_scoped3A : memref<!tpu.dma_semaphore, #tpu.memory_space<semaphore_mem>>) src(%dma_wait3A_164 : memref<400x128xf32, #tpu.memory_space<hbm>>) dst(%dma_wait3A_161 : memref<400x128xf32, #tpu.memory_space<vmem_shared>>)
          tpu.yield
        }) : () -> ()
      } else {
      }
      %barrier3A = arith.constant 0 : index
      tpu.barrier barrier_id(%barrier3A)
      %dma_wait3A = arith.constant 0 : i32
      %dma_wait3A_53 = tpu.memref_slice %arg6[%dma_wait3A] : memref<320000xi32, #tpu.memory_space<hbm>> -> memref<104xi32, #tpu.memory_space<hbm>>
      %dma_wait3A_54 = arith.constant 0 : i32
      %dma_wait3A_55 = tpu.memref_slice %arg6[%dma_wait3A_54] : memref<320000xi32, #tpu.memory_space<hbm>> -> memref<104xi32, #tpu.memory_space<hbm>>
      tpu.wait_dma2 semaphore(%arg30 : memref<!tpu.dma_semaphore, #tpu.memory_space<semaphore_mem>>) src(%dma_wait3A_55 : memref<104xi32, #tpu.memory_space<hbm>>) dst(%arg11 : memref<104xi32, #tpu.memory_space<vmem>>)
      %dma_wait3A_56 = arith.constant 0 : i32
      %dma_wait3A_57 = tpu.memref_slice %arg7[%dma_wait3A_56] : memref<320000xi32, #tpu.memory_space<hbm>> -> memref<104xi32, #tpu.memory_space<hbm>>
      %dma_wait3A_58 = arith.constant 0 : i32
      %dma_wait3A_59 = tpu.memref_slice %arg7[%dma_wait3A_58] : memref<320000xi32, #tpu.memory_space<hbm>> -> memref<104xi32, #tpu.memory_space<hbm>>
      tpu.wait_dma2 semaphore(%arg30 : memref<!tpu.dma_semaphore, #tpu.memory_space<semaphore_mem>>) src(%dma_wait3A_59 : memref<104xi32, #tpu.memory_space<hbm>>) dst(%arg17 : memref<104xi32, #tpu.memory_space<vmem>>)
      %dma_start3A_60 = arith.constant 0 : i32
      %dma_start3A_61 = arith.constant 0 : i32
      %dma_start3A_62 = tpu.memref_slice %arg3[%dma_start3A_60, %dma_start3A_61] : memref<10000x128xf32, #tpu.memory_space<hbm>> -> memref<10000x128xf32, #tpu.memory_space<hbm>>
      tpu.enqueue_indirect_dma source(%dma_start3A_62 : memref<10000x128xf32, #tpu.memory_space<hbm>>) target(%arg23 : memref<104x128xf32, #tpu.memory_space<vmem>>) offsets(%arg11 : memref<104xi32, #tpu.memory_space<vmem>>) semaphore(%arg36 : memref<!tpu.dma_semaphore, #tpu.memory_space<semaphore_mem>>)
      %dma_wait3A_63 = arith.constant 0 : i32
      %dma_wait3A_64 = tpu.memref_slice %arg6[%dma_wait3A_63] : memref<320000xi32, #tpu.memory_space<hbm>> -> memref<104xi32, #tpu.memory_space<hbm>>
      %dma_wait3A_65 = arith.constant 0 : i32
      %dma_wait3A_66 = tpu.memref_slice %arg6[%dma_wait3A_65] : memref<320000xi32, #tpu.memory_space<hbm>> -> memref<104xi32, #tpu.memory_space<hbm>>
      tpu.wait_dma2 semaphore(%arg31 : memref<!tpu.dma_semaphore, #tpu.memory_space<semaphore_mem>>) src(%dma_wait3A_66 : memref<104xi32, #tpu.memory_space<hbm>>) dst(%arg12 : memref<104xi32, #tpu.memory_space<vmem>>)
      %dma_wait3A_67 = arith.constant 0 : i32
      %dma_wait3A_68 = tpu.memref_slice %arg7[%dma_wait3A_67] : memref<320000xi32, #tpu.memory_space<hbm>> -> memref<104xi32, #tpu.memory_space<hbm>>
      %dma_wait3A_69 = arith.constant 0 : i32
      %dma_wait3A_70 = tpu.memref_slice %arg7[%dma_wait3A_69] : memref<320000xi32, #tpu.memory_space<hbm>> -> memref<104xi32, #tpu.memory_space<hbm>>
      tpu.wait_dma2 semaphore(%arg31 : memref<!tpu.dma_semaphore, #tpu.memory_space<semaphore_mem>>) src(%dma_wait3A_70 : memref<104xi32, #tpu.memory_space<hbm>>) dst(%arg18 : memref<104xi32, #tpu.memory_space<vmem>>)
      %dma_start3A_71 = arith.constant 0 : i32
      %dma_start3A_72 = arith.constant 0 : i32
      %dma_start3A_73 = tpu.memref_slice %arg3[%dma_start3A_71, %dma_start3A_72] : memref<10000x128xf32, #tpu.memory_space<hbm>> -> memref<10000x128xf32, #tpu.memory_space<hbm>>
      tpu.enqueue_indirect_dma source(%dma_start3A_73 : memref<10000x128xf32, #tpu.memory_space<hbm>>) target(%arg24 : memref<104x128xf32, #tpu.memory_space<vmem>>) offsets(%arg12 : memref<104xi32, #tpu.memory_space<vmem>>) semaphore(%arg37 : memref<!tpu.dma_semaphore, #tpu.memory_space<semaphore_mem>>)
      %dma_wait3A_74 = arith.constant 0 : i32
      %dma_wait3A_75 = arith.constant 0 : i32
      %dma_wait3A_76 = tpu.memref_slice %arg3[%dma_wait3A_74, %dma_wait3A_75] : memref<10000x128xf32, #tpu.memory_space<hbm>> -> memref<10000x128xf32, #tpu.memory_space<hbm>>
      tpu.wait_indirect_dma semaphore(%arg36 : memref<!tpu.dma_semaphore, #tpu.memory_space<semaphore_mem>>) src(%dma_wait3A_76 : memref<10000x128xf32, #tpu.memory_space<hbm>>) dst(%arg23 : memref<104x128xf32, #tpu.memory_space<vmem>>)
      %dma_start3A_77 = arith.constant 0 : i32
      %dma_start3A_78 = arith.constant 0 : i32
      %dma_start3A_79 = tpu.memref_slice %arg29[%dma_start3A_77, %dma_start3A_78] : memref<10000x128xf32, #tpu.memory_space<vmem_shared>> -> memref<10000x128xf32, #tpu.memory_space<vmem_shared>>
      tpu.enqueue_indirect_dma source(%arg23 : memref<104x128xf32, #tpu.memory_space<vmem>>) target(%dma_start3A_79 : memref<10000x128xf32, #tpu.memory_space<vmem_shared>>) offsets(%arg17 : memref<104xi32, #tpu.memory_space<vmem>>) semaphore(%arg39 : memref<!tpu.dma_semaphore, #tpu.memory_space<semaphore_mem>>) {add = true}
      %dma_wait3A_80 = arith.constant 0 : i32
      %dma_wait3A_81 = tpu.memref_slice %arg6[%dma_wait3A_80] : memref<320000xi32, #tpu.memory_space<hbm>> -> memref<104xi32, #tpu.memory_space<hbm>>
      %dma_wait3A_82 = arith.constant 0 : i32
      %dma_wait3A_83 = tpu.memref_slice %arg6[%dma_wait3A_82] : memref<320000xi32, #tpu.memory_space<hbm>> -> memref<104xi32, #tpu.memory_space<hbm>>
      tpu.wait_dma2 semaphore(%arg32 : memref<!tpu.dma_semaphore, #tpu.memory_space<semaphore_mem>>) src(%dma_wait3A_83 : memref<104xi32, #tpu.memory_space<hbm>>) dst(%arg13 : memref<104xi32, #tpu.memory_space<vmem>>)
      %dma_wait3A_84 = arith.constant 0 : i32
      %dma_wait3A_85 = tpu.memref_slice %arg7[%dma_wait3A_84] : memref<320000xi32, #tpu.memory_space<hbm>> -> memref<104xi32, #tpu.memory_space<hbm>>
      %dma_wait3A_86 = arith.constant 0 : i32
      %dma_wait3A_87 = tpu.memref_slice %arg7[%dma_wait3A_86] : memref<320000xi32, #tpu.memory_space<hbm>> -> memref<104xi32, #tpu.memory_space<hbm>>
      tpu.wait_dma2 semaphore(%arg32 : memref<!tpu.dma_semaphore, #tpu.memory_space<semaphore_mem>>) src(%dma_wait3A_87 : memref<104xi32, #tpu.memory_space<hbm>>) dst(%arg19 : memref<104xi32, #tpu.memory_space<vmem>>)
      %dma_start3A_88 = arith.constant 0 : i32
      %dma_start3A_89 = arith.constant 0 : i32
      %dma_start3A_90 = tpu.memref_slice %arg3[%dma_start3A_88, %dma_start3A_89] : memref<10000x128xf32, #tpu.memory_space<hbm>> -> memref<10000x128xf32, #tpu.memory_space<hbm>>
      tpu.enqueue_indirect_dma source(%dma_start3A_90 : memref<10000x128xf32, #tpu.memory_space<hbm>>) target(%arg25 : memref<104x128xf32, #tpu.memory_space<vmem>>) offsets(%arg13 : memref<104xi32, #tpu.memory_space<vmem>>) semaphore(%arg38 : memref<!tpu.dma_semaphore, #tpu.memory_space<semaphore_mem>>)
      %dma_wait3A_91 = arith.constant 0 : i32
      %dma_wait3A_92 = arith.constant 0 : i32
      %dma_wait3A_93 = tpu.memref_slice %arg3[%dma_wait3A_91, %dma_wait3A_92] : memref<10000x128xf32, #tpu.memory_space<hbm>> -> memref<10000x128xf32, #tpu.memory_space<hbm>>
      tpu.wait_indirect_dma semaphore(%arg37 : memref<!tpu.dma_semaphore, #tpu.memory_space<semaphore_mem>>) src(%dma_wait3A_93 : memref<10000x128xf32, #tpu.memory_space<hbm>>) dst(%arg24 : memref<104x128xf32, #tpu.memory_space<vmem>>)
      %dma_start3A_94 = arith.constant 0 : i32
      %dma_start3A_95 = arith.constant 0 : i32
      %dma_start3A_96 = tpu.memref_slice %arg29[%dma_start3A_94, %dma_start3A_95] : memref<10000x128xf32, #tpu.memory_space<vmem_shared>> -> memref<10000x128xf32, #tpu.memory_space<vmem_shared>>
      tpu.enqueue_indirect_dma source(%arg24 : memref<104x128xf32, #tpu.memory_space<vmem>>) target(%dma_start3A_96 : memref<10000x128xf32, #tpu.memory_space<vmem_shared>>) offsets(%arg18 : memref<104xi32, #tpu.memory_space<vmem>>) semaphore(%arg40 : memref<!tpu.dma_semaphore, #tpu.memory_space<semaphore_mem>>) {add = true}
      %dma_wait3A_97 = arith.constant 0 : i32
      %dma_wait3A_98 = arith.constant 0 : i32
      %dma_wait3A_99 = tpu.memref_slice %arg29[%dma_wait3A_97, %dma_wait3A_98] : memref<10000x128xf32, #tpu.memory_space<vmem_shared>> -> memref<10000x128xf32, #tpu.memory_space<vmem_shared>>
      tpu.wait_indirect_dma semaphore(%arg39 : memref<!tpu.dma_semaphore, #tpu.memory_space<semaphore_mem>>) src(%arg23 : memref<104x128xf32, #tpu.memory_space<vmem>>) dst(%dma_wait3A_99 : memref<10000x128xf32, #tpu.memory_space<vmem_shared>>)
      %add3A_100 = arith.constant 624 : i32
      %add3A_101 = arith.addi %mul3A_2, %add3A_100 : i32
      %dma_start3A_102 = tpu.memref_slice %arg6[%add3A_101] : memref<320000xi32, #tpu.memory_space<hbm>> -> memref<104xi32, #tpu.memory_space<hbm>>
      %dma_start3A_103 = tpu.memref_slice %arg6[%add3A_101] : memref<320000xi32, #tpu.memory_space<hbm>> -> memref<104xi32, #tpu.memory_space<hbm>>
      tpu.enqueue_dma source(%dma_start3A_103 : memref<104xi32, #tpu.memory_space<hbm>>) target(%arg11 : memref<104xi32, #tpu.memory_space<vmem>>) target_semaphore(%arg30 : memref<!tpu.dma_semaphore, #tpu.memory_space<semaphore_mem>>)
      %dma_start3A_104 = tpu.memref_slice %arg7[%add3A_101] : memref<320000xi32, #tpu.memory_space<hbm>> -> memref<104xi32, #tpu.memory_space<hbm>>
      %dma_start3A_105 = tpu.memref_slice %arg7[%add3A_101] : memref<320000xi32, #tpu.memory_space<hbm>> -> memref<104xi32, #tpu.memory_space<hbm>>
      tpu.enqueue_dma source(%dma_start3A_105 : memref<104xi32, #tpu.memory_space<hbm>>) target(%arg17 : memref<104xi32, #tpu.memory_space<vmem>>) target_semaphore(%arg30 : memref<!tpu.dma_semaphore, #tpu.memory_space<semaphore_mem>>)
      %dma_wait3A_106 = arith.constant 0 : i32
      %dma_wait3A_107 = tpu.memref_slice %arg6[%dma_wait3A_106] : memref<320000xi32, #tpu.memory_space<hbm>> -> memref<104xi32, #tpu.memory_space<hbm>>
      %dma_wait3A_108 = arith.constant 0 : i32
      %dma_wait3A_109 = tpu.memref_slice %arg6[%dma_wait3A_108] : memref<320000xi32, #tpu.memory_space<hbm>> -> memref<104xi32, #tpu.memory_space<hbm>>
      tpu.wait_dma2 semaphore(%arg33 : memref<!tpu.dma_semaphore, #tpu.memory_space<semaphore_mem>>) src(%dma_wait3A_109 : memref<104xi32, #tpu.memory_space<hbm>>) dst(%arg14 : memref<104xi32, #tpu.memory_space<vmem>>)
      %dma_wait3A_110 = arith.constant 0 : i32
      %dma_wait3A_111 = tpu.memref_slice %arg7[%dma_wait3A_110] : memref<320000xi32, #tpu.memory_space<hbm>> -> memref<104xi32, #tpu.memory_space<hbm>>
      %dma_wait3A_112 = arith.constant 0 : i32
      %dma_wait3A_113 = tpu.memref_slice %arg7[%dma_wait3A_112] : memref<320000xi32, #tpu.memory_space<hbm>> -> memref<104xi32, #tpu.memory_space<hbm>>
      tpu.wait_dma2 semaphore(%arg33 : memref<!tpu.dma_semaphore, #tpu.memory_space<semaphore_mem>>) src(%dma_wait3A_113 : memref<104xi32, #tpu.memory_space<hbm>>) dst(%arg20 : memref<104xi32, #tpu.memory_space<vmem>>)
      %dma_start3A_114 = arith.constant 0 : i32
      %dma_start3A_115 = arith.constant 0 : i32
      %dma_start3A_116 = tpu.memref_slice %arg3[%dma_start3A_114, %dma_start3A_115] : memref<10000x128xf32, #tpu.memory_space<hbm>> -> memref<10000x128xf32, #tpu.memory_space<hbm>>
      tpu.enqueue_indirect_dma source(%dma_start3A_116 : memref<10000x128xf32, #tpu.memory_space<hbm>>) target(%arg23 : memref<104x128xf32, #tpu.memory_space<vmem>>) offsets(%arg14 : memref<104xi32, #tpu.memory_space<vmem>>) semaphore(%arg36 : memref<!tpu.dma_semaphore, #tpu.memory_space<semaphore_mem>>)
      %scan3A = arith.constant 0 : i32
      %scan3A_117 = arith.constant 0 : i32
      %scan3A_118 = arith.constant 32 : i32
      %scan3A_119 = arith.addi %scan3A_117, %scan3A_118 : i32
      %scan3A_120 = arith.constant 1 : i32
      scf.for %scan3A_153 = %scan3A_117 to %scan3A_119 step %scan3A_120  : i32 {
        %mul3A_154 = arith.constant 6 : i32
        %mul3A_155 = arith.muli %mul3A_154, %scan3A_153 : i32
        %add3A_156 = arith.constant 2 : i32
        %add3A_157 = arith.addi %add3A_156, %mul3A_155 : i32
        %add3A_158 = arith.constant 0 : i32
        %add3A_159 = arith.addi %add3A_157, %add3A_158 : i32
        %dma_wait3A_160 = arith.constant 0 : i32
        %dma_wait3A_161 = arith.constant 0 : i32
        %dma_wait3A_162 = tpu.memref_slice %arg3[%dma_wait3A_160, %dma_wait3A_161] : memref<10000x128xf32, #tpu.memory_space<hbm>> -> memref<10000x128xf32, #tpu.memory_space<hbm>>
        tpu.wait_indirect_dma semaphore(%arg38 : memref<!tpu.dma_semaphore, #tpu.memory_space<semaphore_mem>>) src(%dma_wait3A_162 : memref<10000x128xf32, #tpu.memory_space<hbm>>) dst(%arg25 : memref<104x128xf32, #tpu.memory_space<vmem>>)
        %dma_start3A_163 = arith.constant 0 : i32
        %dma_start3A_164 = arith.constant 0 : i32
        %dma_start3A_165 = tpu.memref_slice %arg29[%dma_start3A_163, %dma_start3A_164] : memref<10000x128xf32, #tpu.memory_space<vmem_shared>> -> memref<10000x128xf32, #tpu.memory_space<vmem_shared>>
        tpu.enqueue_indirect_dma source(%arg25 : memref<104x128xf32, #tpu.memory_space<vmem>>) target(%dma_start3A_165 : memref<10000x128xf32, #tpu.memory_space<vmem_shared>>) offsets(%arg19 : memref<104xi32, #tpu.memory_space<vmem>>) semaphore(%arg41 : memref<!tpu.dma_semaphore, #tpu.memory_space<semaphore_mem>>) {add = true}
        %dma_wait3A_166 = arith.constant 0 : i32
        %dma_wait3A_167 = arith.constant 0 : i32
        %dma_wait3A_168 = tpu.memref_slice %arg29[%dma_wait3A_166, %dma_wait3A_167] : memref<10000x128xf32, #tpu.memory_space<vmem_shared>> -> memref<10000x128xf32, #tpu.memory_space<vmem_shared>>
        tpu.wait_indirect_dma semaphore(%arg40 : memref<!tpu.dma_semaphore, #tpu.memory_space<semaphore_mem>>) src(%arg24 : memref<104x128xf32, #tpu.memory_space<vmem>>) dst(%dma_wait3A_168 : memref<10000x128xf32, #tpu.memory_space<vmem_shared>>)
        %le3A = arith.constant 30 : i32
        %le3A_169 = arith.cmpi sle, %scan3A_153, %le3A : i32
        %convert_element_type3A_170 = arith.extui %le3A_169 : i1 to i32
        %cond3A_171 = arith.constant 0 : i32
        %cond3A_172 = arith.cmpi ne, %convert_element_type3A_170, %cond3A_171 : i32
        scf.if %cond3A_172 {
          %add3A_345 = arith.constant 6 : i32
          %add3A_346 = arith.addi %add3A_159, %add3A_345 : i32
          %sub3A = arith.constant 1 : i32
          %sub3A_347 = arith.subi %add3A_346, %sub3A : i32
          %mul3A_348 = arith.constant 104 : i32
          %mul3A_349 = arith.muli %sub3A_347, %mul3A_348 : i32
          %add3A_350 = arith.addi %mul3A_2, %mul3A_349 : i32
          %dma_start3A_351 = tpu.memref_slice %arg6[%add3A_350] : memref<320000xi32, #tpu.memory_space<hbm>> -> memref<104xi32, #tpu.memory_space<hbm>>
          %dma_start3A_352 = tpu.memref_slice %arg6[%add3A_350] : memref<320000xi32, #tpu.memory_space<hbm>> -> memref<104xi32, #tpu.memory_space<hbm>>
          tpu.enqueue_dma source(%dma_start3A_352 : memref<104xi32, #tpu.memory_space<hbm>>) target(%arg12 : memref<104xi32, #tpu.memory_space<vmem>>) target_semaphore(%arg31 : memref<!tpu.dma_semaphore, #tpu.memory_space<semaphore_mem>>)
          %dma_start3A_353 = tpu.memref_slice %arg7[%add3A_350] : memref<320000xi32, #tpu.memory_space<hbm>> -> memref<104xi32, #tpu.memory_space<hbm>>
          %dma_start3A_354 = tpu.memref_slice %arg7[%add3A_350] : memref<320000xi32, #tpu.memory_space<hbm>> -> memref<104xi32, #tpu.memory_space<hbm>>
          tpu.enqueue_dma source(%dma_start3A_354 : memref<104xi32, #tpu.memory_space<hbm>>) target(%arg18 : memref<104xi32, #tpu.memory_space<vmem>>) target_semaphore(%arg31 : memref<!tpu.dma_semaphore, #tpu.memory_space<semaphore_mem>>)
        } else {
        }
        %dma_wait3A_173 = arith.constant 0 : i32
        %dma_wait3A_174 = tpu.memref_slice %arg6[%dma_wait3A_173] : memref<320000xi32, #tpu.memory_space<hbm>> -> memref<104xi32, #tpu.memory_space<hbm>>
        %dma_wait3A_175 = arith.constant 0 : i32
        %dma_wait3A_176 = tpu.memref_slice %arg6[%dma_wait3A_175] : memref<320000xi32, #tpu.memory_space<hbm>> -> memref<104xi32, #tpu.memory_space<hbm>>
        tpu.wait_dma2 semaphore(%arg34 : memref<!tpu.dma_semaphore, #tpu.memory_space<semaphore_mem>>) src(%dma_wait3A_176 : memref<104xi32, #tpu.memory_space<hbm>>) dst(%arg15 : memref<104xi32, #tpu.memory_space<vmem>>)
        %dma_wait3A_177 = arith.constant 0 : i32
        %dma_wait3A_178 = tpu.memref_slice %arg7[%dma_wait3A_177] : memref<320000xi32, #tpu.memory_space<hbm>> -> memref<104xi32, #tpu.memory_space<hbm>>
        %dma_wait3A_179 = arith.constant 0 : i32
        %dma_wait3A_180 = tpu.memref_slice %arg7[%dma_wait3A_179] : memref<320000xi32, #tpu.memory_space<hbm>> -> memref<104xi32, #tpu.memory_space<hbm>>
        tpu.wait_dma2 semaphore(%arg34 : memref<!tpu.dma_semaphore, #tpu.memory_space<semaphore_mem>>) src(%dma_wait3A_180 : memref<104xi32, #tpu.memory_space<hbm>>) dst(%arg21 : memref<104xi32, #tpu.memory_space<vmem>>)
        %dma_start3A_181 = arith.constant 0 : i32
        %dma_start3A_182 = arith.constant 0 : i32
        %dma_start3A_183 = tpu.memref_slice %arg3[%dma_start3A_181, %dma_start3A_182] : memref<10000x128xf32, #tpu.memory_space<hbm>> -> memref<10000x128xf32, #tpu.memory_space<hbm>>
        tpu.enqueue_indirect_dma source(%dma_start3A_183 : memref<10000x128xf32, #tpu.memory_space<hbm>>) target(%arg24 : memref<104x128xf32, #tpu.memory_space<vmem>>) offsets(%arg15 : memref<104xi32, #tpu.memory_space<vmem>>) semaphore(%arg37 : memref<!tpu.dma_semaphore, #tpu.memory_space<semaphore_mem>>)
        %mul3A_184 = arith.constant 6 : i32
        %mul3A_185 = arith.muli %mul3A_184, %scan3A_153 : i32
        %add3A_186 = arith.constant 2 : i32
        %add3A_187 = arith.addi %add3A_186, %mul3A_185 : i32
        %add3A_188 = arith.constant 1 : i32
        %add3A_189 = arith.addi %add3A_187, %add3A_188 : i32
        %dma_wait3A_190 = arith.constant 0 : i32
        %dma_wait3A_191 = arith.constant 0 : i32
        %dma_wait3A_192 = tpu.memref_slice %arg3[%dma_wait3A_190, %dma_wait3A_191] : memref<10000x128xf32, #tpu.memory_space<hbm>> -> memref<10000x128xf32, #tpu.memory_space<hbm>>
        tpu.wait_indirect_dma semaphore(%arg36 : memref<!tpu.dma_semaphore, #tpu.memory_space<semaphore_mem>>) src(%dma_wait3A_192 : memref<10000x128xf32, #tpu.memory_space<hbm>>) dst(%arg23 : memref<104x128xf32, #tpu.memory_space<vmem>>)
        %dma_start3A_193 = arith.constant 0 : i32
        %dma_start3A_194 = arith.constant 0 : i32
        %dma_start3A_195 = tpu.memref_slice %arg29[%dma_start3A_193, %dma_start3A_194] : memref<10000x128xf32, #tpu.memory_space<vmem_shared>> -> memref<10000x128xf32, #tpu.memory_space<vmem_shared>>
        tpu.enqueue_indirect_dma source(%arg23 : memref<104x128xf32, #tpu.memory_space<vmem>>) target(%dma_start3A_195 : memref<10000x128xf32, #tpu.memory_space<vmem_shared>>) offsets(%arg20 : memref<104xi32, #tpu.memory_space<vmem>>) semaphore(%arg39 : memref<!tpu.dma_semaphore, #tpu.memory_space<semaphore_mem>>) {add = true}
        %dma_wait3A_196 = arith.constant 0 : i32
        %dma_wait3A_197 = arith.constant 0 : i32
        %dma_wait3A_198 = tpu.memref_slice %arg29[%dma_wait3A_196, %dma_wait3A_197] : memref<10000x128xf32, #tpu.memory_space<vmem_shared>> -> memref<10000x128xf32, #tpu.memory_space<vmem_shared>>
        tpu.wait_indirect_dma semaphore(%arg41 : memref<!tpu.dma_semaphore, #tpu.memory_space<semaphore_mem>>) src(%arg25 : memref<104x128xf32, #tpu.memory_space<vmem>>) dst(%dma_wait3A_198 : memref<10000x128xf32, #tpu.memory_space<vmem_shared>>)
        %le3A_199 = arith.constant 30 : i32
        %le3A_200 = arith.cmpi sle, %scan3A_153, %le3A_199 : i32
        %convert_element_type3A_201 = arith.extui %le3A_200 : i1 to i32
        %cond3A_202 = arith.constant 0 : i32
        %cond3A_203 = arith.cmpi ne, %convert_element_type3A_201, %cond3A_202 : i32
        scf.if %cond3A_203 {
          %add3A_345 = arith.constant 6 : i32
          %add3A_346 = arith.addi %add3A_189, %add3A_345 : i32
          %sub3A = arith.constant 1 : i32
          %sub3A_347 = arith.subi %add3A_346, %sub3A : i32
          %mul3A_348 = arith.constant 104 : i32
          %mul3A_349 = arith.muli %sub3A_347, %mul3A_348 : i32
          %add3A_350 = arith.addi %mul3A_2, %mul3A_349 : i32
          %dma_start3A_351 = tpu.memref_slice %arg6[%add3A_350] : memref<320000xi32, #tpu.memory_space<hbm>> -> memref<104xi32, #tpu.memory_space<hbm>>
          %dma_start3A_352 = tpu.memref_slice %arg6[%add3A_350] : memref<320000xi32, #tpu.memory_space<hbm>> -> memref<104xi32, #tpu.memory_space<hbm>>
          tpu.enqueue_dma source(%dma_start3A_352 : memref<104xi32, #tpu.memory_space<hbm>>) target(%arg13 : memref<104xi32, #tpu.memory_space<vmem>>) target_semaphore(%arg32 : memref<!tpu.dma_semaphore, #tpu.memory_space<semaphore_mem>>)
          %dma_start3A_353 = tpu.memref_slice %arg7[%add3A_350] : memref<320000xi32, #tpu.memory_space<hbm>> -> memref<104xi32, #tpu.memory_space<hbm>>
          %dma_start3A_354 = tpu.memref_slice %arg7[%add3A_350] : memref<320000xi32, #tpu.memory_space<hbm>> -> memref<104xi32, #tpu.memory_space<hbm>>
          tpu.enqueue_dma source(%dma_start3A_354 : memref<104xi32, #tpu.memory_space<hbm>>) target(%arg19 : memref<104xi32, #tpu.memory_space<vmem>>) target_semaphore(%arg32 : memref<!tpu.dma_semaphore, #tpu.memory_space<semaphore_mem>>)
        } else {
        }
        %dma_wait3A_204 = arith.constant 0 : i32
        %dma_wait3A_205 = tpu.memref_slice %arg6[%dma_wait3A_204] : memref<320000xi32, #tpu.memory_space<hbm>> -> memref<104xi32, #tpu.memory_space<hbm>>
        %dma_wait3A_206 = arith.constant 0 : i32
        %dma_wait3A_207 = tpu.memref_slice %arg6[%dma_wait3A_206] : memref<320000xi32, #tpu.memory_space<hbm>> -> memref<104xi32, #tpu.memory_space<hbm>>
        tpu.wait_dma2 semaphore(%arg35 : memref<!tpu.dma_semaphore, #tpu.memory_space<semaphore_mem>>) src(%dma_wait3A_207 : memref<104xi32, #tpu.memory_space<hbm>>) dst(%arg16 : memref<104xi32, #tpu.memory_space<vmem>>)
        %dma_wait3A_208 = arith.constant 0 : i32
        %dma_wait3A_209 = tpu.memref_slice %arg7[%dma_wait3A_208] : memref<320000xi32, #tpu.memory_space<hbm>> -> memref<104xi32, #tpu.memory_space<hbm>>
        %dma_wait3A_210 = arith.constant 0 : i32
        %dma_wait3A_211 = tpu.memref_slice %arg7[%dma_wait3A_210] : memref<320000xi32, #tpu.memory_space<hbm>> -> memref<104xi32, #tpu.memory_space<hbm>>
        tpu.wait_dma2 semaphore(%arg35 : memref<!tpu.dma_semaphore, #tpu.memory_space<semaphore_mem>>) src(%dma_wait3A_211 : memref<104xi32, #tpu.memory_space<hbm>>) dst(%arg22 : memref<104xi32, #tpu.memory_space<vmem>>)
        %dma_start3A_212 = arith.constant 0 : i32
        %dma_start3A_213 = arith.constant 0 : i32
        %dma_start3A_214 = tpu.memref_slice %arg3[%dma_start3A_212, %dma_start3A_213] : memref<10000x128xf32, #tpu.memory_space<hbm>> -> memref<10000x128xf32, #tpu.memory_space<hbm>>
        tpu.enqueue_indirect_dma source(%dma_start3A_214 : memref<10000x128xf32, #tpu.memory_space<hbm>>) target(%arg25 : memref<104x128xf32, #tpu.memory_space<vmem>>) offsets(%arg16 : memref<104xi32, #tpu.memory_space<vmem>>) semaphore(%arg38 : memref<!tpu.dma_semaphore, #tpu.memory_space<semaphore_mem>>)
        %mul3A_215 = arith.constant 6 : i32
        %mul3A_216 = arith.muli %mul3A_215, %scan3A_153 : i32
        %add3A_217 = arith.constant 2 : i32
        %add3A_218 = arith.addi %add3A_217, %mul3A_216 : i32
        %add3A_219 = arith.constant 2 : i32
        %add3A_220 = arith.addi %add3A_218, %add3A_219 : i32
        %dma_wait3A_221 = arith.constant 0 : i32
        %dma_wait3A_222 = arith.constant 0 : i32
        %dma_wait3A_223 = tpu.memref_slice %arg3[%dma_wait3A_221, %dma_wait3A_222] : memref<10000x128xf32, #tpu.memory_space<hbm>> -> memref<10000x128xf32, #tpu.memory_space<hbm>>
        tpu.wait_indirect_dma semaphore(%arg37 : memref<!tpu.dma_semaphore, #tpu.memory_space<semaphore_mem>>) src(%dma_wait3A_223 : memref<10000x128xf32, #tpu.memory_space<hbm>>) dst(%arg24 : memref<104x128xf32, #tpu.memory_space<vmem>>)
        %dma_start3A_224 = arith.constant 0 : i32
        %dma_start3A_225 = arith.constant 0 : i32
        %dma_start3A_226 = tpu.memref_slice %arg29[%dma_start3A_224, %dma_start3A_225] : memref<10000x128xf32, #tpu.memory_space<vmem_shared>> -> memref<10000x128xf32, #tpu.memory_space<vmem_shared>>
        tpu.enqueue_indirect_dma source(%arg24 : memref<104x128xf32, #tpu.memory_space<vmem>>) target(%dma_start3A_226 : memref<10000x128xf32, #tpu.memory_space<vmem_shared>>) offsets(%arg21 : memref<104xi32, #tpu.memory_space<vmem>>) semaphore(%arg40 : memref<!tpu.dma_semaphore, #tpu.memory_space<semaphore_mem>>) {add = true}
        %dma_wait3A_227 = arith.constant 0 : i32
        %dma_wait3A_228 = arith.constant 0 : i32
        %dma_wait3A_229 = tpu.memref_slice %arg29[%dma_wait3A_227, %dma_wait3A_228] : memref<10000x128xf32, #tpu.memory_space<vmem_shared>> -> memref<10000x128xf32, #tpu.memory_space<vmem_shared>>
        tpu.wait_indirect_dma semaphore(%arg39 : memref<!tpu.dma_semaphore, #tpu.memory_space<semaphore_mem>>) src(%arg23 : memref<104x128xf32, #tpu.memory_space<vmem>>) dst(%dma_wait3A_229 : memref<10000x128xf32, #tpu.memory_space<vmem_shared>>)
        %le3A_230 = arith.constant 30 : i32
        %le3A_231 = arith.cmpi sle, %scan3A_153, %le3A_230 : i32
        %convert_element_type3A_232 = arith.extui %le3A_231 : i1 to i32
        %cond3A_233 = arith.constant 0 : i32
        %cond3A_234 = arith.cmpi ne, %convert_element_type3A_232, %cond3A_233 : i32
        scf.if %cond3A_234 {
          %add3A_345 = arith.constant 6 : i32
          %add3A_346 = arith.addi %add3A_220, %add3A_345 : i32
          %sub3A = arith.constant 1 : i32
          %sub3A_347 = arith.subi %add3A_346, %sub3A : i32
          %mul3A_348 = arith.constant 104 : i32
          %mul3A_349 = arith.muli %sub3A_347, %mul3A_348 : i32
          %add3A_350 = arith.addi %mul3A_2, %mul3A_349 : i32
          %dma_start3A_351 = tpu.memref_slice %arg6[%add3A_350] : memref<320000xi32, #tpu.memory_space<hbm>> -> memref<104xi32, #tpu.memory_space<hbm>>
          %dma_start3A_352 = tpu.memref_slice %arg6[%add3A_350] : memref<320000xi32, #tpu.memory_space<hbm>> -> memref<104xi32, #tpu.memory_space<hbm>>
          tpu.enqueue_dma source(%dma_start3A_352 : memref<104xi32, #tpu.memory_space<hbm>>) target(%arg14 : memref<104xi32, #tpu.memory_space<vmem>>) target_semaphore(%arg33 : memref<!tpu.dma_semaphore, #tpu.memory_space<semaphore_mem>>)
          %dma_start3A_353 = tpu.memref_slice %arg7[%add3A_350] : memref<320000xi32, #tpu.memory_space<hbm>> -> memref<104xi32, #tpu.memory_space<hbm>>
          %dma_start3A_354 = tpu.memref_slice %arg7[%add3A_350] : memref<320000xi32, #tpu.memory_space<hbm>> -> memref<104xi32, #tpu.memory_space<hbm>>
          tpu.enqueue_dma source(%dma_start3A_354 : memref<104xi32, #tpu.memory_space<hbm>>) target(%arg20 : memref<104xi32, #tpu.memory_space<vmem>>) target_semaphore(%arg33 : memref<!tpu.dma_semaphore, #tpu.memory_space<semaphore_mem>>)
        } else {
        }
        %le3A_235 = arith.constant 30 : i32
        %le3A_236 = arith.cmpi sle, %scan3A_153, %le3A_235 : i32
        %convert_element_type3A_237 = arith.extui %le3A_236 : i1 to i32
        %cond3A_238 = arith.constant 0 : i32
        %cond3A_239 = arith.cmpi ne, %convert_element_type3A_237, %cond3A_238 : i32
        scf.if %cond3A_239 {
          %dma_wait3A_345 = arith.constant 0 : i32
          %dma_wait3A_346 = tpu.memref_slice %arg6[%dma_wait3A_345] : memref<320000xi32, #tpu.memory_space<hbm>> -> memref<104xi32, #tpu.memory_space<hbm>>
          %dma_wait3A_347 = arith.constant 0 : i32
          %dma_wait3A_348 = tpu.memref_slice %arg6[%dma_wait3A_347] : memref<320000xi32, #tpu.memory_space<hbm>> -> memref<104xi32, #tpu.memory_space<hbm>>
          tpu.wait_dma2 semaphore(%arg30 : memref<!tpu.dma_semaphore, #tpu.memory_space<semaphore_mem>>) src(%dma_wait3A_348 : memref<104xi32, #tpu.memory_space<hbm>>) dst(%arg11 : memref<104xi32, #tpu.memory_space<vmem>>)
          %dma_wait3A_349 = arith.constant 0 : i32
          %dma_wait3A_350 = tpu.memref_slice %arg7[%dma_wait3A_349] : memref<320000xi32, #tpu.memory_space<hbm>> -> memref<104xi32, #tpu.memory_space<hbm>>
          %dma_wait3A_351 = arith.constant 0 : i32
          %dma_wait3A_352 = tpu.memref_slice %arg7[%dma_wait3A_351] : memref<320000xi32, #tpu.memory_space<hbm>> -> memref<104xi32, #tpu.memory_space<hbm>>
          tpu.wait_dma2 semaphore(%arg30 : memref<!tpu.dma_semaphore, #tpu.memory_space<semaphore_mem>>) src(%dma_wait3A_352 : memref<104xi32, #tpu.memory_space<hbm>>) dst(%arg17 : memref<104xi32, #tpu.memory_space<vmem>>)
        } else {
        }
        %le3A_240 = arith.constant 30 : i32
        %le3A_241 = arith.cmpi sle, %scan3A_153, %le3A_240 : i32
        %convert_element_type3A_242 = arith.extui %le3A_241 : i1 to i32
        %cond3A_243 = arith.constant 0 : i32
        %cond3A_244 = arith.cmpi ne, %convert_element_type3A_242, %cond3A_243 : i32
        scf.if %cond3A_244 {
          %dma_start3A_345 = arith.constant 0 : i32
          %dma_start3A_346 = arith.constant 0 : i32
          %dma_start3A_347 = tpu.memref_slice %arg3[%dma_start3A_345, %dma_start3A_346] : memref<10000x128xf32, #tpu.memory_space<hbm>> -> memref<10000x128xf32, #tpu.memory_space<hbm>>
          tpu.enqueue_indirect_dma source(%dma_start3A_347 : memref<10000x128xf32, #tpu.memory_space<hbm>>) target(%arg23 : memref<104x128xf32, #tpu.memory_space<vmem>>) offsets(%arg11 : memref<104xi32, #tpu.memory_space<vmem>>) semaphore(%arg36 : memref<!tpu.dma_semaphore, #tpu.memory_space<semaphore_mem>>)
        } else {
        }
        %mul3A_245 = arith.constant 6 : i32
        %mul3A_246 = arith.muli %mul3A_245, %scan3A_153 : i32
        %add3A_247 = arith.constant 2 : i32
        %add3A_248 = arith.addi %add3A_247, %mul3A_246 : i32
        %add3A_249 = arith.constant 3 : i32
        %add3A_250 = arith.addi %add3A_248, %add3A_249 : i32
        %dma_wait3A_251 = arith.constant 0 : i32
        %dma_wait3A_252 = arith.constant 0 : i32
        %dma_wait3A_253 = tpu.memref_slice %arg3[%dma_wait3A_251, %dma_wait3A_252] : memref<10000x128xf32, #tpu.memory_space<hbm>> -> memref<10000x128xf32, #tpu.memory_space<hbm>>
        tpu.wait_indirect_dma semaphore(%arg38 : memref<!tpu.dma_semaphore, #tpu.memory_space<semaphore_mem>>) src(%dma_wait3A_253 : memref<10000x128xf32, #tpu.memory_space<hbm>>) dst(%arg25 : memref<104x128xf32, #tpu.memory_space<vmem>>)
        %dma_start3A_254 = arith.constant 0 : i32
        %dma_start3A_255 = arith.constant 0 : i32
        %dma_start3A_256 = tpu.memref_slice %arg29[%dma_start3A_254, %dma_start3A_255] : memref<10000x128xf32, #tpu.memory_space<vmem_shared>> -> memref<10000x128xf32, #tpu.memory_space<vmem_shared>>
        tpu.enqueue_indirect_dma source(%arg25 : memref<104x128xf32, #tpu.memory_space<vmem>>) target(%dma_start3A_256 : memref<10000x128xf32, #tpu.memory_space<vmem_shared>>) offsets(%arg22 : memref<104xi32, #tpu.memory_space<vmem>>) semaphore(%arg41 : memref<!tpu.dma_semaphore, #tpu.memory_space<semaphore_mem>>) {add = true}
        %dma_wait3A_257 = arith.constant 0 : i32
        %dma_wait3A_258 = arith.constant 0 : i32
        %dma_wait3A_259 = tpu.memref_slice %arg29[%dma_wait3A_257, %dma_wait3A_258] : memref<10000x128xf32, #tpu.memory_space<vmem_shared>> -> memref<10000x128xf32, #tpu.memory_space<vmem_shared>>
        tpu.wait_indirect_dma semaphore(%arg40 : memref<!tpu.dma_semaphore, #tpu.memory_space<semaphore_mem>>) src(%arg24 : memref<104x128xf32, #tpu.memory_space<vmem>>) dst(%dma_wait3A_259 : memref<10000x128xf32, #tpu.memory_space<vmem_shared>>)
        %le3A_260 = arith.constant 30 : i32
        %le3A_261 = arith.cmpi sle, %scan3A_153, %le3A_260 : i32
        %convert_element_type3A_262 = arith.extui %le3A_261 : i1 to i32
        %cond3A_263 = arith.constant 0 : i32
        %cond3A_264 = arith.cmpi ne, %convert_element_type3A_262, %cond3A_263 : i32
        scf.if %cond3A_264 {
          %add3A_345 = arith.constant 6 : i32
          %add3A_346 = arith.addi %add3A_250, %add3A_345 : i32
          %sub3A = arith.constant 1 : i32
          %sub3A_347 = arith.subi %add3A_346, %sub3A : i32
          %mul3A_348 = arith.constant 104 : i32
          %mul3A_349 = arith.muli %sub3A_347, %mul3A_348 : i32
          %add3A_350 = arith.addi %mul3A_2, %mul3A_349 : i32
          %dma_start3A_351 = tpu.memref_slice %arg6[%add3A_350] : memref<320000xi32, #tpu.memory_space<hbm>> -> memref<104xi32, #tpu.memory_space<hbm>>
          %dma_start3A_352 = tpu.memref_slice %arg6[%add3A_350] : memref<320000xi32, #tpu.memory_space<hbm>> -> memref<104xi32, #tpu.memory_space<hbm>>
          tpu.enqueue_dma source(%dma_start3A_352 : memref<104xi32, #tpu.memory_space<hbm>>) target(%arg15 : memref<104xi32, #tpu.memory_space<vmem>>) target_semaphore(%arg34 : memref<!tpu.dma_semaphore, #tpu.memory_space<semaphore_mem>>)
          %dma_start3A_353 = tpu.memref_slice %arg7[%add3A_350] : memref<320000xi32, #tpu.memory_space<hbm>> -> memref<104xi32, #tpu.memory_space<hbm>>
          %dma_start3A_354 = tpu.memref_slice %arg7[%add3A_350] : memref<320000xi32, #tpu.memory_space<hbm>> -> memref<104xi32, #tpu.memory_space<hbm>>
          tpu.enqueue_dma source(%dma_start3A_354 : memref<104xi32, #tpu.memory_space<hbm>>) target(%arg21 : memref<104xi32, #tpu.memory_space<vmem>>) target_semaphore(%arg34 : memref<!tpu.dma_semaphore, #tpu.memory_space<semaphore_mem>>)
        } else {
        }
        %le3A_265 = arith.constant 30 : i32
        %le3A_266 = arith.cmpi sle, %scan3A_153, %le3A_265 : i32
        %convert_element_type3A_267 = arith.extui %le3A_266 : i1 to i32
        %cond3A_268 = arith.constant 0 : i32
        %cond3A_269 = arith.cmpi ne, %convert_element_type3A_267, %cond3A_268 : i32
        scf.if %cond3A_269 {
          %dma_wait3A_345 = arith.constant 0 : i32
          %dma_wait3A_346 = tpu.memref_slice %arg6[%dma_wait3A_345] : memref<320000xi32, #tpu.memory_space<hbm>> -> memref<104xi32, #tpu.memory_space<hbm>>
          %dma_wait3A_347 = arith.constant 0 : i32
          %dma_wait3A_348 = tpu.memref_slice %arg6[%dma_wait3A_347] : memref<320000xi32, #tpu.memory_space<hbm>> -> memref<104xi32, #tpu.memory_space<hbm>>
          tpu.wait_dma2 semaphore(%arg31 : memref<!tpu.dma_semaphore, #tpu.memory_space<semaphore_mem>>) src(%dma_wait3A_348 : memref<104xi32, #tpu.memory_space<hbm>>) dst(%arg12 : memref<104xi32, #tpu.memory_space<vmem>>)
          %dma_wait3A_349 = arith.constant 0 : i32
          %dma_wait3A_350 = tpu.memref_slice %arg7[%dma_wait3A_349] : memref<320000xi32, #tpu.memory_space<hbm>> -> memref<104xi32, #tpu.memory_space<hbm>>
          %dma_wait3A_351 = arith.constant 0 : i32
          %dma_wait3A_352 = tpu.memref_slice %arg7[%dma_wait3A_351] : memref<320000xi32, #tpu.memory_space<hbm>> -> memref<104xi32, #tpu.memory_space<hbm>>
          tpu.wait_dma2 semaphore(%arg31 : memref<!tpu.dma_semaphore, #tpu.memory_space<semaphore_mem>>) src(%dma_wait3A_352 : memref<104xi32, #tpu.memory_space<hbm>>) dst(%arg18 : memref<104xi32, #tpu.memory_space<vmem>>)
        } else {
        }
        %le3A_270 = arith.constant 30 : i32
        %le3A_271 = arith.cmpi sle, %scan3A_153, %le3A_270 : i32
        %convert_element_type3A_272 = arith.extui %le3A_271 : i1 to i32
        %cond3A_273 = arith.constant 0 : i32
        %cond3A_274 = arith.cmpi ne, %convert_element_type3A_272, %cond3A_273 : i32
        scf.if %cond3A_274 {
          %dma_start3A_345 = arith.constant 0 : i32
          %dma_start3A_346 = arith.constant 0 : i32
          %dma_start3A_347 = tpu.memref_slice %arg3[%dma_start3A_345, %dma_start3A_346] : memref<10000x128xf32, #tpu.memory_space<hbm>> -> memref<10000x128xf32, #tpu.memory_space<hbm>>
          tpu.enqueue_indirect_dma source(%dma_start3A_347 : memref<10000x128xf32, #tpu.memory_space<hbm>>) target(%arg24 : memref<104x128xf32, #tpu.memory_space<vmem>>) offsets(%arg12 : memref<104xi32, #tpu.memory_space<vmem>>) semaphore(%arg37 : memref<!tpu.dma_semaphore, #tpu.memory_space<semaphore_mem>>)
        } else {
        }
        %mul3A_275 = arith.constant 6 : i32
        %mul3A_276 = arith.muli %mul3A_275, %scan3A_153 : i32
        %add3A_277 = arith.constant 2 : i32
        %add3A_278 = arith.addi %add3A_277, %mul3A_276 : i32
        %add3A_279 = arith.constant 4 : i32
        %add3A_280 = arith.addi %add3A_278, %add3A_279 : i32
        %le3A_281 = arith.constant 30 : i32
        %le3A_282 = arith.cmpi sle, %scan3A_153, %le3A_281 : i32
        %convert_element_type3A_283 = arith.extui %le3A_282 : i1 to i32
        %cond3A_284 = arith.constant 0 : i32
        %cond3A_285 = arith.cmpi ne, %convert_element_type3A_283, %cond3A_284 : i32
        scf.if %cond3A_285 {
          %dma_wait3A_345 = arith.constant 0 : i32
          %dma_wait3A_346 = arith.constant 0 : i32
          %dma_wait3A_347 = tpu.memref_slice %arg3[%dma_wait3A_345, %dma_wait3A_346] : memref<10000x128xf32, #tpu.memory_space<hbm>> -> memref<10000x128xf32, #tpu.memory_space<hbm>>
          tpu.wait_indirect_dma semaphore(%arg36 : memref<!tpu.dma_semaphore, #tpu.memory_space<semaphore_mem>>) src(%dma_wait3A_347 : memref<10000x128xf32, #tpu.memory_space<hbm>>) dst(%arg23 : memref<104x128xf32, #tpu.memory_space<vmem>>)
        } else {
        }
        %le3A_286 = arith.constant 30 : i32
        %le3A_287 = arith.cmpi sle, %scan3A_153, %le3A_286 : i32
        %convert_element_type3A_288 = arith.extui %le3A_287 : i1 to i32
        %cond3A_289 = arith.constant 0 : i32
        %cond3A_290 = arith.cmpi ne, %convert_element_type3A_288, %cond3A_289 : i32
        scf.if %cond3A_290 {
          %dma_start3A_345 = arith.constant 0 : i32
          %dma_start3A_346 = arith.constant 0 : i32
          %dma_start3A_347 = tpu.memref_slice %arg29[%dma_start3A_345, %dma_start3A_346] : memref<10000x128xf32, #tpu.memory_space<vmem_shared>> -> memref<10000x128xf32, #tpu.memory_space<vmem_shared>>
          tpu.enqueue_indirect_dma source(%arg23 : memref<104x128xf32, #tpu.memory_space<vmem>>) target(%dma_start3A_347 : memref<10000x128xf32, #tpu.memory_space<vmem_shared>>) offsets(%arg17 : memref<104xi32, #tpu.memory_space<vmem>>) semaphore(%arg39 : memref<!tpu.dma_semaphore, #tpu.memory_space<semaphore_mem>>) {add = true}
        } else {
        }
        %dma_wait3A_291 = arith.constant 0 : i32
        %dma_wait3A_292 = arith.constant 0 : i32
        %dma_wait3A_293 = tpu.memref_slice %arg29[%dma_wait3A_291, %dma_wait3A_292] : memref<10000x128xf32, #tpu.memory_space<vmem_shared>> -> memref<10000x128xf32, #tpu.memory_space<vmem_shared>>
        tpu.wait_indirect_dma semaphore(%arg41 : memref<!tpu.dma_semaphore, #tpu.memory_space<semaphore_mem>>) src(%arg25 : memref<104x128xf32, #tpu.memory_space<vmem>>) dst(%dma_wait3A_293 : memref<10000x128xf32, #tpu.memory_space<vmem_shared>>)
        %le3A_294 = arith.constant 30 : i32
        %le3A_295 = arith.cmpi sle, %scan3A_153, %le3A_294 : i32
        %convert_element_type3A_296 = arith.extui %le3A_295 : i1 to i32
        %cond3A_297 = arith.constant 0 : i32
        %cond3A_298 = arith.cmpi ne, %convert_element_type3A_296, %cond3A_297 : i32
        scf.if %cond3A_298 {
          %add3A_345 = arith.constant 6 : i32
          %add3A_346 = arith.addi %add3A_280, %add3A_345 : i32
          %sub3A = arith.constant 1 : i32
          %sub3A_347 = arith.subi %add3A_346, %sub3A : i32
          %mul3A_348 = arith.constant 104 : i32
          %mul3A_349 = arith.muli %sub3A_347, %mul3A_348 : i32
          %add3A_350 = arith.addi %mul3A_2, %mul3A_349 : i32
          %dma_start3A_351 = tpu.memref_slice %arg6[%add3A_350] : memref<320000xi32, #tpu.memory_space<hbm>> -> memref<104xi32, #tpu.memory_space<hbm>>
          %dma_start3A_352 = tpu.memref_slice %arg6[%add3A_350] : memref<320000xi32, #tpu.memory_space<hbm>> -> memref<104xi32, #tpu.memory_space<hbm>>
          tpu.enqueue_dma source(%dma_start3A_352 : memref<104xi32, #tpu.memory_space<hbm>>) target(%arg16 : memref<104xi32, #tpu.memory_space<vmem>>) target_semaphore(%arg35 : memref<!tpu.dma_semaphore, #tpu.memory_space<semaphore_mem>>)
          %dma_start3A_353 = tpu.memref_slice %arg7[%add3A_350] : memref<320000xi32, #tpu.memory_space<hbm>> -> memref<104xi32, #tpu.memory_space<hbm>>
          %dma_start3A_354 = tpu.memref_slice %arg7[%add3A_350] : memref<320000xi32, #tpu.memory_space<hbm>> -> memref<104xi32, #tpu.memory_space<hbm>>
          tpu.enqueue_dma source(%dma_start3A_354 : memref<104xi32, #tpu.memory_space<hbm>>) target(%arg22 : memref<104xi32, #tpu.memory_space<vmem>>) target_semaphore(%arg35 : memref<!tpu.dma_semaphore, #tpu.memory_space<semaphore_mem>>)
        } else {
        }
        %le3A_299 = arith.constant 30 : i32
        %le3A_300 = arith.cmpi sle, %scan3A_153, %le3A_299 : i32
        %convert_element_type3A_301 = arith.extui %le3A_300 : i1 to i32
        %cond3A_302 = arith.constant 0 : i32
        %cond3A_303 = arith.cmpi ne, %convert_element_type3A_301, %cond3A_302 : i32
        scf.if %cond3A_303 {
          %dma_wait3A_345 = arith.constant 0 : i32
          %dma_wait3A_346 = tpu.memref_slice %arg6[%dma_wait3A_345] : memref<320000xi32, #tpu.memory_space<hbm>> -> memref<104xi32, #tpu.memory_space<hbm>>
          %dma_wait3A_347 = arith.constant 0 : i32
          %dma_wait3A_348 = tpu.memref_slice %arg6[%dma_wait3A_347] : memref<320000xi32, #tpu.memory_space<hbm>> -> memref<104xi32, #tpu.memory_space<hbm>>
          tpu.wait_dma2 semaphore(%arg32 : memref<!tpu.dma_semaphore, #tpu.memory_space<semaphore_mem>>) src(%dma_wait3A_348 : memref<104xi32, #tpu.memory_space<hbm>>) dst(%arg13 : memref<104xi32, #tpu.memory_space<vmem>>)
          %dma_wait3A_349 = arith.constant 0 : i32
          %dma_wait3A_350 = tpu.memref_slice %arg7[%dma_wait3A_349] : memref<320000xi32, #tpu.memory_space<hbm>> -> memref<104xi32, #tpu.memory_space<hbm>>
          %dma_wait3A_351 = arith.constant 0 : i32
          %dma_wait3A_352 = tpu.memref_slice %arg7[%dma_wait3A_351] : memref<320000xi32, #tpu.memory_space<hbm>> -> memref<104xi32, #tpu.memory_space<hbm>>
          tpu.wait_dma2 semaphore(%arg32 : memref<!tpu.dma_semaphore, #tpu.memory_space<semaphore_mem>>) src(%dma_wait3A_352 : memref<104xi32, #tpu.memory_space<hbm>>) dst(%arg19 : memref<104xi32, #tpu.memory_space<vmem>>)
        } else {
        }
        %le3A_304 = arith.constant 30 : i32
        %le3A_305 = arith.cmpi sle, %scan3A_153, %le3A_304 : i32
        %convert_element_type3A_306 = arith.extui %le3A_305 : i1 to i32
        %cond3A_307 = arith.constant 0 : i32
        %cond3A_308 = arith.cmpi ne, %convert_element_type3A_306, %cond3A_307 : i32
        scf.if %cond3A_308 {
          %dma_start3A_345 = arith.constant 0 : i32
          %dma_start3A_346 = arith.constant 0 : i32
          %dma_start3A_347 = tpu.memref_slice %arg3[%dma_start3A_345, %dma_start3A_346] : memref<10000x128xf32, #tpu.memory_space<hbm>> -> memref<10000x128xf32, #tpu.memory_space<hbm>>
          tpu.enqueue_indirect_dma source(%dma_start3A_347 : memref<10000x128xf32, #tpu.memory_space<hbm>>) target(%arg25 : memref<104x128xf32, #tpu.memory_space<vmem>>) offsets(%arg13 : memref<104xi32, #tpu.memory_space<vmem>>) semaphore(%arg38 : memref<!tpu.dma_semaphore, #tpu.memory_space<semaphore_mem>>)
        } else {
        }
        %mul3A_309 = arith.constant 6 : i32
        %mul3A_310 = arith.muli %mul3A_309, %scan3A_153 : i32
        %add3A_311 = arith.constant 2 : i32
        %add3A_312 = arith.addi %add3A_311, %mul3A_310 : i32
        %add3A_313 = arith.constant 5 : i32
        %add3A_314 = arith.addi %add3A_312, %add3A_313 : i32
        %le3A_315 = arith.constant 30 : i32
        %le3A_316 = arith.cmpi sle, %scan3A_153, %le3A_315 : i32
        %convert_element_type3A_317 = arith.extui %le3A_316 : i1 to i32
        %cond3A_318 = arith.constant 0 : i32
        %cond3A_319 = arith.cmpi ne, %convert_element_type3A_317, %cond3A_318 : i32
        scf.if %cond3A_319 {
          %dma_wait3A_345 = arith.constant 0 : i32
          %dma_wait3A_346 = arith.constant 0 : i32
          %dma_wait3A_347 = tpu.memref_slice %arg3[%dma_wait3A_345, %dma_wait3A_346] : memref<10000x128xf32, #tpu.memory_space<hbm>> -> memref<10000x128xf32, #tpu.memory_space<hbm>>
          tpu.wait_indirect_dma semaphore(%arg37 : memref<!tpu.dma_semaphore, #tpu.memory_space<semaphore_mem>>) src(%dma_wait3A_347 : memref<10000x128xf32, #tpu.memory_space<hbm>>) dst(%arg24 : memref<104x128xf32, #tpu.memory_space<vmem>>)
        } else {
        }
        %le3A_320 = arith.constant 30 : i32
        %le3A_321 = arith.cmpi sle, %scan3A_153, %le3A_320 : i32
        %convert_element_type3A_322 = arith.extui %le3A_321 : i1 to i32
        %cond3A_323 = arith.constant 0 : i32
        %cond3A_324 = arith.cmpi ne, %convert_element_type3A_322, %cond3A_323 : i32
        scf.if %cond3A_324 {
          %dma_start3A_345 = arith.constant 0 : i32
          %dma_start3A_346 = arith.constant 0 : i32
          %dma_start3A_347 = tpu.memref_slice %arg29[%dma_start3A_345, %dma_start3A_346] : memref<10000x128xf32, #tpu.memory_space<vmem_shared>> -> memref<10000x128xf32, #tpu.memory_space<vmem_shared>>
          tpu.enqueue_indirect_dma source(%arg24 : memref<104x128xf32, #tpu.memory_space<vmem>>) target(%dma_start3A_347 : memref<10000x128xf32, #tpu.memory_space<vmem_shared>>) offsets(%arg18 : memref<104xi32, #tpu.memory_space<vmem>>) semaphore(%arg40 : memref<!tpu.dma_semaphore, #tpu.memory_space<semaphore_mem>>) {add = true}
        } else {
        }
        %le3A_325 = arith.constant 30 : i32
        %le3A_326 = arith.cmpi sle, %scan3A_153, %le3A_325 : i32
        %convert_element_type3A_327 = arith.extui %le3A_326 : i1 to i32
        %cond3A_328 = arith.constant 0 : i32
        %cond3A_329 = arith.cmpi ne, %convert_element_type3A_327, %cond3A_328 : i32
        scf.if %cond3A_329 {
          %dma_wait3A_345 = arith.constant 0 : i32
          %dma_wait3A_346 = arith.constant 0 : i32
          %dma_wait3A_347 = tpu.memref_slice %arg29[%dma_wait3A_345, %dma_wait3A_346] : memref<10000x128xf32, #tpu.memory_space<vmem_shared>> -> memref<10000x128xf32, #tpu.memory_space<vmem_shared>>
          tpu.wait_indirect_dma semaphore(%arg39 : memref<!tpu.dma_semaphore, #tpu.memory_space<semaphore_mem>>) src(%arg23 : memref<104x128xf32, #tpu.memory_space<vmem>>) dst(%dma_wait3A_347 : memref<10000x128xf32, #tpu.memory_space<vmem_shared>>)
        } else {
        }
        %le3A_330 = arith.constant 29 : i32
        %le3A_331 = arith.cmpi sle, %scan3A_153, %le3A_330 : i32
        %convert_element_type3A_332 = arith.extui %le3A_331 : i1 to i32
        %cond3A_333 = arith.constant 0 : i32
        %cond3A_334 = arith.cmpi ne, %convert_element_type3A_332, %cond3A_333 : i32
        scf.if %cond3A_334 {
          %add3A_345 = arith.constant 6 : i32
          %add3A_346 = arith.addi %add3A_314, %add3A_345 : i32
          %sub3A = arith.constant 1 : i32
          %sub3A_347 = arith.subi %add3A_346, %sub3A : i32
          %mul3A_348 = arith.constant 104 : i32
          %mul3A_349 = arith.muli %sub3A_347, %mul3A_348 : i32
          %add3A_350 = arith.addi %mul3A_2, %mul3A_349 : i32
          %dma_start3A_351 = tpu.memref_slice %arg6[%add3A_350] : memref<320000xi32, #tpu.memory_space<hbm>> -> memref<104xi32, #tpu.memory_space<hbm>>
          %dma_start3A_352 = tpu.memref_slice %arg6[%add3A_350] : memref<320000xi32, #tpu.memory_space<hbm>> -> memref<104xi32, #tpu.memory_space<hbm>>
          tpu.enqueue_dma source(%dma_start3A_352 : memref<104xi32, #tpu.memory_space<hbm>>) target(%arg11 : memref<104xi32, #tpu.memory_space<vmem>>) target_semaphore(%arg30 : memref<!tpu.dma_semaphore, #tpu.memory_space<semaphore_mem>>)
          %dma_start3A_353 = tpu.memref_slice %arg7[%add3A_350] : memref<320000xi32, #tpu.memory_space<hbm>> -> memref<104xi32, #tpu.memory_space<hbm>>
          %dma_start3A_354 = tpu.memref_slice %arg7[%add3A_350] : memref<320000xi32, #tpu.memory_space<hbm>> -> memref<104xi32, #tpu.memory_space<hbm>>
          tpu.enqueue_dma source(%dma_start3A_354 : memref<104xi32, #tpu.memory_space<hbm>>) target(%arg17 : memref<104xi32, #tpu.memory_space<vmem>>) target_semaphore(%arg30 : memref<!tpu.dma_semaphore, #tpu.memory_space<semaphore_mem>>)
        } else {
        }
        %le3A_335 = arith.constant 30 : i32
        %le3A_336 = arith.cmpi sle, %scan3A_153, %le3A_335 : i32
        %convert_element_type3A_337 = arith.extui %le3A_336 : i1 to i32
        %cond3A_338 = arith.constant 0 : i32
        %cond3A_339 = arith.cmpi ne, %convert_element_type3A_337, %cond3A_338 : i32
        scf.if %cond3A_339 {
          %dma_wait3A_345 = arith.constant 0 : i32
          %dma_wait3A_346 = tpu.memref_slice %arg6[%dma_wait3A_345] : memref<320000xi32, #tpu.memory_space<hbm>> -> memref<104xi32, #tpu.memory_space<hbm>>
          %dma_wait3A_347 = arith.constant 0 : i32
          %dma_wait3A_348 = tpu.memref_slice %arg6[%dma_wait3A_347] : memref<320000xi32, #tpu.memory_space<hbm>> -> memref<104xi32, #tpu.memory_space<hbm>>
          tpu.wait_dma2 semaphore(%arg33 : memref<!tpu.dma_semaphore, #tpu.memory_space<semaphore_mem>>) src(%dma_wait3A_348 : memref<104xi32, #tpu.memory_space<hbm>>) dst(%arg14 : memref<104xi32, #tpu.memory_space<vmem>>)
          %dma_wait3A_349 = arith.constant 0 : i32
          %dma_wait3A_350 = tpu.memref_slice %arg7[%dma_wait3A_349] : memref<320000xi32, #tpu.memory_space<hbm>> -> memref<104xi32, #tpu.memory_space<hbm>>
          %dma_wait3A_351 = arith.constant 0 : i32
          %dma_wait3A_352 = tpu.memref_slice %arg7[%dma_wait3A_351] : memref<320000xi32, #tpu.memory_space<hbm>> -> memref<104xi32, #tpu.memory_space<hbm>>
          tpu.wait_dma2 semaphore(%arg33 : memref<!tpu.dma_semaphore, #tpu.memory_space<semaphore_mem>>) src(%dma_wait3A_352 : memref<104xi32, #tpu.memory_space<hbm>>) dst(%arg20 : memref<104xi32, #tpu.memory_space<vmem>>)
        } else {
        }
        %le3A_340 = arith.constant 30 : i32
        %le3A_341 = arith.cmpi sle, %scan3A_153, %le3A_340 : i32
        %convert_element_type3A_342 = arith.extui %le3A_341 : i1 to i32
        %cond3A_343 = arith.constant 0 : i32
        %cond3A_344 = arith.cmpi ne, %convert_element_type3A_342, %cond3A_343 : i32
        scf.if %cond3A_344 {
          %dma_start3A_345 = arith.constant 0 : i32
          %dma_start3A_346 = arith.constant 0 : i32
          %dma_start3A_347 = tpu.memref_slice %arg3[%dma_start3A_345, %dma_start3A_346] : memref<10000x128xf32, #tpu.memory_space<hbm>> -> memref<10000x128xf32, #tpu.memory_space<hbm>>
          tpu.enqueue_indirect_dma source(%dma_start3A_347 : memref<10000x128xf32, #tpu.memory_space<hbm>>) target(%arg23 : memref<104x128xf32, #tpu.memory_space<vmem>>) offsets(%arg14 : memref<104xi32, #tpu.memory_space<vmem>>) semaphore(%arg36 : memref<!tpu.dma_semaphore, #tpu.memory_space<semaphore_mem>>)
        } else {
        }
      }
      %scan3A_121 = arith.constant 32 : i32
      %add3A_122 = arith.constant 19968 : i32
      %add3A_123 = arith.addi %mul3A_2, %add3A_122 : i32
      %dma_start3A_124 = tpu.memref_slice %arg6[%add3A_123] : memref<320000xi32, #tpu.memory_space<hbm>> -> memref<32xi32, #tpu.memory_space<hbm>>
      %dma_start3A_125 = tpu.memref_slice %arg6[%add3A_123] : memref<320000xi32, #tpu.memory_space<hbm>> -> memref<32xi32, #tpu.memory_space<hbm>>
      tpu.enqueue_dma source(%dma_start3A_125 : memref<32xi32, #tpu.memory_space<hbm>>) target(%arg26 : memref<32xi32, #tpu.memory_space<vmem>>) target_semaphore(%arg42 : memref<!tpu.dma_semaphore, #tpu.memory_space<semaphore_mem>>)
      %dma_start3A_126 = tpu.memref_slice %arg7[%add3A_123] : memref<320000xi32, #tpu.memory_space<hbm>> -> memref<32xi32, #tpu.memory_space<hbm>>
      %dma_start3A_127 = tpu.memref_slice %arg7[%add3A_123] : memref<320000xi32, #tpu.memory_space<hbm>> -> memref<32xi32, #tpu.memory_space<hbm>>
      tpu.enqueue_dma source(%dma_start3A_127 : memref<32xi32, #tpu.memory_space<hbm>>) target(%arg27 : memref<32xi32, #tpu.memory_space<vmem>>) target_semaphore(%arg42 : memref<!tpu.dma_semaphore, #tpu.memory_space<semaphore_mem>>)
      %dma_wait3A_128 = arith.constant 0 : i32
      %dma_wait3A_129 = tpu.memref_slice %arg6[%dma_wait3A_128] : memref<320000xi32, #tpu.memory_space<hbm>> -> memref<32xi32, #tpu.memory_space<hbm>>
      %dma_wait3A_130 = arith.constant 0 : i32
      %dma_wait3A_131 = tpu.memref_slice %arg6[%dma_wait3A_130] : memref<320000xi32, #tpu.memory_space<hbm>> -> memref<32xi32, #tpu.memory_space<hbm>>
      tpu.wait_dma2 semaphore(%arg42 : memref<!tpu.dma_semaphore, #tpu.memory_space<semaphore_mem>>) src(%dma_wait3A_131 : memref<32xi32, #tpu.memory_space<hbm>>) dst(%arg26 : memref<32xi32, #tpu.memory_space<vmem>>)
      %dma_wait3A_132 = arith.constant 0 : i32
      %dma_wait3A_133 = tpu.memref_slice %arg7[%dma_wait3A_132] : memref<320000xi32, #tpu.memory_space<hbm>> -> memref<32xi32, #tpu.memory_space<hbm>>
      %dma_wait3A_134 = arith.constant 0 : i32
      %dma_wait3A_135 = tpu.memref_slice %arg7[%dma_wait3A_134] : memref<320000xi32, #tpu.memory_space<hbm>> -> memref<32xi32, #tpu.memory_space<hbm>>
      tpu.wait_dma2 semaphore(%arg42 : memref<!tpu.dma_semaphore, #tpu.memory_space<semaphore_mem>>) src(%dma_wait3A_135 : memref<32xi32, #tpu.memory_space<hbm>>) dst(%arg27 : memref<32xi32, #tpu.memory_space<vmem>>)
      %dma_start3A_136 = arith.constant 0 : i32
      %dma_start3A_137 = arith.constant 0 : i32
      %dma_start3A_138 = tpu.memref_slice %arg3[%dma_start3A_136, %dma_start3A_137] : memref<10000x128xf32, #tpu.memory_space<hbm>> -> memref<10000x128xf32, #tpu.memory_space<hbm>>
      tpu.enqueue_indirect_dma source(%dma_start3A_138 : memref<10000x128xf32, #tpu.memory_space<hbm>>) target(%arg28 : memref<32x128xf32, #tpu.memory_space<vmem>>) offsets(%arg26 : memref<32xi32, #tpu.memory_space<vmem>>) semaphore(%arg42 : memref<!tpu.dma_semaphore, #tpu.memory_space<semaphore_mem>>)
      %dma_wait3A_139 = arith.constant 0 : i32
      %dma_wait3A_140 = arith.constant 0 : i32
      %dma_wait3A_141 = tpu.memref_slice %arg3[%dma_wait3A_139, %dma_wait3A_140] : memref<10000x128xf32, #tpu.memory_space<hbm>> -> memref<10000x128xf32, #tpu.memory_space<hbm>>
      tpu.wait_indirect_dma semaphore(%arg42 : memref<!tpu.dma_semaphore, #tpu.memory_space<semaphore_mem>>) src(%dma_wait3A_141 : memref<10000x128xf32, #tpu.memory_space<hbm>>) dst(%arg28 : memref<32x128xf32, #tpu.memory_space<vmem>>)
      "tpu.region"() ({
        %run_scoped3A = tpu.sem_alloc : memref<!tpu.dma_semaphore, #tpu.memory_space<semaphore_mem>>
        %dma_start3A_153 = arith.constant 0 : i32
        %dma_start3A_154 = arith.constant 0 : i32
        %dma_start3A_155 = tpu.memref_slice %arg29[%dma_start3A_153, %dma_start3A_154] : memref<10000x128xf32, #tpu.memory_space<vmem_shared>> -> memref<10000x128xf32, #tpu.memory_space<vmem_shared>>
        tpu.enqueue_indirect_dma source(%arg28 : memref<32x128xf32, #tpu.memory_space<vmem>>) target(%dma_start3A_155 : memref<10000x128xf32, #tpu.memory_space<vmem_shared>>) offsets(%arg27 : memref<32xi32, #tpu.memory_space<vmem>>) semaphore(%run_scoped3A : memref<!tpu.dma_semaphore, #tpu.memory_space<semaphore_mem>>) {add = true}
        %dma_wait3A_156 = arith.constant 0 : i32
        %dma_wait3A_157 = arith.constant 0 : i32
        %dma_wait3A_158 = tpu.memref_slice %arg29[%dma_wait3A_156, %dma_wait3A_157] : memref<10000x128xf32, #tpu.memory_space<vmem_shared>> -> memref<10000x128xf32, #tpu.memory_space<vmem_shared>>
        tpu.wait_indirect_dma semaphore(%run_scoped3A : memref<!tpu.dma_semaphore, #tpu.memory_space<semaphore_mem>>) src(%arg28 : memref<32x128xf32, #tpu.memory_space<vmem>>) dst(%dma_wait3A_158 : memref<10000x128xf32, #tpu.memory_space<vmem_shared>>)
        tpu.yield
      }) : () -> ()
      %barrier3A_142 = arith.constant 0 : index
      tpu.barrier barrier_id(%barrier3A_142)
      %lt3A_143 = arith.constant 15 : i32
      %lt3A_144 = arith.cmpi slt, %arg1, %lt3A_143 : i32
      %convert_element_type3A_145 = arith.extui %lt3A_144 : i1 to i32
      %cond3A_146 = arith.constant 0 : i32
      %cond3A_147 = arith.cmpi ne, %convert_element_type3A_145, %cond3A_146 : i32
      scf.if %cond3A_147 {
        "tpu.region"() ({
          %run_scoped3A = tpu.sem_alloc : memref<!tpu.dma_semaphore, #tpu.memory_space<semaphore_mem>>
          %dma_start3A_153 = arith.constant 0 : i32
          %dma_start3A_154 = tpu.memref_slice %arg10[%mul3A_0, %dma_start3A_153] : memref<10000x128xf32, #tpu.memory_space<hbm>> -> memref<640x128xf32, #tpu.memory_space<hbm>>
          %dma_start3A_155 = arith.constant 0 : i32
          %dma_start3A_156 = tpu.memref_slice %arg29[%mul3A_0, %dma_start3A_155] : memref<10000x128xf32, #tpu.memory_space<vmem_shared>> -> memref<640x128xf32, #tpu.memory_space<vmem_shared>>
          tpu.enqueue_dma source(%dma_start3A_156 : memref<640x128xf32, #tpu.memory_space<vmem_shared>>) target(%dma_start3A_154 : memref<640x128xf32, #tpu.memory_space<hbm>>) target_semaphore(%run_scoped3A : memref<!tpu.dma_semaphore, #tpu.memory_space<semaphore_mem>>)
          %dma_wait3A_157 = arith.constant 0 : i32
          %dma_wait3A_158 = tpu.memref_slice %arg10[%mul3A_0, %dma_wait3A_157] : memref<10000x128xf32, #tpu.memory_space<hbm>> -> memref<640x128xf32, #tpu.memory_space<hbm>>
          %dma_wait3A_159 = arith.constant 0 : i32
          %dma_wait3A_160 = tpu.memref_slice %arg29[%mul3A_0, %dma_wait3A_159] : memref<10000x128xf32, #tpu.memory_space<vmem_shared>> -> memref<640x128xf32, #tpu.memory_space<vmem_shared>>
          tpu.wait_dma2 semaphore(%run_scoped3A : memref<!tpu.dma_semaphore, #tpu.memory_space<semaphore_mem>>) src(%dma_wait3A_160 : memref<640x128xf32, #tpu.memory_space<vmem_shared>>) dst(%dma_wait3A_158 : memref<640x128xf32, #tpu.memory_space<hbm>>)
          tpu.yield
        }) : () -> ()
      } else {
      }
      %eq3A_148 = arith.constant 15 : i32
      %eq3A_149 = arith.cmpi eq, %arg1, %eq3A_148 : i32
      %convert_element_type3A_150 = arith.extui %eq3A_149 : i1 to i32
      %cond3A_151 = arith.constant 0 : i32
      %cond3A_152 = arith.cmpi ne, %convert_element_type3A_150, %cond3A_151 : i32
      scf.if %cond3A_152 {
        "tpu.region"() ({
          %run_scoped3A = tpu.sem_alloc : memref<!tpu.dma_semaphore, #tpu.memory_space<semaphore_mem>>
          %dma_start3A_153 = arith.constant 9600 : i32
          %dma_start3A_154 = arith.constant 0 : i32
          %dma_start3A_155 = tpu.memref_slice %arg10[%dma_start3A_153, %dma_start3A_154] : memref<10000x128xf32, #tpu.memory_space<hbm>> -> memref<400x128xf32, #tpu.memory_space<hbm>>
          %dma_start3A_156 = arith.constant 9600 : i32
          %dma_start3A_157 = arith.constant 0 : i32
          %dma_start3A_158 = tpu.memref_slice %arg29[%dma_start3A_156, %dma_start3A_157] : memref<10000x128xf32, #tpu.memory_space<vmem_shared>> -> memref<400x128xf32, #tpu.memory_space<vmem_shared>>
          tpu.enqueue_dma source(%dma_start3A_158 : memref<400x128xf32, #tpu.memory_space<vmem_shared>>) target(%dma_start3A_155 : memref<400x128xf32, #tpu.memory_space<hbm>>) target_semaphore(%run_scoped3A : memref<!tpu.dma_semaphore, #tpu.memory_space<semaphore_mem>>)
          %dma_wait3A_159 = arith.constant 9600 : i32
          %dma_wait3A_160 = arith.constant 0 : i32
          %dma_wait3A_161 = tpu.memref_slice %arg10[%dma_wait3A_159, %dma_wait3A_160] : memref<10000x128xf32, #tpu.memory_space<hbm>> -> memref<400x128xf32, #tpu.memory_space<hbm>>
          %dma_wait3A_162 = arith.constant 9600 : i32
          %dma_wait3A_163 = arith.constant 0 : i32
          %dma_wait3A_164 = tpu.memref_slice %arg29[%dma_wait3A_162, %dma_wait3A_163] : memref<10000x128xf32, #tpu.memory_space<vmem_shared>> -> memref<400x128xf32, #tpu.memory_space<vmem_shared>>
          tpu.wait_dma2 semaphore(%run_scoped3A : memref<!tpu.dma_semaphore, #tpu.memory_space<semaphore_mem>>) src(%dma_wait3A_164 : memref<400x128xf32, #tpu.memory_space<vmem_shared>>) dst(%dma_wait3A_161 : memref<400x128xf32, #tpu.memory_space<hbm>>)
          tpu.yield
        }) : () -> ()
      } else {
      }
    } else {
    }
    return
  }
}

module attributes {stable_mosaic.version = 14 : i64} {
  func.func @_mm_body(%arg0: i32, %arg1: memref<2000x128xf32, #tpu.memory_space<vmem>>, %arg2: memref<128x128xf32, #tpu.memory_space<vmem>>, %arg3: memref<2000x128xf32, #tpu.memory_space<vmem>>, %arg4: memref<128x128xf32, #tpu.memory_space<vmem>>, %arg5: memref<2x65536xi32, #tpu.memory_space<vmem>>, %arg6: memref<2x65536xi32, #tpu.memory_space<vmem>>, %arg7: memref<2000x128xf32, #tpu.memory_space<vmem>>, %arg8: memref<2000x128xf32, #tpu.memory_space<vmem>>, %arg9: memref<2000x128xf32, #tpu.memory_space<vmem>>, %arg10: memref<65536xi32, #tpu.memory_space<vmem>>, %arg11: memref<65536xi32, #tpu.memory_space<vmem>>, %arg12: memref<65536xi32, #tpu.memory_space<vmem>>, %arg13: memref<65536xi32, #tpu.memory_space<vmem>>) attributes {dimension_semantics = [#tpu.dimension_semantics<arbitrary>], iteration_bounds = array<i64: 5>, scalar_prefetch = 0 : i64, scratch_operands = 0 : i64, tpu.core_type = #tpu.core_type<tc>, window_params = [{transform_indices = @transform_0, window_bounds = array<i64: 2000, 128>}, {pipeline_mode = #tpu.pipeline_mode<synchronous>, transform_indices = @transform_1, window_bounds = array<i64: 128, 128>}, {transform_indices = @transform_2, window_bounds = array<i64: 2000, 128>}, {pipeline_mode = #tpu.pipeline_mode<synchronous>, transform_indices = @transform_3, window_bounds = array<i64: 128, 128>}, {transform_indices = @transform_4, window_bounds = array<i64: 2, 65536>}, {transform_indices = @transform_5, window_bounds = array<i64: 2, 65536>}, {transform_indices = @transform_6, window_bounds = array<i64: 2000, 128>}, {transform_indices = @transform_7, window_bounds = array<i64: 2000, 128>}, {transform_indices = @transform_8, window_bounds = array<i64: 2000, 128>}, {transform_indices = @transform_9, window_bounds = array<i64: 65536>}, {transform_indices = @transform_10, window_bounds = array<i64: 65536>}, {transform_indices = @transform_11, window_bounds = array<i64: 65536>}, {transform_indices = @transform_12, window_bounds = array<i64: 65536>}]} {
    %broadcast_in_dim3A = arith.constant 0.000000e+00 : f32
    %broadcast_in_dim3A_0 = vector.broadcast %broadcast_in_dim3A : f32 to vector<2000x128xf32>
    %swap3A = arith.constant 0 : index
    %swap3A_1 = arith.constant 0 : index
    %swap3A_2 = vector.load %arg9[%swap3A, %swap3A_1] : memref<2000x128xf32, #tpu.memory_space<vmem>>, vector<2000x128xf32>
    tpu.vector_store %arg9[%swap3A, %swap3A_1], %broadcast_in_dim3A_0 {strides = array<i32>} : memref<2000x128xf32, #tpu.memory_space<vmem>>, vector<2000x128xf32>,
    %get3A = arith.constant 0 : index
    %get3A_3 = arith.constant 0 : index
    %get3A_4 = vector.load %arg5[%get3A, %get3A_3] : memref<2x65536xi32, #tpu.memory_space<vmem>>, vector<1x65536xi32>
    %get3A_5 = vector.shape_cast %get3A_4 : vector<1x65536xi32> to vector<65536xi32>
    %swap3A_6 = arith.constant 0 : index
    %swap3A_7 = vector.load %arg10[%swap3A_6] : memref<65536xi32, #tpu.memory_space<vmem>>, vector<65536xi32>
    tpu.vector_store %arg10[%swap3A_6], %get3A_5 {strides = array<i32>} : memref<65536xi32, #tpu.memory_space<vmem>>, vector<65536xi32>,
    %get3A_8 = arith.constant 1 : index
    %get3A_9 = arith.constant 0 : index
    %get3A_10 = vector.load %arg5[%get3A_8, %get3A_9] : memref<2x65536xi32, #tpu.memory_space<vmem>>, vector<1x65536xi32>
    %get3A_11 = vector.shape_cast %get3A_10 : vector<1x65536xi32> to vector<65536xi32>
    %swap3A_12 = arith.constant 0 : index
    %swap3A_13 = vector.load %arg11[%swap3A_12] : memref<65536xi32, #tpu.memory_space<vmem>>, vector<65536xi32>
    tpu.vector_store %arg11[%swap3A_12], %get3A_11 {strides = array<i32>} : memref<65536xi32, #tpu.memory_space<vmem>>, vector<65536xi32>,
    %get3A_14 = arith.constant 0 : index
    %get3A_15 = arith.constant 0 : index
    %get3A_16 = vector.load %arg6[%get3A_14, %get3A_15] : memref<2x65536xi32, #tpu.memory_space<vmem>>, vector<1x65536xi32>
    %get3A_17 = vector.shape_cast %get3A_16 : vector<1x65536xi32> to vector<65536xi32>
    %swap3A_18 = arith.constant 0 : index
    %swap3A_19 = vector.load %arg12[%swap3A_18] : memref<65536xi32, #tpu.memory_space<vmem>>, vector<65536xi32>
    tpu.vector_store %arg12[%swap3A_18], %get3A_17 {strides = array<i32>} : memref<65536xi32, #tpu.memory_space<vmem>>, vector<65536xi32>,
    %get3A_20 = arith.constant 1 : index
    %get3A_21 = arith.constant 0 : index
    %get3A_22 = vector.load %arg6[%get3A_20, %get3A_21] : memref<2x65536xi32, #tpu.memory_space<vmem>>, vector<1x65536xi32>
    %get3A_23 = vector.shape_cast %get3A_22 : vector<1x65536xi32> to vector<65536xi32>
    %swap3A_24 = arith.constant 0 : index
    %swap3A_25 = vector.load %arg13[%swap3A_24] : memref<65536xi32, #tpu.memory_space<vmem>>, vector<65536xi32>
    tpu.vector_store %arg13[%swap3A_24], %get3A_23 {strides = array<i32>} : memref<65536xi32, #tpu.memory_space<vmem>>, vector<65536xi32>,
    %get3A_26 = arith.constant 0 : index
    %get3A_27 = arith.constant 0 : index
    %get3A_28 = vector.load %arg1[%get3A_26, %get3A_27] : memref<2000x128xf32, #tpu.memory_space<vmem>>, vector<2000x128xf32>
    %get3A_29 = arith.constant 0 : index
    %get3A_30 = arith.constant 0 : index
    %get3A_31 = vector.load %arg2[%get3A_29, %get3A_30] : memref<128x128xf32, #tpu.memory_space<vmem>>, vector<128x128xf32>
    %dot_general3A = arith.constant dense<0.000000e+00> : vector<2000x128xf32>
    %dot_general3A_32 = tpu.matmul %get3A_28, %get3A_31, %dot_general3A {dimension_numbers = #tpu.dot_dimension_numbers<[1], [0], [0], [1], [0, 0, 1, 1], [], []>, transpose_lhs_hint = false} : vector<2000x128xf32>, vector<128x128xf32>, vector<2000x128xf32> -> vector<2000x128xf32>
    %swap3A_33 = arith.constant 0 : index
    %swap3A_34 = arith.constant 0 : index
    %swap3A_35 = vector.load %arg7[%swap3A_33, %swap3A_34] : memref<2000x128xf32, #tpu.memory_space<vmem>>, vector<2000x128xf32>
    tpu.vector_store %arg7[%swap3A_33, %swap3A_34], %dot_general3A_32 {strides = array<i32>} : memref<2000x128xf32, #tpu.memory_space<vmem>>, vector<2000x128xf32>,
    %get3A_36 = arith.constant 0 : index
    %get3A_37 = arith.constant 0 : index
    %get3A_38 = vector.load %arg3[%get3A_36, %get3A_37] : memref<2000x128xf32, #tpu.memory_space<vmem>>, vector<2000x128xf32>
    %get3A_39 = arith.constant 0 : index
    %get3A_40 = arith.constant 0 : index
    %get3A_41 = vector.load %arg4[%get3A_39, %get3A_40] : memref<128x128xf32, #tpu.memory_space<vmem>>, vector<128x128xf32>
    %dot_general3A_42 = arith.constant dense<0.000000e+00> : vector<2000x128xf32>
    %dot_general3A_43 = tpu.matmul %get3A_38, %get3A_41, %dot_general3A_42 {dimension_numbers = #tpu.dot_dimension_numbers<[1], [0], [0], [1], [0, 0, 1, 1], [], []>, transpose_lhs_hint = false} : vector<2000x128xf32>, vector<128x128xf32>, vector<2000x128xf32> -> vector<2000x128xf32>
    %swap3A_44 = arith.constant 0 : index
    %swap3A_45 = arith.constant 0 : index
    %swap3A_46 = vector.load %arg8[%swap3A_44, %swap3A_45] : memref<2000x128xf32, #tpu.memory_space<vmem>>, vector<2000x128xf32>
    tpu.vector_store %arg8[%swap3A_44, %swap3A_45], %dot_general3A_43 {strides = array<i32>} : memref<2000x128xf32, #tpu.memory_space<vmem>>, vector<2000x128xf32>,
    return
  }
  func.func @transform_0(%arg0: i32) -> (i32, i32) {
    %c0_i32 = arith.constant 0 : i32
    %c0_i32_0 = arith.constant 0 : i32
    return %arg0, %c0_i32 : i32, i32
  }
  func.func @transform_1(%arg0: i32) -> (i32, i32) {
    %c0_i32 = arith.constant 0 : i32
    %c0_i32_0 = arith.constant 0 : i32
    %c0_i32_1 = arith.constant 0 : i32
    return %c0_i32, %c0_i32_0 : i32, i32
  }
  func.func @transform_2(%arg0: i32) -> (i32, i32) {
    %c0_i32 = arith.constant 0 : i32
    %c0_i32_0 = arith.constant 0 : i32
    return %arg0, %c0_i32 : i32, i32
  }
  func.func @transform_3(%arg0: i32) -> (i32, i32) {
    %c0_i32 = arith.constant 0 : i32
    %c0_i32_0 = arith.constant 0 : i32
    %c0_i32_1 = arith.constant 0 : i32
    return %c0_i32, %c0_i32_0 : i32, i32
  }
  func.func @transform_4(%arg0: i32) -> (i32, i32) {
    %c0_i32 = arith.constant 0 : i32
    %c0_i32_0 = arith.constant 0 : i32
    return %c0_i32, %arg0 : i32, i32
  }
  func.func @transform_5(%arg0: i32) -> (i32, i32) {
    %c0_i32 = arith.constant 0 : i32
    %c0_i32_0 = arith.constant 0 : i32
    return %c0_i32, %arg0 : i32, i32
  }
  func.func @transform_6(%arg0: i32) -> (i32, i32) {
    %c0_i32 = arith.constant 0 : i32
    %c0_i32_0 = arith.constant 0 : i32
    return %arg0, %c0_i32 : i32, i32
  }
  func.func @transform_7(%arg0: i32) -> (i32, i32) {
    %c0_i32 = arith.constant 0 : i32
    %c0_i32_0 = arith.constant 0 : i32
    return %arg0, %c0_i32 : i32, i32
  }
  func.func @transform_8(%arg0: i32) -> (i32, i32) {
    %c0_i32 = arith.constant 0 : i32
    %c0_i32_0 = arith.constant 0 : i32
    return %arg0, %c0_i32 : i32, i32
  }
  func.func @transform_9(%arg0: i32) -> i32 {
    %c0_i32 = arith.constant 0 : i32
    return %arg0 : i32
  }
  func.func @transform_10(%arg0: i32) -> i32 {
    %c0_i32 = arith.constant 0 : i32
    return %arg0 : i32
  }
  func.func @transform_11(%arg0: i32) -> i32 {
    %c0_i32 = arith.constant 0 : i32
    return %arg0 : i32
  }
  func.func @transform_12(%arg0: i32) -> i32 {
    %c0_i32 = arith.constant 0 : i32
    return %arg0 : i32
  }
}

</mosaic_0001>

<sc_bundles>
// kernel: kernel.4.cloned.1.call-start
scs
__scs_entry_jumppad:
0x0: {  	(pc) =	sbr.rel $0x88, $3  }
0x1: {  	(tag) =	ssettag $0x0;
	lr =	simm.s32 $0x1  }
0x2: {  	[smem:$0x3F9B] =	sst lr;
	_ =	strace $0xD0000000  }
0x3: {  	_ = 	snop  }
0x4: {  	_ = 	snop  }
0x5: {  	_ = 	snop  }
0x6: {  	_ = 	snop  }
0x7: {  	_ = 	snop  }
__scs_overlays_trampoline_lowered:
0x8: {  	[smem:$0x3FAA] =	sst s0  }
0x9: {  	[smem:$0x3FAB] =	sst s1  }
0xa: {  	[smem:$0x3FAC] =	sst s2  }
0xb: {  	[smem:$0x3FAD] =	sst s3  }
0xc: {  	[smem:$0x3FAE] =	sst s4  }
0xd: {  	[smem:$0x3FAF] =	sst s5  }
0xe: {  	[smem:$0x3FB0] =	sst s6  }
0xf: {  	[smem:$0x3FB1] =	sst s7  }
0x10: {  	[smem:$0x3FB2] =	sst s8  }
0x11: {  	[smem:$0x3FB3] =	sst s9;
	s0 =	simm.s32 @!p0 $0x0  }
0x12: {  	s1 =	sld [smem:$0x3F99];
	s0 =	simm.s32 @p0 $0x1  }
0x13: {  	[smem:$0x3FB4] =	sst s0;
	s0 =	simm.s32 @!p1 $0x0  }
0x14: {  	s2 =	sld [smem:$0x3F98];
	s0 =	simm.s32 @p1 $0x1  }
0x15: {  	[smem:$0x3FB5] =	sst s0;
	s0 =	simm.s32 @!p2 $0x0  }
0x16: {  	s3 =	sld [smem:$0x3FDB];
	s0 =	simm.s32 @p2 $0x1  }
0x17: {  	s4 =	simm.s32 $0x1BF5;
	[smem:$0x3FB7] =	sst s0  }
0x18: {  	s0 =	sld [smem:$0x3F9A];
	_ =	swait.ge [sflag:s4], $0x0  }
0x19: {  	s7 =	sld [smem:$0x3F9B]  }
0x1a: {  	s8 =	sadd.s32 $0xFFFFE003, lr  }
0x1b: {  	s9 =	sadd.s32 $0xFFFFFEF7, lr;
	s5 =	simm.s32 $0xFFFFFFFF;
	p2 =	slt.u32 s8, $0xFFFFF086  }
0x1c: {  	p1 =	slt.u32 s9, $0xF7A;
	s5 =	simm.s32 @!p2 $0x0  }
0x1d: {  	s5 =	simm.s32 @p1 $0x1;
	p0 =	seq.s32 s7, s2  }
0x1e: {  	s7 =	smul.u32 @!p0 $0xF7A, s2;
	p2 =	seq.s32 @!p0 s5, $0x0  }
0x1f: {  	s9 =	smul.u32 $0xF7A, s1;
	s8 =	simm.s32 @!p0 $0x1BF5;
	p2 =	por !p2, p0  }
0x20: {  	[sflag:s8] =	ssyncset.s32 @!p0 $0xFFFFF086;
	s6 =	sadd.s32 @!p0 s3, s7;
	s7 =	simm.s32 @!p0 $0x108  }
0x21: {  	s3 =	sadd.s32 s3, s9;
	s6 =	sadd.s32 @!p0 $0x88, s6;
	s7 =	simm.s32 @p2 $0x1082  }
0x22: {  	[simem:s7], [sflag:s8] =	dma.local @!p0 [hbm:s6], $0xF7A  }
0x23: {  	s9 =	sor.u32 $0xD0000000, s2;
	s6 =	simm.s32 $0x108;
	_ =	swait.ge @!p0 [sflag:s8], $0x0  }
0x24: {  	s3 =	sadd.s32 $0x88, s3;
	s6 =	simm.s32 @!p1 $0x1082;
	[sflag:s4] =	ssyncset.s32 $0xFFFFF086  }
0x25: {  	[simem:s6], [sflag:s4] =	dma.local [hbm:s3], $0xF7A  }
0x26: {  	[smem:$0x3F9B] =	sst s1;
	(tag) =	ssettag s2;
	_ =	strace s9  }
0x27: {  	s1 =	sld [smem:$0x3FAB]  }
0x28: {  	s2 =	sld [smem:$0x3FAC]  }
0x29: {  	s4 =	sld [smem:$0x3FAE]  }
0x2a: {  	p0 =	seq.s32 s5, $0x0;
	s5 =	sld [smem:$0x3FAF]  }
0x2b: {  	s6 =	sld [smem:$0x3FB0]  }
0x2c: {  	s7 =	sld [smem:$0x3FB1]  }
0x2d: {  	s3 =	simm.s32 $0x108;
	s8 =	sld [smem:$0x3FB2]  }
0x2e: {  	s3 =	simm.s32 @!p0 $0x1082;
	s9 =	sld [smem:$0x3FB3]  }
0x2f: {  	lr =	sadd.s32 s0, s3;
	s0 =	sld [smem:$0x3FAA]  }
0x30: {  	s3 =	sld [smem:$0x3FAD]  }
0x31: {  	[smem:$0x3FB6] =	sst s10  }
0x32: {  	s10 =	sld [smem:$0x3FB4];
	_ =	sdelay $0x3  }
0x33: {  	p0 =	seq.s32 s10, $0x1;
	s10 =	sld [smem:$0x3FB6];
	_ =	sdelay $0x3  }
0x34: {  	[smem:$0x3FB6] =	sst s10  }
0x35: {  	s10 =	sld [smem:$0x3FB5];
	_ =	sdelay $0x3  }
0x36: {  	p1 =	seq.s32 s10, $0x1;
	s10 =	sld [smem:$0x3FB6];
	_ =	sdelay $0x3  }
0x37: {  	[smem:$0x3FB6] =	sst s10  }
0x38: {  	s10 =	sld [smem:$0x3FB7]  }
0x39: {  	_ = 	snop;
	(pc) =	sbr.ind lr, $3  }
0x3a: {  	_ = 	snop  }
0x3b: {  	_ = 	snop  }
0x3c: {  	p2 =	seq.s32 s10, $0x1;
	s10 =	sld [smem:$0x3FB6]  }
0x3d: {  	_ =	shalt  }
0x3e: {  	_ =	shalt  }
0x3f: {  	_ =	shalt  }
0x40: {  	_ =	shalt  }
0x41: {  	_ =	shalt  }
0x42: {  	_ =	shalt  }
0x43: {  	_ =	shalt  }
0x44: {  	_ =	shalt  }
0x45: {  	_ =	shalt  }
0x46: {  	_ =	shalt  }
0x47: {  	_ =	shalt  }
0x48: {  	_ =	shalt  }
0x49: {  	_ =	shalt  }
0x4a: {  	_ =	shalt  }
0x4b: {  	_ =	shalt  }
0x4c: {  	_ =	shalt  }
0x4d: {  	_ =	shalt  }
0x4e: {  	_ =	shalt  }
0x4f: {  	_ =	shalt  }
0x50: {  	_ =	shalt  }
0x51: {  	_ =	shalt  }
0x52: {  	_ =	shalt  }
0x53: {  	_ =	shalt  }
0x54: {  	_ =	shalt  }
0x55: {  	_ =	shalt  }
0x56: {  	_ =	shalt  }
0x57: {  	_ =	shalt  }
0x58: {  	_ =	shalt  }
0x59: {  	_ =	shalt  }
0x5a: {  	_ =	shalt  }
0x5b: {  	_ =	shalt  }
0x5c: {  	_ =	shalt  }
0x5d: {  	_ =	shalt  }
0x5e: {  	_ =	shalt  }
0x5f: {  	_ =	shalt  }
0x60: {  	_ =	shalt  }
0x61: {  	_ =	shalt  }
0x62: {  	_ =	shalt  }
0x63: {  	_ =	shalt  }
0x64: {  	_ =	shalt  }
0x65: {  	_ =	shalt  }
0x66: {  	_ =	shalt  }
0x67: {  	_ =	shalt  }
0x68: {  	_ =	shalt  }
0x69: {  	_ =	shalt  }
0x6a: {  	_ =	shalt  }
0x6b: {  	_ =	shalt  }
0x6c: {  	_ =	shalt  }
0x6d: {  	_ =	shalt  }
0x6e: {  	_ =	shalt  }
0x6f: {  	_ =	shalt  }
0x70: {  	_ =	shalt  }
0x71: {  	_ =	shalt  }
0x72: {  	_ =	shalt  }
0x73: {  	_ =	shalt  }
0x74: {  	_ =	shalt  }
0x75: {  	_ =	shalt  }
0x76: {  	_ =	shalt  }
0x77: {  	_ =	shalt  }
0x78: {  	_ =	shalt  }
0x79: {  	_ =	shalt  }
0x7a: {  	_ =	shalt  }
0x7b: {  	_ =	shalt  }
0x7c: {  	_ =	shalt  }
0x7d: {  	_ =	shalt  }
0x7e: {  	_ =	shalt  }
0x7f: {  	_ =	shalt  }
0x80: {  	_ =	shalt  }
0x81: {  	_ =	shalt  }
0x82: {  	_ =	shalt  }
0x83: {  	_ =	shalt  }
0x84: {  	_ =	shalt  }
0x85: {  	_ =	shalt  }
0x86: {  	_ =	shalt  }
0x87: {  	_ =	shalt  }
.Lfunc_end0:
.L_simem_size_0:
called_computation_lowered:
.L_overlay_start_0:
0x88: {  	s2 =	sld [smem:$0x3FD9]  }
0x89: {  	s3 =	sld [smem:$0x3FFE];
	_ =	sdelay $0x1  }
0x8a: {  	s1 =	srdreg.scid  }
0x8b: {  	s0 =	sand.u32 $0x1, s1  }
0x8c: {  	s14 =	sshll.u32 s0, $0xA;
	s2 =	sadd.s32 s3, s2  }
0x8d: {  	s2 =	sadd.s32 s2, s14  }
0x8e: {  	[smem:$0x3FC2] =	sst s2  }
0x8f: {  	_ = 	snop  }
0x90: {  	s2 =	sld [smem:$0x3FD0];
	_ =	sdelay $0x2  }
0x91: {  	s15 =	simm.s32 $0xA;
	s4 =	simm.s32 $0x10  }
0x92: {  	[smem:s4], [sflag:s15] =	dma.local [hbm:s2], $0x1  }
0x93: {  	_ =	swait.eq [sflag:s15], $0x1  }
0x94: {  	[sflag:s15] =	ssyncset.done $0x0  }
0x95: {  	s16 =	sld [smem:$0x10];
	[sflag:s15] =	ssyncadd.s32 $0xFFFFFFFF  }
0x96: {  	s17 =	sld [smem:$0x11];
	(tm) =	ssettm $0x1  }
0x97: {  	s18 =	sld [smem:$0x3FFB];
	_ =	sdelay $0x3  }
0x98: {  	_ =	strace s18  }
0x99: {  	s4 =	sld [smem:$0x3FFC];
	_ =	sdelay $0x3  }
0x9a: {  	_ =	strace s4  }
0x9b: {  	s4 =	sld [smem:$0x3FFD];
	_ =	sdelay $0x3  }
0x9c: {  	_ =	strace s4  }
0x9d: {  	_ =	strace $0x8FFFFFFF  }
0x9e: {  	s19 =	sld [smem:$0x3FDB];
	_ =	sdelay $0x1  }
0x9f: {  	s5 =	simm.s32 $_scs_section_size  }
0xa0: {  	s6 =	simm.s32 $_size__tile_overlayer_lowered;
	s7 =	simm.s32 $_tile_overlayer_lowered  }
0xa1: {  	s22 =	simm.s32 $0x1BFF;
	s21 =	sshll.u32 s7, $0x1;
	s4 =	sadd.s32 s5, s19  }
0xa2: {  	s8 =	simm.s32 $0x0;
	s20 =	sshll.u32 s6, $0x1;
	s6 =	sadd.s32 s21, s4  }
0xa3: {  	[timem:s8], [sflag:s22] =	dma.local [hbm:s6], s20  }
0xa4: {  	_ =	swait.ge [sflag:s22], s20  }
0xa5: {  	s5 =	ssub.s32 $0x0, s20;
	[sflag:s22] =	ssyncset.done $0x0  }
0xa6: {  	[sflag:s22] =	ssyncadd.s32 s5;
	_ =	sdelay $0x1  }
0xa7: {  	s23 =	simm.s32 $0x1B8B  }
0xa8: {  	_ =	swait.ge [sflag:s23], $0x1  }
0xa9: {  	[sflag:s23] =	ssyncset.done $0x0  }
0xaa: {  	s25 =	simm.s32 $0x1B8E;
	s24 =	sld [smem:$0x3FFE];
	[sflag:s23] =	ssyncadd.s32 $0xFFFFFFFF  }
0xab: {  	s26 =	simm.s32 $execute0_lowered;
	[smem:$0x3FD2] =	sst s25  }
0xac: {  	s6 =	sshll.u32 s26, $0x1;
	_ =	strace $0x80000046;
	[dreg:$0x1] =	wrdreg $0xFFFFFFFF  }
0xad: {  	s28 =	simm.s32 $_size_execute0_lowered;
	s4 =	sadd.s32 s4, s6;
	[dreg:$0x0] =	wrdreg $0x0  }
0xae: {  	s6 =	sshll.u32 s28, $0x1;
	[dreg:$0x2] =	wrdreg s4  }
0xaf: {  	[dreg:$0x3] =	wrdreg s6  }
0xb0: {  	[dreg:$0x4] =	wrdreg $0xC0  }
0xb1: {  	_ =	task [dreg:s8], $0x5FFFF  }
0xb2: {  	[dreg:$0x1] =	wrdreg $0xFFFFFFFF  }
0xb3: {  	[dreg:$0x0] =	wrdreg $0x60  }
0xb4: {  	[dreg:$0x2] =	wrdreg s24  }
0xb5: {  	[dreg:$0x3] =	wrdreg s17  }
0xb6: {  	[dreg:$0x4] =	wrdreg s16  }
0xb7: {  	[dreg:$0x5] =	wrdreg $0xB3000  }
0xb8: {  	[dreg:$0x6] =	wrdreg $0x9  }
0xb9: {  	_ =	task.clear_ibuf [dreg:s8], $0x7FFFF;
	_ =	strace $0x90000046  }
0xba: {  	s29 =	simm.s32 $0x9;
	_ =	strace $0x80000048  }
0xbb: {  	_ =	swait.ge [sflag:s29], $0x1  }
0xbc: {  	[sflag:s29] =	ssyncadd.s32 $0xFFFFFFFF  }
0xbd: {  	_ =	strace $0x90000048  }
0xbe: {  	_ =	sfence  }
0xbf: {  	s30 =	sld [smem:$0x0];
	_ =	sdelay $0x2  }
0xc0: {  	s31 =	sshll.u32 s1, $0xD;
	s1 =	sshrl.u32 s1, $0x2  }
0xc1: {  	s3 =	sand.u32 $0x4000, s31;
	s1 =	sadd.s32 s1, s30  }
0xc2: {  	s0 =	sor.u32 s3, s0;
	s1 =	sshll.u32 s1, $0x11  }
0xc3: {  	s0 =	sor.u32 s1, s0  }
0xc4: {  	s0 =	sadd.s32 $0x8F2B, s0  }
0xc5: {  	[sflag:s0] =	ssyncadd.remote.s32 $0x1  }
0xc6: {  	_ =	sfence.sel $0xFFFF  }
0xc7: {  	[dreg:$0x0] =	wrdreg $0xFFFFFFFF;
	(pc) =	sbr.abs _section_cstart, $3  }
0xc8: {  	[dreg:$0x1] =	wrdreg $0xFFFFFFFF  }
0xc9: {  	_ =	task.clear_ibuf [dreg:s8], $0x2FFFF;
	_ =	strace $0x9FFFFFFF  }
0xca: {  	(tm) =	ssettm $0x7FFFFFFF  }
0xcb: {  	_ =	shalt  }
tec
execute0_lowered:
.L_overlay_start_1:
0x0: {  	(tag) =	ssettag $0x1  }
0x1: {  	s0 =	rddreg [dreg:$0x0]  }
0x2: {  	s1 =	simm.s32 $0x0;
	s2 =	srdreg.scid;
	s15 =	stileid.u32  }
0x3: {  	[smem:$0x7FF] =	sst s1;
	s6 =	smul.u32 $0x4E20, s15  }
0x4: {  	s3 =	sadd.s32 $0x77400, s0;
	s4 =	sand.u32 $0x1, s2;
	s5 =	sadd.s32 $0x81200, s0  }
0x5: {  	s9 =	sadd.s32 $0x8B000, s0;
	s2 =	ssub.s32 $0x2, s4;
	s19 =	sshrl.u32 s6, $0x3  }
0x6: {  	s7 =	sadd.s32 $0x94E00, s0;
	s8 =	sshrl.u32 s2, $0x1;
	s20 =	sadd.s32 s3, s19  }
0x7: {  	s10 =	sadd.s32 $0x68, s6;
	s22 =	sadd.s32 s5, s19;
	[dreg:$0x5] =	wrdreg s20  }
0x8: {  	s2 =	ssub.s32 s2, s8;
	s16 =	sadd.s32 s9, s19;
	[dreg:$0x6] =	wrdreg s22  }
0x9: {  	s21 =	sshrl.u32 s10, $0x3;
	s8 =	sadd.s32 s7, s19;
	[dreg:$0xc] =	wrdreg s16  }
0xa: {  	s23 =	sadd.s32 s3, s21;
	[dreg:$0xd] =	wrdreg s8  }
0xb: {  	s24 =	sadd.s32 $0x1A, s19;
	s11 =	sadd.s32 s5, s21;
	[dreg:$0x7] =	wrdreg s23  }
0xc: {  	s25 =	sadd.s32 s3, s24;
	[dreg:$0x8] =	wrdreg s11  }
0xd: {  	s12 =	sadd.s32 s5, s24;
	[dreg:$0x9] =	wrdreg s25  }
0xe: {  	s30 =	sadd.s32 s9, s21;
	[dreg:$0xa] =	wrdreg s12  }
0xf: {  	p0 =	seq.s32 s4, $0x1;
	s4 =	sadd.s32 s7, s21;
	[dreg:$0xe] =	wrdreg s30  }
0x10: {  	s16 =	sadd.s32 s9, s24;
	[dreg:$0xf] =	wrdreg s4  }
0x11: {  	s29 =	sadd.s32 $0x34, s19;
	s17 =	sadd.s32 s7, s24;
	[dreg:$0x10] =	wrdreg s16  }
0x12: {  	s21 =	sadd.s32 s3, s29;
	[dreg:$0x11] =	wrdreg s17  }
0x13: {  	s22 =	sadd.s32 s5, s29;
	[dreg:$0x15] =	wrdreg s21  }
0x14: {  	s13 =	sadd.s32 $0x4E, s19;
	s24 =	sadd.s32 s7, s29;
	[dreg:$0x16] =	wrdreg s22  }
0x15: {  	s8 =	sadd.s32 s9, s13;
	[dreg:$0x18] =	wrdreg s24  }
0x16: {  	s10 =	sadd.s32 s7, s13;
	[dreg:$0x1f] =	wrdreg s8  }
0x17: {  	s26 =	sadd.s32 $0x138, s6;
	s6 =	sadd.s32 $0x208, s6;
	[smem:$0x7EA] =	sst s10  }
0x18: {  	s6 =	sshrl.u32 s6, $0x3;
	s23 =	sadd.s32 s9, s29;
	s8 =	rddreg [dreg:$0x3]  }
0x19: {  	s25 =	sadd.s32 s3, s6;
	[dreg:$0x17] =	wrdreg s23  }
0x1a: {  	s11 =	sshrl.u32 s26, $0x3;
	s26 =	sadd.s32 s5, s6;
	[dreg:$0x19] =	wrdreg s25  }
0x1b: {  	s29 =	sadd.s32 s7, s6;
	[dreg:$0x1a] =	wrdreg s26  }
0x1c: {  	s14 =	sadd.s32 $0x9C0, s19;
	s30 =	sadd.s32 s3, s13;
	[dreg:$0x1c] =	wrdreg s29  }
0x1d: {  	s12 =	sadd.s32 s3, s14;
	[dreg:$0x1d] =	wrdreg s30  }
0x1e: {  	s16 =	sadd.s32 s9, s14;
	[smem:$0x7EB] =	sst s12  }
0x1f: {  	s17 =	sadd.s32 s7, s14;
	[smem:$0x7ED] =	sst s16  }
0x20: {  	s28 =	sadd.s32 s3, s11;
	[smem:$0x7EE] =	sst s17  }
0x21: {  	s18 =	sadd.s32 s5, s11;
	[dreg:$0xb] =	wrdreg s28  }
0x22: {  	s31 =	simm.s32 $0x180;
	s19 =	sadd.s32 s9, s11;
	[dreg:$0x12] =	wrdreg s18  }
0x23: {  	p1 =	seq.s32 s15, $0xF;
	s20 =	sadd.s32 s7, s11;
	[dreg:$0x13] =	wrdreg s19  }
0x24: {  	s21 =	smul.u32 $0x2800, s15;
	s10 =	simm.s32 $0x280;
	[dreg:$0x14] =	wrdreg s20  }
0x25: {  	s11 =	smul.u32 $0x9C4, s15;
	s29 =	smax.u32 s2, $0x1;
	s18 =	rddreg [dreg:$0x1]  }
0x26: {  	s30 =	sadd.s32 $0x12C000, s8;
	s28 =	sadd.s32 s9, s6;
	s19 =	rddreg [dreg:$0x2]  }
0x27: {  	s17 =	simm.s32 $0x600;
	s6 =	sadd.s32 s5, s13;
	[dreg:$0x1b] =	wrdreg s28  }
0x28: {  	s13 =	sadd.s32 s5, s14;
	s23 =	sadd.s32 s21, s0;
	[dreg:$0x1e] =	wrdreg s6  }
0x29: {  	[smem:$0x7EC] =	sst s13;
	s4 =	sadd.s32 s11, s9;
	s9 =	sadd.s32 $0x29000, s0  }
0x2a: {  	s13 =	sadd.s32 $0x50200, s0;
	s0 =	sadd.s32 $0x27600, s0;
	[smem:$0x7EF] =	sst s4  }
0x2b: {  	s24 =	sadd.s32 s18, s21;
	_ =	strace $0x80000047;
	[smem:$0x7F2] =	sst s0  }
0x2c: {  	s16 =	simm.s32 $0x2;
	s25 =	sadd.s32 $0x25800, s18;
	[smem:$0x7F3] =	sst s24  }
0x2d: {  	s12 =	simm.s32 $0x0;
	s26 =	sadd.s32 s19, s21;
	[smem:$0x7F4] =	sst s25  }
0x2e: {  	s20 =	smul.u32 $0x50000, s15;
	s28 =	sadd.s32 $0x25800, s19;
	[smem:$0x7F5] =	sst s26  }
0x2f: {  	s15 =	simm.s32 $0x6E00;
	s14 =	simm.s32 $0xA;
	[smem:$0x7F6] =	sst s28  }
0x30: {  	s5 =	sadd.s32 s11, s5;
	s6 =	sadd.s32 s11, s3;
	[smem:$0x7F7] =	sst s29  }
0x31: {  	s7 =	sadd.s32 s11, s7;
	s3 =	simm.s32 $0x1;
	[smem:$0x7F8] =	sst s30  }
0x32: {  	s18 =	simm.s32 $0x7;
	s11 =	simm.s32 $0x8;
	[smem:$0x7F9] =	sst s5  }
0x33: {  	s19 =	simm.s32 $0x4;
	s22 =	sshrl.u32 s20, $0x2;
	[smem:$0x7FA] =	sst s6  }
.Ltmp0:
0x34: {  	s20 =	simm.s32 $0x9;
	[smem:$0x7FB] =	sst s7;
	(pc) =	sbr.rel .LBB2_1-.Ltmp0, $4  }
0x35: {  	s4 =	sadd.s32 s22, s8;
	s0 =	simm.s32 $0x3;
	[smem:$0x7FC] =	sst s9  }
0x36: {  	s25 =	simm.s32 $0xB;
	s22 =	simm.s32 $0x5;
	[smem:$0x7FD] =	sst s13  }
0x37: {  	s24 =	simm.s32 $0x6;
	[smem:$0x7F0] =	sst s4;
	s4 =	sadd.s32 $0x1E00, s23  }
0x38: {  	s23 =	simm.s32 $0xC;
	[smem:$0x7F1] =	sst s4;
	s4 =	simm.s32 $0x68  }
.LBB2_13:
0x39: {  	_ =	swait.ge [sflag:s20], $0x3400  }
0x3a: {  	[sflag:s20] =	ssyncset.done $0x0  }
0x3b: {  	s2 =	simm.s32 $0x580;
	[sflag:s20] =	ssyncadd.s32 $0xFFFFCC00  }
0x3c: {  	[spmem:s8] =	stream.indirect.scatter.add.f32 [tilespmem:s12], [sflag:$0xC], $0x80, s2, s4, $0xb8;
	[tilespmem:$0x1EB80] =	vst v63  }
0x3d: {  	_ =	swait.ge [sflag:s25], $0x3400  }
0x3e: {  	[sflag:s25] =	ssyncset.done $0x0  }
0x3f: {  	[sflag:s25] =	ssyncadd.s32 $0xFFFFCC00  }
0x40: {  	_ =	swait.ge [sflag:s23], $0x3400  }
0x41: {  	s31 =	simm.s32 $0x180;
	[sflag:s23] =	ssyncset.done $0x0  }
0x42: {  	s17 =	simm.s32 $0x600;
	s15 =	simm.s32 $0x6E00;
	[sflag:s23] =	ssyncadd.s32 $0xFFFFCC00  }
.LBB2_9:
0x43: {  	s2 =	sld [smem:$0x7ED];
	_ =	sdelay $0x1  }
0x44: {  	s5 =	simm.s32 $0xA200;
	s28 =	sld [smem:$0x7EE]  }
0x45: {  	[tilespmem:s5], [sflag:$0xD] =	stream.linear.gather [hbm4b:s2+s1], $0x20, $0x38;
	[tilespmem:$0x1EB80] =	vst v63  }
0x46: {  	s6 =	simm.s32 $0xA280;
	s29 =	simm.s32 $0xD  }
0x47: {  	[tilespmem:s6], [sflag:$0xD] =	stream.linear.gather [hbm4b:s28+s1], $0x20, $0x38;
	[tilespmem:$0x1EB80] =	vst v63  }
0x48: {  	_ =	swait.ge [sflag:s29], $0x20  }
0x49: {  	[sflag:s29] =	ssyncset.done $0x0  }
0x4a: {  	[sflag:s29] =	ssyncadd.s32 $0xFFFFFFE0  }
0x4b: {  	_ =	swait.ge [sflag:s29], $0x20  }
0x4c: {  	[sflag:s29] =	ssyncset.done $0x0  }
0x4d: {  	s9 =	simm.s32 $0x20;
	s10 =	simm.s32 $0xA300;
	[sflag:s29] =	ssyncadd.s32 $0xFFFFFFE0  }
0x4e: {  	[tilespmem:s10], [sflag:$0xD] =	stream.indirect.gather [hbm4b:s13+s9], $0x80, s5, s9, $0xb8;
	[tilespmem:$0x1EB80] =	vst v63  }
0x4f: {  	_ =	swait.ge [sflag:s29], $0x1000  }
0x50: {  	[sflag:s29] =	ssyncset.done $0x0  }
0x51: {  	s30 =	simm.s32 $0xE;
	[sflag:s29] =	ssyncadd.s32 $0xFFFFF000  }
0x52: {  	[spmem:s8] =	stream.indirect.scatter.add.f32 [tilespmem:s10], [sflag:$0xE], $0x80, s6, s9, $0xb8;
	[tilespmem:$0x1EB80] =	vst v63  }
0x53: {  	_ =	swait.ge [sflag:s30], $0x1000  }
0x54: {  	[sflag:s30] =	ssyncset.done $0x0  }
0x55: {  	[sflag:s30] =	ssyncadd.s32 $0xFFFFF000  }
0x56: {  	[bflag:$0x0] =	sbarrier.arrive $0xFFFF  }
0x57: {  	s21 =	sld [smem:$0x7F6]  }
0x58: {  	s5 =	sld [smem:$0x7E9];
	_ =	sdelay $0x1  }
0x59: {  	s2 =	simm.s32 @p1 $0x1FCE  }
0x5a: {  	[hbm:s21], [sflag:s2] =	dma.local @p1 [spmem:s5], $0x1900  }
0x5b: {  	s2 =	simm.s32 @p1 $0xE  }
0x5c: {  	_ =	swait.ge @p1 [sflag:s2], $0x1900  }
0x5d: {  	s5 =	sld [smem:$0x7E7]  }
0x5e: {  	[sflag:s2] =	ssyncset.done @p1 $0x0;
	s6 =	sld [smem:$0x7E8]  }
0x5f: {  	[sflag:s2] =	ssyncadd.s32 @p1 $0xFFFFE700;
	s2 =	sld [smem:$0x7F5];
	_ =	sdelay $0x2  }
0x60: {  	[hbm:s2], [sflag:s6] =	dma.local @!p1 [spmem:s5], $0x2800  }
0x61: {  	s2 =	simm.s32 @!p1 $0xE  }
0x62: {  	_ =	swait.ge @!p1 [sflag:s2], $0x2800  }
0x63: {  	[sflag:s2] =	ssyncset.done @!p1 $0x0;
	s9 =	sld [smem:$0x7FC]  }
0x64: {  	s10 =	simm.s32 $0x280;
	s12 =	sld [smem:$0x7E6];
	[sflag:s2] =	ssyncadd.s32 @!p1 $0xFFFFD800  }
.LBB2_10:
0x65: {  	s2 =	sld [smem:$0x7F7];
	_ =	sdelay $0x1  }
0x66: {  	s12 =	sadd.s32 $0x1, s12  }
0x67: {  	p2 =	sne.s32 s12, s2  }
.Ltmp1:
0x68: {  	_ = 	snop;
	(pc) =	sbr.rel @!p2 .LBB2_11-.Ltmp1, $1  }
0x69: {  	_ =	sdelay $0x3  }
.LBB2_1:
0x6a: {  	s2 =	stileid.u32  }
0x6b: {  	s21 =	sshll.u32 @!p1 s2, $0x6;
	s2 =	sld [smem:$0x7F8];
	_ =	sdelay $0x2  }
.Ltmp2:
0x6c: {  	s26 =	sshrl.u32 @p1 s2, $0x3;
	s2 =	sld [smem:$0x7F0];
	(pc) =	sbr.rel @!p0 .LBB2_2-.Ltmp2, $4  }
0x6d: {  	[smem:$0x7E6] =	sst s12;
	s29 =	sor.u32 @!p1 $0x1C0E, s21  }
0x6e: {  	[smem:$0x7E8] =	sst s29  }
0x6f: {  	[smem:$0x7E9] =	sst s26;
	s30 =	sshrl.u32 @!p1 s2, $0x3  }
0x70: {  	s5 =	simm.s32 $0x480;
	[smem:$0x7E7] =	sst s30  }
0x71: {  	s2 =	rddreg [dreg:$0xc]  }
0x72: {  	[tilespmem:s1], [sflag:$0x1] =	stream.linear.gather [hbm4b:s2+s1], $0x68, $0x38;
	[tilespmem:$0x1EB80] =	vst v63  }
0x73: {  	s9 =	rddreg [dreg:$0xd];
	s6 =	simm.s32 $0x300  }
0x74: {  	[tilespmem:s6], [sflag:$0x1] =	stream.linear.gather [hbm4b:s9+s1], $0x68, $0x38;
	[tilespmem:$0x1EB80] =	vst v63  }
0x75: {  	s12 =	rddreg [dreg:$0xe];
	s28 =	simm.s32 $0x80  }
0x76: {  	[tilespmem:s28], [sflag:$0x2] =	stream.linear.gather [hbm4b:s12+s1], $0x68, $0x38;
	[tilespmem:$0x1EB80] =	vst v63  }
0x77: {  	s15 =	rddreg [dreg:$0xf];
	s21 =	simm.s32 $0x380  }
0x78: {  	[tilespmem:s21], [sflag:$0x2] =	stream.linear.gather [hbm4b:s15+s1], $0x68, $0x38;
	[tilespmem:$0x1EB80] =	vst v63  }
0x79: {  	s6 =	rddreg [dreg:$0x10];
	s12 =	smov.u32 s30;
	s30 =	simm.s32 $0x100  }
0x7a: {  	[tilespmem:s30], [sflag:$0x3] =	stream.linear.gather [hbm4b:s6+s1], $0x68, $0x38;
	[tilespmem:$0x1EB80] =	vst v63  }
0x7b: {  	s15 =	rddreg [dreg:$0x11];
	s21 =	simm.s32 $0x400  }
0x7c: {  	[tilespmem:s21], [sflag:$0x3] =	stream.linear.gather [hbm4b:s15+s1], $0x68, $0x38;
	[tilespmem:$0x1EB80] =	vst v63  }
0x7d: {  	s6 =	rddreg [dreg:$0x13]  }
0x7e: {  	[tilespmem:s31], [sflag:$0x4] =	stream.linear.gather [hbm4b:s6+s1], $0x68, $0x38;
	[tilespmem:$0x1EB80] =	vst v63  }
0x7f: {  	s15 =	rddreg [dreg:$0x14]  }
0x80: {  	[tilespmem:s5], [sflag:$0x4] =	stream.linear.gather [hbm4b:s15+s1], $0x68, $0x38;
	[tilespmem:$0x1EB80] =	vst v63  }
0x81: {  	s21 =	rddreg [dreg:$0x17];
	s5 =	simm.s32 $0x200  }
0x82: {  	[tilespmem:s5], [sflag:$0x5] =	stream.linear.gather [hbm4b:s21+s1], $0x68, $0x38;
	[tilespmem:$0x1EB80] =	vst v63  }
0x83: {  	s6 =	rddreg [dreg:$0x18];
	s15 =	simm.s32 $0x500  }
0x84: {  	[tilespmem:s15], [sflag:$0x5] =	stream.linear.gather [hbm4b:s6+s1], $0x68, $0x38;
	[tilespmem:$0x1EB80] =	vst v63  }
0x85: {  	s21 =	rddreg [dreg:$0x1b]  }
0x86: {  	[tilespmem:s10], [sflag:$0x6] =	stream.linear.gather [hbm4b:s21+s1], $0x68, $0x38;
	[tilespmem:$0x1EB80] =	vst v63  }
0x87: {  	s21 =	sld [smem:$0x7F2]  }
0x88: {  	s2 =	simm.s32 @p1 $0x1FCE;
	s6 =	rddreg [dreg:$0x1c];
	s10 =	simm.s32 $0x580  }
0x89: {  	[tilespmem:s10], [sflag:$0x6] =	stream.linear.gather [hbm4b:s6+s1], $0x68, $0x38;
	[tilespmem:$0x1EB80] =	vst v63  }
0x8a: {  	[spmem:s26], [sflag:s2] =	dma.local @p1 [hbm:s21], $0x1900  }
0x8b: {  	s2 =	simm.s32 @p1 $0xE  }
0x8c: {  	_ =	swait.ge @p1 [sflag:s2], $0x1900  }
0x8d: {  	[sflag:s2] =	ssyncset.done @p1 $0x0  }
0x8e: {  	[sflag:s2] =	ssyncadd.s32 @p1 $0xFFFFE700;
	s2 =	sld [smem:$0x7F1];
	_ =	sdelay $0x2  }
0x8f: {  	[spmem:s12], [sflag:s29] =	dma.local @!p1 [hbm:s2], $0x2800  }
0x90: {  	s2 =	simm.s32 @!p1 $0xE  }
0x91: {  	_ =	swait.ge @!p1 [sflag:s2], $0x2800  }
0x92: {  	[sflag:s2] =	ssyncset.done @!p1 $0x0  }
0x93: {  	[sflag:s2] =	ssyncadd.s32 @!p1 $0xFFFFD800  }
0x94: {  	[bflag:$0x0] =	sbarrier.arrive $0xFFFF  }
0x95: {  	_ =	swait.ge [sflag:s3], $0x68  }
0x96: {  	[sflag:s3] =	ssyncset.done $0x0  }
0x97: {  	[sflag:s3] =	ssyncadd.s32 $0xFFFFFF98  }
0x98: {  	_ =	swait.ge [sflag:s3], $0x68  }
0x99: {  	[sflag:s3] =	ssyncset.done $0x0  }
0x9a: {  	s21 =	simm.s32 $0x0;
	[sflag:s3] =	ssyncadd.s32 $0xFFFFFF98  }
0x9b: {  	[tilespmem:s17], [sflag:$0x7] =	stream.indirect.gather [hbm4b:s13+s4], $0x80, s21, s4, $0xb8;
	[tilespmem:$0x1EB80] =	vst v63  }
0x9c: {  	_ =	swait.ge [sflag:s16], $0x68  }
0x9d: {  	[sflag:s16] =	ssyncset.done $0x0  }
0x9e: {  	[sflag:s16] =	ssyncadd.s32 $0xFFFFFF98  }
0x9f: {  	_ =	swait.ge [sflag:s16], $0x68  }
0xa0: {  	[sflag:s16] =	ssyncset.done $0x0  }
0xa1: {  	s6 =	simm.s32 $0x3A00;
	[sflag:s16] =	ssyncadd.s32 $0xFFFFFF98  }
0xa2: {  	[tilespmem:s6], [sflag:$0x8] =	stream.indirect.gather [hbm4b:s13+s4], $0x80, s28, s4, $0xb8;
	[tilespmem:$0x1EB80] =	vst v63  }
0xa3: {  	_ =	swait.ge [sflag:s18], $0x3400  }
0xa4: {  	[sflag:s18] =	ssyncset.done $0x0  }
0xa5: {  	s9 =	smov.u32 s8;
	s12 =	simm.s32 $0x300;
	[sflag:s18] =	ssyncadd.s32 $0xFFFFCC00  }
0xa6: {  	[spmem:s9] =	stream.indirect.scatter.add.f32 [tilespmem:s17], [sflag:$0xA], $0x80, s12, s4, $0xb8;
	[tilespmem:$0x1EB80] =	vst v63  }
0xa7: {  	_ =	swait.ge [sflag:s0], $0x68  }
0xa8: {  	[sflag:s0] =	ssyncset.done $0x0  }
0xa9: {  	[sflag:s0] =	ssyncadd.s32 $0xFFFFFF98  }
0xaa: {  	_ =	swait.ge [sflag:s0], $0x68  }
0xab: {  	[sflag:s0] =	ssyncset.done $0x0  }
0xac: {  	s8 =	simm.s32 $0x6E00;
	[sflag:s0] =	ssyncadd.s32 $0xFFFFFF98  }
0xad: {  	[tilespmem:s8], [sflag:$0x9] =	stream.indirect.gather [hbm4b:s13+s4], $0x80, s30, s4, $0xb8;
	[tilespmem:$0x1EB80] =	vst v63  }
0xae: {  	_ =	swait.ge [sflag:s11], $0x3400  }
0xaf: {  	[sflag:s11] =	ssyncset.done $0x0  }
0xb0: {  	s26 =	simm.s32 $0x380;
	[sflag:s11] =	ssyncadd.s32 $0xFFFFCC00  }
0xb1: {  	[spmem:s9] =	stream.indirect.scatter.add.f32 [tilespmem:s6], [sflag:$0xB], $0x80, s26, s4, $0xb8;
	[tilespmem:$0x1EB80] =	vst v63  }
0xb2: {  	_ =	swait.ge [sflag:s14], $0x3400  }
0xb3: {  	[sflag:s14] =	ssyncset.done $0x0;
	s29 =	rddreg [dreg:$0x1f]  }
0xb4: {  	s30 =	sld [smem:$0x7EA];
	[sflag:s14] =	ssyncadd.s32 $0xFFFFCC00  }
0xb5: {  	[tilespmem:s21], [sflag:$0x1] =	stream.linear.gather [hbm4b:s29+s21], $0x68, $0x38;
	[tilespmem:$0x1EB80] =	vst v63  }
0xb6: {  	_ = 	snop  }
0xb7: {  	[tilespmem:s12], [sflag:$0x1] =	stream.linear.gather [hbm4b:s30+s21], $0x68, $0x38;
	[tilespmem:$0x1EB80] =	vst v63  }
0xb8: {  	_ =	swait.ge [sflag:s19], $0x68  }
0xb9: {  	[sflag:s19] =	ssyncset.done $0x0  }
0xba: {  	[sflag:s19] =	ssyncadd.s32 $0xFFFFFF98  }
0xbb: {  	_ =	swait.ge [sflag:s19], $0x68  }
0xbc: {  	s15 =	simm.s32 $0x6E00;
	s28 =	simm.s32 $0x0;
	[sflag:s19] =	ssyncset.done $0x0  }
0xbd: {  	s8 =	smov.u32 s9;
	s10 =	sld [smem:$0x7EF];
	[sflag:s19] =	ssyncadd.s32 $0xFFFFFF98  }
0xbe: {  	[tilespmem:s17], [sflag:$0x7] =	stream.indirect.gather [hbm4b:s13+s4], $0x80, s31, s4, $0xb8;
	[tilespmem:$0x1EB80] =	vst v63  }
.LBB2_7:
0xbf: {  	_ =	swait.ge [sflag:s20], $0x3400  }
0xc0: {  	[sflag:s20] =	ssyncset.done $0x0  }
0xc1: {  	s2 =	simm.s32 $0x400;
	[sflag:s20] =	ssyncadd.s32 $0xFFFFCC00  }
0xc2: {  	[spmem:s8] =	stream.indirect.scatter.add.f32 [tilespmem:s15], [sflag:$0xC], $0x80, s2, s4, $0xb8;
	[tilespmem:$0x1EB80] =	vst v63  }
0xc3: {  	p2 =	seq.s32 s21, $0x972;
	_ =	swait.ge [sflag:s25], $0x3400  }
0xc4: {  	s29 =	simm.s32 @!p2 $0x0;
	s2 =	sadd.s32 @!p2 s21, s10;
	[sflag:s25] =	ssyncset.done $0x0  }
0xc5: {  	s30 =	simm.s32 @!p2 $0x80;
	s26 =	sadd.s32 @!p2 $0x5B, s2;
	[sflag:s25] =	ssyncadd.s32 $0xFFFFCC00  }
0xc6: {  	[tilespmem:s30], [sflag:$0x2] =	stream.linear.gather @!p2 [hbm4b:s26+s29], $0x68, $0x38;
	[tilespmem:$0x1EB80] =	vst v63  }
0xc7: {  	s26 =	sadd.s32 @!p2 s21, s7  }
0xc8: {  	s31 =	simm.s32 @!p2 $0x380;
	s30 =	sadd.s32 @!p2 $0x5B, s26  }
0xc9: {  	[tilespmem:s31], [sflag:$0x2] =	stream.linear.gather @!p2 [hbm4b:s30+s29], $0x68, $0x38;
	[tilespmem:$0x1EB80] =	vst v63  }
0xca: {  	_ =	swait.ge [sflag:s22], $0x68  }
0xcb: {  	[sflag:s22] =	ssyncset.done $0x0  }
0xcc: {  	[sflag:s22] =	ssyncadd.s32 $0xFFFFFF98  }
0xcd: {  	_ =	swait.ge [sflag:s22], $0x68  }
0xce: {  	[sflag:s22] =	ssyncset.done $0x0  }
0xcf: {  	[sflag:s22] =	ssyncadd.s32 $0xFFFFFF98  }
0xd0: {  	[tilespmem:s6], [sflag:$0x8] =	stream.indirect.gather [hbm4b:s13+s4], $0x80, s5, s4, $0xb8;
	[tilespmem:$0x1EB80] =	vst v63  }
0xd1: {  	_ =	swait.ge [sflag:s18], $0x3400  }
0xd2: {  	[sflag:s18] =	ssyncset.done $0x0  }
0xd3: {  	s5 =	simm.s32 $0x480;
	[sflag:s18] =	ssyncadd.s32 $0xFFFFCC00  }
0xd4: {  	[spmem:s8] =	stream.indirect.scatter.add.f32 [tilespmem:s17], [sflag:$0xA], $0x80, s5, s4, $0xb8;
	[tilespmem:$0x1EB80] =	vst v63  }
0xd5: {  	_ =	swait.ge [sflag:s23], $0x3400  }
0xd6: {  	[sflag:s23] =	ssyncset.done $0x0  }
0xd7: {  	s2 =	sadd.s32 @!p2 $0x68, s2;
	s30 =	simm.s32 @!p2 $0x100;
	[sflag:s23] =	ssyncadd.s32 $0xFFFFCC00  }
0xd8: {  	[tilespmem:s30], [sflag:$0x3] =	stream.linear.gather @!p2 [hbm4b:s2+s29], $0x68, $0x38;
	[tilespmem:$0x1EB80] =	vst v63  }
0xd9: {  	s2 =	sadd.s32 @!p2 $0x68, s26;
	s26 =	simm.s32 @!p2 $0x400  }
0xda: {  	[tilespmem:s26], [sflag:$0x3] =	stream.linear.gather @!p2 [hbm4b:s2+s29], $0x68, $0x38;
	[tilespmem:$0x1EB80] =	vst v63  }
0xdb: {  	_ =	swait.ge [sflag:s24], $0x68  }
0xdc: {  	[sflag:s24] =	ssyncset.done $0x0  }
0xdd: {  	[sflag:s24] =	ssyncadd.s32 $0xFFFFFF98  }
0xde: {  	_ =	swait.ge [sflag:s24], $0x68  }
0xdf: {  	[sflag:s24] =	ssyncset.done $0x0  }
0xe0: {  	s12 =	simm.s32 $0x6E00;
	s17 =	simm.s32 $0x280;
	[sflag:s24] =	ssyncadd.s32 $0xFFFFFF98  }
0xe1: {  	[tilespmem:s12], [sflag:$0x9] =	stream.indirect.gather [hbm4b:s13+s4], $0x80, s17, s4, $0xb8;
	[tilespmem:$0x1EB80] =	vst v63  }
0xe2: {  	_ =	swait.ge [sflag:s11], $0x3400  }
0xe3: {  	s15 =	simm.s32 $0x3A00;
	[sflag:s11] =	ssyncset.done $0x0  }
.Ltmp3:
0xe4: {  	s30 =	simm.s32 $0x500;
	[sflag:s11] =	ssyncadd.s32 $0xFFFFCC00;
	(pc) =	sbr.rel @p2 .LBB2_13-.Ltmp3, $4  }
0xe5: {  	[spmem:s8] =	stream.indirect.scatter.add.f32 [tilespmem:s15], [sflag:$0xB], $0x80, s30, s4, $0xb8;
	[tilespmem:$0x1EB80] =	vst v63  }
0xe6: {  	_ =	swait.ge [sflag:s14], $0x3400  }
0xe7: {  	[sflag:s14] =	ssyncset.done $0x0  }
0xe8: {  	s9 =	simm.s32 $0x600;
	s6 =	simm.s32 $0x200;
	[sflag:s14] =	ssyncadd.s32 $0xFFFFCC00  }
0xe9: {  	s2 =	sadd.s32 s21, s10  }
0xea: {  	s31 =	simm.s32 $0x180;
	s26 =	sadd.s32 $0x75, s2  }
0xeb: {  	[tilespmem:s31], [sflag:$0x4] =	stream.linear.gather [hbm4b:s26+s1], $0x68, $0x38;
	[tilespmem:$0x1EB80] =	vst v63  }
0xec: {  	s26 =	sadd.s32 s21, s7  }
0xed: {  	s29 =	sadd.s32 $0x75, s26  }
0xee: {  	[tilespmem:s5], [sflag:$0x4] =	stream.linear.gather [hbm4b:s29+s1], $0x68, $0x38;
	[tilespmem:$0x1EB80] =	vst v63  }
0xef: {  	_ =	swait.ge [sflag:s3], $0x68  }
0xf0: {  	[sflag:s3] =	ssyncset.done $0x0  }
0xf1: {  	[sflag:s3] =	ssyncadd.s32 $0xFFFFFF98  }
0xf2: {  	_ =	swait.ge [sflag:s3], $0x68  }
0xf3: {  	[sflag:s3] =	ssyncset.done $0x0  }
0xf4: {  	[sflag:s3] =	ssyncadd.s32 $0xFFFFFF98  }
0xf5: {  	[tilespmem:s9], [sflag:$0x7] =	stream.indirect.gather [hbm4b:s13+s4], $0x80, s1, s4, $0xb8;
	[tilespmem:$0x1EB80] =	vst v63  }
0xf6: {  	_ =	swait.ge [sflag:s20], $0x3400  }
0xf7: {  	[sflag:s20] =	ssyncset.done $0x0  }
0xf8: {  	s5 =	simm.s32 $0x580;
	[sflag:s20] =	ssyncadd.s32 $0xFFFFCC00  }
0xf9: {  	[spmem:s8] =	stream.indirect.scatter.add.f32 [tilespmem:s12], [sflag:$0xC], $0x80, s5, s4, $0xb8;
	[tilespmem:$0x1EB80] =	vst v63  }
0xfa: {  	_ =	swait.ge [sflag:s25], $0x3400  }
0xfb: {  	[sflag:s25] =	ssyncset.done $0x0  }
0xfc: {  	s29 =	sadd.s32 $0x82, s2;
	[sflag:s25] =	ssyncadd.s32 $0xFFFFCC00  }
0xfd: {  	[tilespmem:s6], [sflag:$0x5] =	stream.linear.gather [hbm4b:s29+s1], $0x68, $0x38;
	[tilespmem:$0x1EB80] =	vst v63  }
0xfe: {  	s6 =	sadd.s32 $0x82, s26  }
0xff: {  	[tilespmem:s30], [sflag:$0x5] =	stream.linear.gather [hbm4b:s6+s1], $0x68, $0x38;
	[tilespmem:$0x1EB80] =	vst v63  }
0x100: {  	_ =	swait.ge [sflag:s16], $0x68  }
0x101: {  	[sflag:s16] =	ssyncset.done $0x0  }
0x102: {  	[sflag:s16] =	ssyncadd.s32 $0xFFFFFF98  }
0x103: {  	_ =	swait.ge [sflag:s16], $0x68  }
0x104: {  	[sflag:s16] =	ssyncset.done $0x0  }
0x105: {  	s30 =	simm.s32 $0x80;
	[sflag:s16] =	ssyncadd.s32 $0xFFFFFF98  }
0x106: {  	[tilespmem:s15], [sflag:$0x8] =	stream.indirect.gather [hbm4b:s13+s4], $0x80, s30, s4, $0xb8;
	[tilespmem:$0x1EB80] =	vst v63  }
0x107: {  	_ =	swait.ge [sflag:s18], $0x3400  }
0x108: {  	[sflag:s18] =	ssyncset.done $0x0  }
0x109: {  	s6 =	simm.s32 $0x300;
	[sflag:s18] =	ssyncadd.s32 $0xFFFFCC00  }
0x10a: {  	[spmem:s8] =	stream.indirect.scatter.add.f32 [tilespmem:s9], [sflag:$0xA], $0x80, s6, s4, $0xb8;
	[tilespmem:$0x1EB80] =	vst v63  }
0x10b: {  	_ =	swait.ge [sflag:s23], $0x3400  }
0x10c: {  	[sflag:s23] =	ssyncset.done $0x0  }
0x10d: {  	s2 =	sadd.s32 $0x8F, s2;
	[sflag:s23] =	ssyncadd.s32 $0xFFFFCC00  }
0x10e: {  	[tilespmem:s17], [sflag:$0x6] =	stream.linear.gather [hbm4b:s2+s1], $0x68, $0x38;
	[tilespmem:$0x1EB80] =	vst v63  }
0x10f: {  	s26 =	sadd.s32 $0x8F, s26  }
0x110: {  	[tilespmem:s5], [sflag:$0x6] =	stream.linear.gather [hbm4b:s26+s1], $0x68, $0x38;
	[tilespmem:$0x1EB80] =	vst v63  }
0x111: {  	_ =	swait.ge [sflag:s0], $0x68  }
0x112: {  	[sflag:s0] =	ssyncset.done $0x0  }
0x113: {  	[sflag:s0] =	ssyncadd.s32 $0xFFFFFF98  }
0x114: {  	_ =	swait.ge [sflag:s0], $0x68  }
0x115: {  	[sflag:s0] =	ssyncset.done $0x0  }
0x116: {  	s29 =	simm.s32 $0x100;
	[sflag:s0] =	ssyncadd.s32 $0xFFFFFF98  }
0x117: {  	[tilespmem:s12], [sflag:$0x9] =	stream.indirect.gather [hbm4b:s13+s4], $0x80, s29, s4, $0xb8;
	[tilespmem:$0x1EB80] =	vst v63  }
0x118: {  	_ =	swait.ge [sflag:s11], $0x3400  }
0x119: {  	[sflag:s11] =	ssyncset.done $0x0  }
0x11a: {  	s30 =	simm.s32 $0x380;
	[sflag:s11] =	ssyncadd.s32 $0xFFFFCC00  }
0x11b: {  	[spmem:s8] =	stream.indirect.scatter.add.f32 [tilespmem:s15], [sflag:$0xB], $0x80, s30, s4, $0xb8;
	[tilespmem:$0x1EB80] =	vst v63  }
0x11c: {  	p2 =	sgt.u32 s28, $0x1D;
	_ =	swait.ge [sflag:s14], $0x3400  }
0x11d: {  	s2 =	sadd.s32 @!p2 s21, s10;
	[sflag:s14] =	ssyncset.done $0x0  }
0x11e: {  	s2 =	sadd.s32 @!p2 $0x9C, s2;
	s26 =	simm.s32 @!p2 $0x0;
	[sflag:s14] =	ssyncadd.s32 $0xFFFFCC00  }
0x11f: {  	[tilespmem:s26], [sflag:$0x1] =	stream.linear.gather @!p2 [hbm4b:s2+s26], $0x68, $0x38;
	[tilespmem:$0x1EB80] =	vst v63  }
0x120: {  	s2 =	sadd.s32 @!p2 s21, s7  }
0x121: {  	s29 =	simm.s32 @!p2 $0x300;
	s2 =	sadd.s32 @!p2 $0x9C, s2  }
0x122: {  	[tilespmem:s29], [sflag:$0x1] =	stream.linear.gather @!p2 [hbm4b:s2+s26], $0x68, $0x38;
	[tilespmem:$0x1EB80] =	vst v63  }
0x123: {  	s21 =	sadd.s32 $0x4E, s21;
	_ =	swait.ge [sflag:s19], $0x68  }
0x124: {  	p2 =	sne.s32 s21, $0x9C0;
	[sflag:s19] =	ssyncset.done $0x0  }
.Ltmp4:
0x125: {  	[sflag:s19] =	ssyncadd.s32 $0xFFFFFF98;
	(pc) =	sbr.rel @p2 .LBB2_7-.Ltmp4, $4  }
.Ltmp5:
0x126: {  	s28 =	sadd.s32 $0x1, s28;
	_ =	swait.ge [sflag:s19], $0x68;
	(pc) =	sbr.rel @!p2 .LBB2_9-.Ltmp5, $4  }
0x127: {  	s6 =	simm.s32 $0x3A00;
	s17 =	simm.s32 $0x600;
	[sflag:s19] =	ssyncset.done $0x0  }
0x128: {  	s5 =	simm.s32 $0x200;
	s15 =	simm.s32 $0x6E00;
	[sflag:s19] =	ssyncadd.s32 $0xFFFFFF98  }
0x129: {  	[tilespmem:s9], [sflag:$0x7] =	stream.indirect.gather [hbm4b:s13+s4], $0x80, s31, s4, $0xb8;
	[tilespmem:$0x1EB80] =	vst v63  }
0x12a: {  	_ = 	snop  }
.LBB2_2:
0x12b: {  	s2 =	rddreg [dreg:$0x5]  }
0x12c: {  	s6 =	rddreg [dreg:$0x6]  }
0x12d: {  	[tilespmem:s1], [sflag:$0x1] =	stream.linear.gather [hbm4b:s2+s1], $0x68, $0x38;
	[tilespmem:$0x1EB80] =	vst v63  }
0x12e: {  	s12 =	simm.s32 $0x300;
	s7 =	rddreg [dreg:$0x7]  }
0x12f: {  	[tilespmem:s12], [sflag:$0x1] =	stream.linear.gather [hbm4b:s6+s1], $0x68, $0x38;
	[tilespmem:$0x1EB80] =	vst v63  }
0x130: {  	s28 =	simm.s32 $0x80;
	s13 =	rddreg [dreg:$0x8]  }
0x131: {  	[tilespmem:s28], [sflag:$0x2] =	stream.linear.gather [hbm4b:s7+s1], $0x68, $0x38;
	[tilespmem:$0x1EB80] =	vst v63  }
0x132: {  	s21 =	rddreg [dreg:$0x9];
	s7 =	simm.s32 $0x380  }
0x133: {  	[tilespmem:s7], [sflag:$0x2] =	stream.linear.gather [hbm4b:s13+s1], $0x68, $0x38;
	[tilespmem:$0x1EB80] =	vst v63  }
0x134: {  	s2 =	sld [smem:$0x7F2];
	s6 =	simm.s32 $0x100  }
0x135: {  	[tilespmem:s6], [sflag:$0x3] =	stream.linear.gather [hbm4b:s21+s1], $0x68, $0x38;
	[tilespmem:$0x1EB80] =	vst v63  }
0x136: {  	s13 =	rddreg [dreg:$0xa];
	s21 =	simm.s32 $0x400  }
0x137: {  	[tilespmem:s21], [sflag:$0x3] =	stream.linear.gather [hbm4b:s13+s1], $0x68, $0x38;
	[tilespmem:$0x1EB80] =	vst v63  }
0x138: {  	s13 =	rddreg [dreg:$0xb]  }
0x139: {  	[tilespmem:s31], [sflag:$0x4] =	stream.linear.gather [hbm4b:s13+s1], $0x68, $0x38;
	[tilespmem:$0x1EB80] =	vst v63  }
0x13a: {  	s21 =	rddreg [dreg:$0x12]  }
0x13b: {  	[tilespmem:s5], [sflag:$0x4] =	stream.linear.gather [hbm4b:s21+s1], $0x68, $0x38;
	[tilespmem:$0x1EB80] =	vst v63  }
0x13c: {  	s13 =	rddreg [dreg:$0x15];
	s21 =	simm.s32 $0x200  }
0x13d: {  	[tilespmem:s21], [sflag:$0x5] =	stream.linear.gather [hbm4b:s13+s1], $0x68, $0x38;
	[tilespmem:$0x1EB80] =	vst v63  }
0x13e: {  	s13 =	rddreg [dreg:$0x16];
	s21 =	simm.s32 $0x500  }
0x13f: {  	[tilespmem:s21], [sflag:$0x5] =	stream.linear.gather [hbm4b:s13+s1], $0x68, $0x38;
	[tilespmem:$0x1EB80] =	vst v63  }
0x140: {  	s5 =	rddreg [dreg:$0x19]  }
0x141: {  	[tilespmem:s10], [sflag:$0x6] =	stream.linear.gather [hbm4b:s5+s1], $0x68, $0x38;
	[tilespmem:$0x1EB80] =	vst v63  }
0x142: {  	s13 =	rddreg [dreg:$0x1a];
	s21 =	simm.s32 $0x580  }
0x143: {  	[tilespmem:s21], [sflag:$0x6] =	stream.linear.gather [hbm4b:s13+s1], $0x68, $0x38;
	[tilespmem:$0x1EB80] =	vst v63  }
0x144: {  	s21 =	simm.s32 @p1 $0x1FCE  }
0x145: {  	[spmem:s26], [sflag:s21] =	dma.local @p1 [hbm:s2], $0x1900  }
0x146: {  	s21 =	simm.s32 @p1 $0xE  }
0x147: {  	_ =	swait.ge @p1 [sflag:s21], $0x1900  }
0x148: {  	s2 =	sld [smem:$0x7F1]  }
0x149: {  	[sflag:s21] =	ssyncset.done @p1 $0x0  }
0x14a: {  	[sflag:s21] =	ssyncadd.s32 @p1 $0xFFFFE700;
	s21 =	simm.s32 @!p1 $0xE  }
0x14b: {  	[spmem:s30], [sflag:s29] =	dma.local @!p1 [hbm:s2], $0x2800  }
0x14c: {  	_ =	swait.ge @!p1 [sflag:s21], $0x2800  }
0x14d: {  	[sflag:s21] =	ssyncset.done @!p1 $0x0  }
0x14e: {  	[sflag:s21] =	ssyncadd.s32 @!p1 $0xFFFFD800  }
0x14f: {  	[bflag:$0x0] =	sbarrier.arrive $0xFFFF  }
0x150: {  	_ =	swait.ge [sflag:s3], $0x68  }
0x151: {  	[sflag:s3] =	ssyncset.done $0x0  }
0x152: {  	[sflag:s3] =	ssyncadd.s32 $0xFFFFFF98  }
0x153: {  	_ =	swait.ge [sflag:s3], $0x68  }
0x154: {  	[sflag:s3] =	ssyncset.done $0x0  }
0x155: {  	s21 =	simm.s32 $0x0;
	[sflag:s3] =	ssyncadd.s32 $0xFFFFFF98  }
0x156: {  	[tilespmem:s17], [sflag:$0x7] =	stream.indirect.gather [hbm4b:s9+s4], $0x80, s21, s4, $0xb8;
	[tilespmem:$0x1EB80] =	vst v63  }
0x157: {  	_ =	swait.ge [sflag:s16], $0x68  }
0x158: {  	[sflag:s16] =	ssyncset.done $0x0  }
0x159: {  	[sflag:s16] =	ssyncadd.s32 $0xFFFFFF98  }
0x15a: {  	_ =	swait.ge [sflag:s16], $0x68  }
0x15b: {  	[sflag:s16] =	ssyncset.done $0x0  }
0x15c: {  	s26 =	simm.s32 $0x3A00;
	[sflag:s16] =	ssyncadd.s32 $0xFFFFFF98  }
0x15d: {  	[tilespmem:s26], [sflag:$0x8] =	stream.indirect.gather [hbm4b:s9+s4], $0x80, s28, s4, $0xb8;
	[tilespmem:$0x1EB80] =	vst v63  }
0x15e: {  	_ =	swait.ge [sflag:s18], $0x3400  }
0x15f: {  	[sflag:s18] =	ssyncset.done $0x0  }
0x160: {  	[sflag:s18] =	ssyncadd.s32 $0xFFFFCC00  }
0x161: {  	[spmem:s8] =	stream.indirect.scatter.add.f32 [tilespmem:s17], [sflag:$0xA], $0x80, s12, s4, $0xb8;
	[tilespmem:$0x1EB80] =	vst v63  }
0x162: {  	_ =	swait.ge [sflag:s0], $0x68  }
0x163: {  	[sflag:s0] =	ssyncset.done $0x0  }
0x164: {  	[sflag:s0] =	ssyncadd.s32 $0xFFFFFF98  }
0x165: {  	_ =	swait.ge [sflag:s0], $0x68  }
0x166: {  	[sflag:s0] =	ssyncset.done $0x0  }
0x167: {  	[sflag:s0] =	ssyncadd.s32 $0xFFFFFF98  }
0x168: {  	[tilespmem:s15], [sflag:$0x9] =	stream.indirect.gather [hbm4b:s9+s4], $0x80, s6, s4, $0xb8;
	[tilespmem:$0x1EB80] =	vst v63  }
0x169: {  	_ =	swait.ge [sflag:s11], $0x3400  }
0x16a: {  	[sflag:s11] =	ssyncset.done $0x0  }
0x16b: {  	[sflag:s11] =	ssyncadd.s32 $0xFFFFCC00  }
0x16c: {  	[spmem:s8] =	stream.indirect.scatter.add.f32 [tilespmem:s26], [sflag:$0xB], $0x80, s7, s4, $0xb8;
	[tilespmem:$0x1EB80] =	vst v63  }
0x16d: {  	_ =	swait.ge [sflag:s14], $0x3400  }
0x16e: {  	[sflag:s14] =	ssyncset.done $0x0  }
0x16f: {  	s29 =	rddreg [dreg:$0x1d];
	[sflag:s14] =	ssyncadd.s32 $0xFFFFCC00  }
0x170: {  	[tilespmem:s21], [sflag:$0x1] =	stream.linear.gather [hbm4b:s29+s21], $0x68, $0x38;
	[tilespmem:$0x1EB80] =	vst v63  }
0x171: {  	s30 =	rddreg [dreg:$0x1e]  }
0x172: {  	[tilespmem:s12], [sflag:$0x1] =	stream.linear.gather [hbm4b:s30+s21], $0x68, $0x38;
	[tilespmem:$0x1EB80] =	vst v63  }
0x173: {  	_ =	swait.ge [sflag:s19], $0x68  }
0x174: {  	[sflag:s19] =	ssyncset.done $0x0  }
0x175: {  	[sflag:s19] =	ssyncadd.s32 $0xFFFFFF98  }
0x176: {  	_ =	swait.ge [sflag:s19], $0x68  }
0x177: {  	[sflag:s19] =	ssyncset.done $0x0;
	s5 =	sld [smem:$0x7F9]  }
0x178: {  	s28 =	simm.s32 $0x0;
	s6 =	sld [smem:$0x7FA];
	[sflag:s19] =	ssyncadd.s32 $0xFFFFFF98  }
0x179: {  	[tilespmem:s17], [sflag:$0x7] =	stream.indirect.gather [hbm4b:s9+s4], $0x80, s31, s4, $0xb8;
	[tilespmem:$0x1EB80] =	vst v63  }
.LBB2_3:
0x17a: {  	_ =	swait.ge [sflag:s20], $0x3400  }
0x17b: {  	[sflag:s20] =	ssyncset.done $0x0  }
0x17c: {  	s2 =	simm.s32 $0x400;
	[sflag:s20] =	ssyncadd.s32 $0xFFFFCC00  }
0x17d: {  	[spmem:s8] =	stream.indirect.scatter.add.f32 [tilespmem:s15], [sflag:$0xC], $0x80, s2, s4, $0xb8;
	[tilespmem:$0x1EB80] =	vst v63  }
0x17e: {  	p2 =	seq.s32 s21, $0x972;
	_ =	swait.ge [sflag:s25], $0x3400  }
0x17f: {  	s29 =	sadd.s32 @!p2 s21, s6;
	s31 =	simm.s32 @!p2 $0x0;
	[sflag:s25] =	ssyncset.done $0x0  }
0x180: {  	s30 =	sadd.s32 @!p2 $0x5B, s29;
	s2 =	simm.s32 @!p2 $0x80;
	[sflag:s25] =	ssyncadd.s32 $0xFFFFCC00  }
0x181: {  	[tilespmem:s2], [sflag:$0x2] =	stream.linear.gather @!p2 [hbm4b:s30+s31], $0x68, $0x38;
	[tilespmem:$0x1EB80] =	vst v63  }
0x182: {  	s2 =	sadd.s32 @!p2 s21, s5  }
0x183: {  	s26 =	simm.s32 @!p2 $0x380;
	s30 =	sadd.s32 @!p2 $0x5B, s2  }
0x184: {  	[tilespmem:s26], [sflag:$0x2] =	stream.linear.gather @!p2 [hbm4b:s30+s31], $0x68, $0x38;
	[tilespmem:$0x1EB80] =	vst v63  }
0x185: {  	_ =	swait.ge [sflag:s22], $0x68  }
0x186: {  	[sflag:s22] =	ssyncset.done $0x0  }
0x187: {  	[sflag:s22] =	ssyncadd.s32 $0xFFFFFF98  }
0x188: {  	_ =	swait.ge [sflag:s22], $0x68  }
0x189: {  	[sflag:s22] =	ssyncset.done $0x0  }
0x18a: {  	s7 =	simm.s32 $0x200;
	s15 =	simm.s32 $0x3A00;
	[sflag:s22] =	ssyncadd.s32 $0xFFFFFF98  }
0x18b: {  	[tilespmem:s15], [sflag:$0x8] =	stream.indirect.gather [hbm4b:s9+s4], $0x80, s7, s4, $0xb8;
	[tilespmem:$0x1EB80] =	vst v63  }
0x18c: {  	_ =	swait.ge [sflag:s18], $0x3400  }
0x18d: {  	[sflag:s18] =	ssyncset.done $0x0  }
0x18e: {  	s30 =	simm.s32 $0x480;
	[sflag:s18] =	ssyncadd.s32 $0xFFFFCC00  }
0x18f: {  	[spmem:s8] =	stream.indirect.scatter.add.f32 [tilespmem:s17], [sflag:$0xA], $0x80, s30, s4, $0xb8;
	[tilespmem:$0x1EB80] =	vst v63  }
0x190: {  	_ =	swait.ge [sflag:s23], $0x3400  }
0x191: {  	[sflag:s23] =	ssyncset.done $0x0  }
0x192: {  	s26 =	sadd.s32 @!p2 $0x68, s29;
	s29 =	simm.s32 @!p2 $0x100;
	[sflag:s23] =	ssyncadd.s32 $0xFFFFCC00  }
0x193: {  	[tilespmem:s29], [sflag:$0x3] =	stream.linear.gather @!p2 [hbm4b:s26+s31], $0x68, $0x38;
	[tilespmem:$0x1EB80] =	vst v63  }
0x194: {  	s2 =	sadd.s32 @!p2 $0x68, s2;
	s26 =	simm.s32 @!p2 $0x400  }
0x195: {  	[tilespmem:s26], [sflag:$0x3] =	stream.linear.gather @!p2 [hbm4b:s2+s31], $0x68, $0x38;
	[tilespmem:$0x1EB80] =	vst v63  }
0x196: {  	_ =	swait.ge [sflag:s24], $0x68  }
0x197: {  	[sflag:s24] =	ssyncset.done $0x0  }
0x198: {  	[sflag:s24] =	ssyncadd.s32 $0xFFFFFF98  }
0x199: {  	_ =	swait.ge [sflag:s24], $0x68  }
0x19a: {  	[sflag:s24] =	ssyncset.done $0x0  }
0x19b: {  	s12 =	simm.s32 $0x6E00;
	[sflag:s24] =	ssyncadd.s32 $0xFFFFFF98  }
0x19c: {  	[tilespmem:s12], [sflag:$0x9] =	stream.indirect.gather [hbm4b:s9+s4], $0x80, s10, s4, $0xb8;
	[tilespmem:$0x1EB80] =	vst v63  }
0x19d: {  	_ =	swait.ge [sflag:s11], $0x3400  }
0x19e: {  	[sflag:s11] =	ssyncset.done $0x0  }
.Ltmp6:
0x19f: {  	s10 =	simm.s32 $0x500;
	[sflag:s11] =	ssyncadd.s32 $0xFFFFCC00;
	(pc) =	sbr.rel @p2 .LBB2_12-.Ltmp6, $4  }
0x1a0: {  	[spmem:s8] =	stream.indirect.scatter.add.f32 [tilespmem:s15], [sflag:$0xB], $0x80, s10, s4, $0xb8;
	[tilespmem:$0x1EB80] =	vst v63  }
0x1a1: {  	_ =	swait.ge [sflag:s14], $0x3400  }
0x1a2: {  	[sflag:s14] =	ssyncset.done $0x0  }
0x1a3: {  	s13 =	simm.s32 $0x600;
	s17 =	simm.s32 $0x280;
	[sflag:s14] =	ssyncadd.s32 $0xFFFFCC00  }
0x1a4: {  	s2 =	sadd.s32 s21, s6  }
0x1a5: {  	s31 =	simm.s32 $0x180;
	s26 =	sadd.s32 $0x75, s2  }
0x1a6: {  	[tilespmem:s31], [sflag:$0x4] =	stream.linear.gather [hbm4b:s26+s1], $0x68, $0x38;
	[tilespmem:$0x1EB80] =	vst v63  }
0x1a7: {  	s26 =	sadd.s32 s21, s5  }
0x1a8: {  	s29 =	sadd.s32 $0x75, s26  }
0x1a9: {  	[tilespmem:s30], [sflag:$0x4] =	stream.linear.gather [hbm4b:s29+s1], $0x68, $0x38;
	[tilespmem:$0x1EB80] =	vst v63  }
0x1aa: {  	_ =	swait.ge [sflag:s3], $0x68  }
0x1ab: {  	[sflag:s3] =	ssyncset.done $0x0  }
0x1ac: {  	[sflag:s3] =	ssyncadd.s32 $0xFFFFFF98  }
0x1ad: {  	_ =	swait.ge [sflag:s3], $0x68  }
0x1ae: {  	[sflag:s3] =	ssyncset.done $0x0  }
0x1af: {  	[sflag:s3] =	ssyncadd.s32 $0xFFFFFF98  }
0x1b0: {  	[tilespmem:s13], [sflag:$0x7] =	stream.indirect.gather [hbm4b:s9+s4], $0x80, s1, s4, $0xb8;
	[tilespmem:$0x1EB80] =	vst v63  }
0x1b1: {  	_ =	swait.ge [sflag:s20], $0x3400  }
0x1b2: {  	[sflag:s20] =	ssyncset.done $0x0  }
0x1b3: {  	s30 =	simm.s32 $0x580;
	[sflag:s20] =	ssyncadd.s32 $0xFFFFCC00  }
0x1b4: {  	[spmem:s8] =	stream.indirect.scatter.add.f32 [tilespmem:s12], [sflag:$0xC], $0x80, s30, s4, $0xb8;
	[tilespmem:$0x1EB80] =	vst v63  }
0x1b5: {  	_ =	swait.ge [sflag:s25], $0x3400  }
0x1b6: {  	[sflag:s25] =	ssyncset.done $0x0  }
0x1b7: {  	s29 =	sadd.s32 $0x82, s2;
	[sflag:s25] =	ssyncadd.s32 $0xFFFFCC00  }
0x1b8: {  	[tilespmem:s7], [sflag:$0x5] =	stream.linear.gather [hbm4b:s29+s1], $0x68, $0x38;
	[tilespmem:$0x1EB80] =	vst v63  }
0x1b9: {  	s7 =	sadd.s32 $0x82, s26  }
0x1ba: {  	[tilespmem:s10], [sflag:$0x5] =	stream.linear.gather [hbm4b:s7+s1], $0x68, $0x38;
	[tilespmem:$0x1EB80] =	vst v63  }
0x1bb: {  	_ =	swait.ge [sflag:s16], $0x68  }
0x1bc: {  	[sflag:s16] =	ssyncset.done $0x0  }
0x1bd: {  	[sflag:s16] =	ssyncadd.s32 $0xFFFFFF98  }
0x1be: {  	_ =	swait.ge [sflag:s16], $0x68  }
0x1bf: {  	[sflag:s16] =	ssyncset.done $0x0  }
0x1c0: {  	s7 =	simm.s32 $0x80;
	[sflag:s16] =	ssyncadd.s32 $0xFFFFFF98  }
0x1c1: {  	[tilespmem:s15], [sflag:$0x8] =	stream.indirect.gather [hbm4b:s9+s4], $0x80, s7, s4, $0xb8;
	[tilespmem:$0x1EB80] =	vst v63  }
0x1c2: {  	_ =	swait.ge [sflag:s18], $0x3400  }
0x1c3: {  	[sflag:s18] =	ssyncset.done $0x0  }
0x1c4: {  	s10 =	simm.s32 $0x300;
	[sflag:s18] =	ssyncadd.s32 $0xFFFFCC00  }
0x1c5: {  	[spmem:s8] =	stream.indirect.scatter.add.f32 [tilespmem:s13], [sflag:$0xA], $0x80, s10, s4, $0xb8;
	[tilespmem:$0x1EB80] =	vst v63  }
0x1c6: {  	_ =	swait.ge [sflag:s23], $0x3400  }
0x1c7: {  	[sflag:s23] =	ssyncset.done $0x0  }
0x1c8: {  	s2 =	sadd.s32 $0x8F, s2;
	[sflag:s23] =	ssyncadd.s32 $0xFFFFCC00  }
0x1c9: {  	[tilespmem:s17], [sflag:$0x6] =	stream.linear.gather [hbm4b:s2+s1], $0x68, $0x38;
	[tilespmem:$0x1EB80] =	vst v63  }
0x1ca: {  	s26 =	sadd.s32 $0x8F, s26  }
0x1cb: {  	[tilespmem:s30], [sflag:$0x6] =	stream.linear.gather [hbm4b:s26+s1], $0x68, $0x38;
	[tilespmem:$0x1EB80] =	vst v63  }
0x1cc: {  	_ =	swait.ge [sflag:s0], $0x68  }
0x1cd: {  	[sflag:s0] =	ssyncset.done $0x0  }
0x1ce: {  	[sflag:s0] =	ssyncadd.s32 $0xFFFFFF98  }
0x1cf: {  	_ =	swait.ge [sflag:s0], $0x68  }
0x1d0: {  	[sflag:s0] =	ssyncset.done $0x0  }
0x1d1: {  	s29 =	simm.s32 $0x100;
	[sflag:s0] =	ssyncadd.s32 $0xFFFFFF98  }
0x1d2: {  	[tilespmem:s12], [sflag:$0x9] =	stream.indirect.gather [hbm4b:s9+s4], $0x80, s29, s4, $0xb8;
	[tilespmem:$0x1EB80] =	vst v63  }
0x1d3: {  	_ =	swait.ge [sflag:s11], $0x3400  }
0x1d4: {  	[sflag:s11] =	ssyncset.done $0x0  }
0x1d5: {  	s30 =	simm.s32 $0x380;
	[sflag:s11] =	ssyncadd.s32 $0xFFFFCC00  }
0x1d6: {  	[spmem:s8] =	stream.indirect.scatter.add.f32 [tilespmem:s15], [sflag:$0xB], $0x80, s30, s4, $0xb8;
	[tilespmem:$0x1EB80] =	vst v63  }
0x1d7: {  	p2 =	sgt.u32 s28, $0x1D;
	_ =	swait.ge [sflag:s14], $0x3400  }
0x1d8: {  	s2 =	sadd.s32 @!p2 s21, s6;
	[sflag:s14] =	ssyncset.done $0x0  }
0x1d9: {  	s2 =	sadd.s32 @!p2 $0x9C, s2;
	s26 =	simm.s32 @!p2 $0x0;
	[sflag:s14] =	ssyncadd.s32 $0xFFFFCC00  }
0x1da: {  	[tilespmem:s26], [sflag:$0x1] =	stream.linear.gather @!p2 [hbm4b:s2+s26], $0x68, $0x38;
	[tilespmem:$0x1EB80] =	vst v63  }
0x1db: {  	s2 =	sadd.s32 @!p2 s21, s5  }
0x1dc: {  	s29 =	simm.s32 @!p2 $0x300;
	s2 =	sadd.s32 @!p2 $0x9C, s2  }
0x1dd: {  	[tilespmem:s29], [sflag:$0x1] =	stream.linear.gather @!p2 [hbm4b:s2+s26], $0x68, $0x38;
	[tilespmem:$0x1EB80] =	vst v63  }
0x1de: {  	s21 =	sadd.s32 $0x4E, s21;
	_ =	swait.ge [sflag:s19], $0x68  }
0x1df: {  	p2 =	sne.s32 s21, $0x9C0;
	[sflag:s19] =	ssyncset.done $0x0  }
.Ltmp7:
0x1e0: {  	[sflag:s19] =	ssyncadd.s32 $0xFFFFFF98;
	(pc) =	sbr.rel @p2 .LBB2_3-.Ltmp7, $4  }
.Ltmp8:
0x1e1: {  	_ =	swait.ge [sflag:s19], $0x68;
	(pc) =	sbr.rel @!p2 .LBB2_5-.Ltmp8, $4  }
0x1e2: {  	s28 =	sadd.s32 $0x1, s28;
	s10 =	simm.s32 $0x280;
	[sflag:s19] =	ssyncset.done $0x0  }
0x1e3: {  	s17 =	simm.s32 $0x600;
	s15 =	simm.s32 $0x6E00;
	[sflag:s19] =	ssyncadd.s32 $0xFFFFFF98  }
0x1e4: {  	[tilespmem:s13], [sflag:$0x7] =	stream.indirect.gather [hbm4b:s9+s4], $0x80, s31, s4, $0xb8;
	[tilespmem:$0x1EB80] =	vst v63  }
0x1e5: {  	_ = 	snop  }
.LBB2_12:
0x1e6: {  	_ =	swait.ge [sflag:s20], $0x3400  }
0x1e7: {  	[sflag:s20] =	ssyncset.done $0x0  }
0x1e8: {  	s2 =	simm.s32 $0x580;
	[sflag:s20] =	ssyncadd.s32 $0xFFFFCC00  }
0x1e9: {  	[spmem:s8] =	stream.indirect.scatter.add.f32 [tilespmem:s12], [sflag:$0xC], $0x80, s2, s4, $0xb8;
	[tilespmem:$0x1EB80] =	vst v63  }
0x1ea: {  	_ =	swait.ge [sflag:s25], $0x3400  }
0x1eb: {  	[sflag:s25] =	ssyncset.done $0x0  }
0x1ec: {  	[sflag:s25] =	ssyncadd.s32 $0xFFFFCC00  }
0x1ed: {  	_ =	swait.ge [sflag:s23], $0x3400  }
0x1ee: {  	s31 =	simm.s32 $0x180;
	s10 =	simm.s32 $0x280;
	[sflag:s23] =	ssyncset.done $0x0  }
0x1ef: {  	s17 =	simm.s32 $0x600;
	s15 =	simm.s32 $0x6E00;
	[sflag:s23] =	ssyncadd.s32 $0xFFFFCC00  }
.LBB2_5:
0x1f0: {  	s2 =	sld [smem:$0x7EB];
	_ =	sdelay $0x1  }
0x1f1: {  	s7 =	simm.s32 $0xA200;
	s28 =	sld [smem:$0x7EC]  }
0x1f2: {  	[tilespmem:s7], [sflag:$0xD] =	stream.linear.gather [hbm4b:s2+s1], $0x20, $0x38;
	[tilespmem:$0x1EB80] =	vst v63  }
0x1f3: {  	s12 =	simm.s32 $0xA280;
	s29 =	simm.s32 $0xD  }
0x1f4: {  	[tilespmem:s12], [sflag:$0xD] =	stream.linear.gather [hbm4b:s28+s1], $0x20, $0x38;
	[tilespmem:$0x1EB80] =	vst v63  }
0x1f5: {  	_ =	swait.ge [sflag:s29], $0x20  }
0x1f6: {  	[sflag:s29] =	ssyncset.done $0x0  }
0x1f7: {  	[sflag:s29] =	ssyncadd.s32 $0xFFFFFFE0  }
0x1f8: {  	_ =	swait.ge [sflag:s29], $0x20  }
0x1f9: {  	[sflag:s29] =	ssyncset.done $0x0  }
0x1fa: {  	s13 =	simm.s32 $0x20;
	s21 =	simm.s32 $0xA300;
	[sflag:s29] =	ssyncadd.s32 $0xFFFFFFE0  }
0x1fb: {  	[tilespmem:s21], [sflag:$0xD] =	stream.indirect.gather [hbm4b:s9+s13], $0x80, s7, s13, $0xb8;
	[tilespmem:$0x1EB80] =	vst v63  }
0x1fc: {  	_ =	swait.ge [sflag:s29], $0x1000  }
0x1fd: {  	[sflag:s29] =	ssyncset.done $0x0  }
0x1fe: {  	s30 =	simm.s32 $0xE;
	[sflag:s29] =	ssyncadd.s32 $0xFFFFF000  }
0x1ff: {  	[spmem:s8] =	stream.indirect.scatter.add.f32 [tilespmem:s21], [sflag:$0xE], $0x80, s12, s13, $0xb8;
	[tilespmem:$0x1EB80] =	vst v63  }
0x200: {  	_ =	swait.ge [sflag:s30], $0x1000  }
0x201: {  	[sflag:s30] =	ssyncset.done $0x0  }
0x202: {  	[sflag:s30] =	ssyncadd.s32 $0xFFFFF000  }
0x203: {  	[bflag:$0x0] =	sbarrier.arrive $0xFFFF  }
0x204: {  	s21 =	sld [smem:$0x7F4]  }
0x205: {  	s7 =	sld [smem:$0x7E9];
	_ =	sdelay $0x1  }
0x206: {  	s2 =	simm.s32 @p1 $0x1FCE  }
0x207: {  	[hbm:s21], [sflag:s2] =	dma.local @p1 [spmem:s7], $0x1900  }
0x208: {  	s2 =	simm.s32 @p1 $0xE  }
0x209: {  	_ =	swait.ge @p1 [sflag:s2], $0x1900  }
0x20a: {  	s7 =	sld [smem:$0x7E7]  }
0x20b: {  	[sflag:s2] =	ssyncset.done @p1 $0x0;
	s12 =	sld [smem:$0x7E8]  }
0x20c: {  	[sflag:s2] =	ssyncadd.s32 @p1 $0xFFFFE700;
	s2 =	sld [smem:$0x7F3];
	_ =	sdelay $0x2  }
0x20d: {  	[hbm:s2], [sflag:s12] =	dma.local @!p1 [spmem:s7], $0x2800  }
.Ltmp9:
0x20e: {  	s2 =	simm.s32 @!p1 $0xE;
	(pc) =	sbr.rel .LBB2_10-.Ltmp9, $4  }
0x20f: {  	_ =	swait.ge @!p1 [sflag:s2], $0x2800  }
0x210: {  	s7 =	sld [smem:$0x7FB]  }
0x211: {  	[sflag:s2] =	ssyncset.done @!p1 $0x0;
	s13 =	sld [smem:$0x7FD]  }
0x212: {  	s12 =	sld [smem:$0x7E6];
	[sflag:s2] =	ssyncadd.s32 @!p1 $0xFFFFD800  }
.LBB2_11:
0x213: {  	_ =	sfence.sel $0x180000  }
0x214: {  	[bflag:$0x0] =	sbarrier.arrive $0xFFFF  }
0x215: {  	_ =	strace $0x90000047  }
0x216: {  	s0 =	stileid.u32;
	[bflag:$0x2] =	sbarrier.arrive $0xFFFF  }
0x217: {  	p0 =	sne.s32 s0, $0x0;
	s0 =	rddreg [dreg:$0x4]  }
0x218: {  	s0 =	sadd.s32 @!p0 $0x100000, s0  }
0x219: {  	[sflag:s0] =	ssyncadd.tile.s32 @!p0 $0x1;
	_ =	shalt  }
.Lfunc_end2:
_tile_overlayer_lowered:
.L_overlay_start_2:
0x21a: {  	(tag) =	ssettag $0x2  }
0x21b: {  	s0 =	rddreg [dreg:$0x0];
	s2 =	stileid.u32  }
0x21c: {  	s1 =	rddreg [dreg:$0x1];
	p0 =	sne.s32 s2, $0x0  }
0x21d: {  	s3 =	rddreg [dreg:$0x2];
	[bflag:$0x3] =	sbarrier.arrive $0xFFFF;
	s2 =	simm.s32 @!p0 $0x1C0E  }
0x21e: {  	[timem:s3], [sflag:s2] =	dma.local @!p0 [hbm:s0], s1  }
0x21f: {  	s0 =	simm.s32 @!p0 $0xE  }
0x220: {  	_ =	swait.ge @!p0 [sflag:s0], s1  }
0x221: {  	s1 =	ssub.s32 @!p0 $0x0, s1;
	[sflag:s0] =	ssyncset.done @!p0 $0x0  }
0x222: {  	[sflag:s0] =	ssyncadd.s32 @!p0 s1  }
0x223: {  	[bflag:$0x3] =	sbarrier.arrive $0xFFFF  }
0x224: {  	_ =	shalt  }

</sc_bundles>
